<compile_context>
chip_gen: v7x
topology: tpu7x:2x2x1
jax: 0.10.2.dev20260603
libtpu: 0.0.44.dev20260713+nightly
codegen_flags: <defaults>
</compile_context>

<pallas_src>
import functools

import jax
import jax.numpy as jnp
from jax import lax
from jax.experimental import pallas as pl
from jax.experimental.pallas import tpu as pltpu
from jax.experimental.pallas import tpu_sc as plsc

NC = 2
NS = 16
L = 16
NW = NC * NS



def _head_body(x_ref, w_ref, asr_ref, adr_ref, h_ref, as_ref, ad_ref,
               m_ref, ws_ref):
    h = jnp.dot(x_ref[...], w_ref[...], preferred_element_type=jnp.float32)
    h_ref[...] = h
    as_ = jnp.sum(h * asr_ref[...], axis=1, keepdims=True)
    ad_ = jnp.sum(h * adr_ref[...], axis=1, keepdims=True)
    as_ref[...] = as_
    ad_ref[...] = ad_
    m = jnp.max(as_) + jnp.max(ad_)
    m = jnp.where(m >= 0.0, m, 0.2 * m)
    m_ref[...] = jnp.full((1, L), m, jnp.float32)
    y = as_ + ad_
    z = jnp.maximum(y, 0.2 * y)
    ws_ref[...] = jnp.exp(z - m)


def _head(x, W, a_src, a_dst):
    N, D = x.shape
    f32 = jnp.float32
    return pl.pallas_call(
        _head_body,
        out_shape=[
            jax.ShapeDtypeStruct((N, D), f32),
            jax.ShapeDtypeStruct((N, 1), f32),
            jax.ShapeDtypeStruct((N, 1), f32),
            jax.ShapeDtypeStruct((1, L), f32),
            jax.ShapeDtypeStruct((N, 1), f32),
        ],
    )(x, W, a_src.reshape(1, D), a_dst.reshape(1, D))



def _combine_body(acc_ref, dent_ref, h_ref, ws_ref, b_ref, o_ref, *, act, D):
    ws = ws_ref[...]
    N = ws_ref.shape[0]
    num = acc_ref[0, :N, :] + acc_ref[1, :N, :] + ws * h_ref[...]
    den = jnp.sum(dent_ref[...], axis=1, keepdims=True) + ws
    out = num / (den + 1e-16) + b_ref[...]
    if act == "relu":
        out = jnp.maximum(out, 0.0)
    else:
        mx = jnp.max(out, axis=1, keepdims=True)
        sh = out - mx
        out = sh - jnp.log(jnp.sum(jnp.exp(sh), axis=1, keepdims=True))
    o_ref[...] = out


def _combine(acc, den_parts, h, ws, b, act):
    N, D = h.shape
    den_t = den_parts.T
    return pl.pallas_call(
        functools.partial(_combine_body, act=act, D=D),
        out_shape=jax.ShapeDtypeStruct((N, D), jnp.float32),
    )(acc, den_t, h, ws, b.reshape(1, D))



NBUF = 3


def _sc_body(src_hbm, dst_hbm, as_hbm, ad_hbm, m_hbm, h_hbm, z_hbm, zn_hbm,
             acc_out, den_out, m_v, den_v, *rings, N, NP, D, E, C):
    RPT = NP // NS
    EPW = E // NW
    NCHUNK = EPW // C
    sidx_r = rings[0:NBUF]
    didx_r = rings[NBUF:2 * NBUF]
    av_r = rings[2 * NBUF:3 * NBUF]
    dv_r = rings[3 * NBUF:4 * NBUF]
    w_r = rings[4 * NBUF:5 * NBUF]
    dscat_r = rings[5 * NBUF:6 * NBUF]
    grows = rings[6 * NBUF:7 * NBUF]
    acc_sh = rings[7 * NBUF]
    sem_i = rings[7 * NBUF + 1:8 * NBUF + 1]
    sem_g = rings[8 * NBUF + 1:9 * NBUF + 1]
    sem_s = rings[9 * NBUF + 1:10 * NBUF + 1]

    c = lax.axis_index("c")
    s = lax.axis_index("s")
    wid = s * NC + c
    base = wid * EPW

    pltpu.sync_copy(m_hbm, m_v)
    pltpu.sync_copy(zn_hbm, den_v)
    pltpu.sync_copy(z_hbm, acc_sh.at[pl.ds(s * RPT, RPT)])
    plsc.subcore_barrier()
    mvec = m_v[...]

    def issue_idx(g, b):
        pltpu.async_copy(src_hbm.at[pl.ds(base + g * C, C)], sidx_r[b],
                         sem_i[b])
        pltpu.async_copy(dst_hbm.at[pl.ds(base + g * C, C)], didx_r[b],
                         sem_i[b])

    def wait_idx(g, b):
        pltpu.make_async_copy(src_hbm.at[pl.ds(base + g * C, C)], sidx_r[b],
                              sem_i[b]).wait()
        pltpu.make_async_copy(dst_hbm.at[pl.ds(base + g * C, C)], didx_r[b],
                              sem_i[b]).wait()

    def issue_gather(b):
        pltpu.async_copy(h_hbm.at[sidx_r[b]], grows[b], sem_g[b])
        pltpu.async_copy(as_hbm.at[sidx_r[b]], av_r[b], sem_g[b])
        pltpu.async_copy(ad_hbm.at[didx_r[b]], dv_r[b], sem_g[b])

    def wait_gather(b):
        pltpu.make_async_copy(h_hbm.at[sidx_r[b]], grows[b], sem_g[b]).wait()
        pltpu.make_async_copy(as_hbm.at[sidx_r[b]], av_r[b], sem_g[b]).wait()
        pltpu.make_async_copy(ad_hbm.at[didx_r[b]], dv_r[b], sem_g[b]).wait()

    def scatter_desc(b):
        return pltpu.make_async_copy(grows[b], acc_sh.at[dscat_r[b]],
                                     sem_s[b])

    issue_idx(0, 0)
    issue_idx(1, 1)
    wait_idx(0, 0)
    issue_gather(0)

    def outer(o, carry):
        for b in range(NBUF):
            g = o * NBUF + b
            b1 = (b + 1) % NBUF
            b2 = (b + 2) % NBUF

            @pl.when(g + 2 < NCHUNK)
            def _():
                issue_idx(g + 2, b2)

            @pl.when(g + 1 < NCHUNK)
            def _():
                wait_idx(g + 1, b1)

            @pl.when((g >= 2) & (g + 1 < NCHUNK))
            def _():
                scatter_desc(b1).wait()

            @pl.when(g + 1 < NCHUNK)
            def _():
                issue_gather(b1)

            @pl.when(g < NCHUNK)
            def _():
                wait_gather(b)
                for k in range(C // L):
                    a = av_r[b][pl.ds(k * L, L)]
                    d = dv_r[b][pl.ds(k * L, L)]
                    di = didx_r[b][pl.ds(k * L, L)]
                    y = a + d
                    z = jnp.maximum(y, 0.2 * y)
                    w = jnp.exp(z - mvec)
                    w_r[b][pl.ds(k * L, L)] = w
                    dscat_r[b][pl.ds(k * L, L)] = di
                    plsc.addupdate_scatter(den_v, [di], w)

                def srow(j, carry2, b=b):
                    wj = plsc.load_gather(w_r[b],
                                          [jnp.full((L,), j, jnp.int32)])
                    for k in range(D // L):
                        grows[b][j, pl.ds(k * L, L)] = (
                            grows[b][j, pl.ds(k * L, L)] * wj)
                    return carry2

                lax.fori_loop(0, C, srow, 0)
                scatter_desc(b).start(add=True)
        return carry

    NOUTER = (NCHUNK + NBUF - 1) // NBUF
    lax.fori_loop(0, NOUTER, outer, 0)
    for g in (NCHUNK - 3, NCHUNK - 2, NCHUNK - 1):
        scatter_desc(g % NBUF).wait()
    pltpu.sync_copy(den_v, den_out.at[wid])
    plsc.subcore_barrier()
    pltpu.sync_copy(acc_sh.at[pl.ds(s * RPT, RPT)],
                    acc_out.at[c, pl.ds(s * RPT, RPT)])


def _sc_edges(src, dst, as_, ad_, m, h, zeros_nd, zeros_n):
    N, D = h.shape
    E = src.shape[0]
    C = 80
    NP = ((N + NS * 8 - 1) // (NS * 8)) * NS * 8
    assert E % (NW * C) == 0
    f32 = jnp.float32
    mesh = plsc.VectorSubcoreMesh(core_axis_name="c", subcore_axis_name="s",
                                  num_cores=NC, num_subcores=NS)
    body = functools.partial(_sc_body, N=N, NP=NP, D=D, E=E, C=C)
    fn = pl.kernel(
        body,
        out_type=[
            jax.ShapeDtypeStruct((NC, NP, D), f32),
            jax.ShapeDtypeStruct((NW, N), f32),
        ],
        mesh=mesh,
        compiler_params=pltpu.CompilerParams(needs_layout_passes=False),
        scratch_types=(
            [
                pltpu.VMEM((L,), f32),
                pltpu.VMEM((N,), f32),
            ]
            + [pltpu.VMEM((C,), jnp.int32) for _ in range(NBUF)]
            + [pltpu.VMEM((C,), jnp.int32) for _ in range(NBUF)]
            + [pltpu.VMEM((C,), f32) for _ in range(NBUF)]
            + [pltpu.VMEM((C,), f32) for _ in range(NBUF)]
            + [pltpu.VMEM((C,), f32) for _ in range(NBUF)]
            + [pltpu.VMEM((C,), jnp.int32) for _ in range(NBUF)]
            + [pltpu.VMEM((C, D), f32) for _ in range(NBUF)]
            + [pltpu.VMEM_SHARED((NP, D), f32)]
            + [pltpu.SemaphoreType.DMA for _ in range(3 * NBUF)]
        ),
    )
    return fn(src, dst, as_.reshape(N), ad_.reshape(N), m.reshape(L), h,
              zeros_nd, zeros_n)



def _gat_layer(x, edge_src, edge_dst, W, a_src, a_dst, b, zeros_nd, zeros_n,
               act):
    h, as_, ad_, m, ws = _head(x, W, a_src, a_dst)
    acc, den_parts = _sc_edges(edge_src, edge_dst, as_, ad_, m, h, zeros_nd,
                               zeros_n)
    return _combine(acc, den_parts, h, ws, b, act)


def kernel(x, edge_index, W1, a_src1, a_dst1, b1, W2, a_src2, a_dst2, b2):
    N, D = x.shape
    src = edge_index[0]
    dst = edge_index[1]
    NP = ((N + NS * 8 - 1) // (NS * 8)) * NS * 8
    zeros_nd = jnp.zeros((NP // NS, D), jnp.float32)
    zeros_n = jnp.zeros((N,), jnp.float32)
    h1 = _gat_layer(x, src, dst, W1, a_src1, a_dst1, b1, zeros_nd, zeros_n,
                    "relu")
    return _gat_layer(h1, src, dst, W2, a_src2, a_dst2, b2, zeros_nd,
                      zeros_n, "logsoftmax")

# --- scband reference (transcript-rebuilt; emitter-appended) ---
"""Pipeline reference for scband-gat-31353261261175 (READ-ONLY COPY).

The authoritative reference and input builder live on the scoring server;
editing this copy changes nothing except your own understanding.
"""

import jax, jax.numpy as jnp
import numpy as np


def gat_conv(x, edge_index, W, a_src, a_dst, b):
    # PyG-style GATConv, heads=1, concat=True, add_self_loops=True, negative_slope=0.2
    N = x.shape[0]
    loop = jnp.arange(N, dtype=edge_index.dtype)
    src = jnp.concatenate([edge_index[0], loop])
    dst = jnp.concatenate([edge_index[1], loop])
    h = x @ W                      # [N, out]
    alpha_src = h @ a_src          # [N]
    alpha_dst = h @ a_dst          # [N]
    e = jax.nn.leaky_relu(alpha_src[src] + alpha_dst[dst], 0.2)  # [E+N]
    # softmax over incoming edges per destination node
    e_max = jax.ops.segment_max(e, dst, num_segments=N)
    e_exp = jnp.exp(e - e_max[dst])
    denom = jax.ops.segment_sum(e_exp, dst, num_segments=N)
    alpha = e_exp / (denom[dst] + 1e-16)
    out = jax.ops.segment_sum(h[src] * alpha[:, None], dst, num_segments=N)
    return out + b


def setup_inputs(seed: int = 0) -> dict:
    key = jax.random.key(seed)
    ks = jax.random.split(key, 12)
    N, E = 10000, 320000
    din, dh, dout = 128, 128, 128
    x = jax.random.normal(ks[0], (N, din), dtype=jnp.float32)
    edge_index = jax.random.randint(ks[1], (2, E), 0, N, dtype=jnp.int32)
    s1 = 1.0 / np.sqrt(din)
    s2 = 1.0 / np.sqrt(dh)
    W1 = jax.random.normal(ks[2], (din, dh), dtype=jnp.float32) * s1
    a_src1 = jax.random.normal(ks[3], (dh,), dtype=jnp.float32) * s2
    a_dst1 = jax.random.normal(ks[4], (dh,), dtype=jnp.float32) * s2
    b1 = jnp.zeros((dh,), dtype=jnp.float32)
    W2 = jax.random.normal(ks[5], (dh, dout), dtype=jnp.float32) * s2
    a_src2 = jax.random.normal(ks[6], (dout,), dtype=jnp.float32) * (1.0 / np.sqrt(dout))
    a_dst2 = jax.random.normal(ks[7], (dout,), dtype=jnp.float32) * (1.0 / np.sqrt(dout))
    b2 = jnp.zeros((dout,), dtype=jnp.float32)
    return {"x": x, "edge_index": edge_index, "W1": W1, "a_src1": a_src1,
            "a_dst1": a_dst1, "b1": b1, "W2": W2, "a_src2": a_src2,
            "a_dst2": a_dst2, "b2": b2}


def reference(x, edge_index, W1, a_src1, a_dst1, b1, W2, a_src2, a_dst2, b2):
    h = gat_conv(x, edge_index, W1, a_src1, a_dst1, b1)
    h = jax.nn.relu(h)
    # dropout(p=0.5) is identity in eval mode
    h = gat_conv(h, edge_index, W2, a_src2, a_dst2, b2)
    return jax.nn.log_softmax(h, axis=-1)

if __name__ == "__main__":
    import jax
    _d = setup_inputs()
    print(jax.jit(kernel)(*tuple(_d.values())))

</pallas_src>

<mosaic_0001>
#map = affine_map<(d0, d1) -> (0)>
#map1 = affine_map<(d0, d1) -> (0, 0)>
#map2 = affine_map<(d0, d1) -> (0, 0, 0)>
module attributes {stable_mosaic.version = 14 : i64} {
  func.func @_sc_body(%arg0: i32, %arg1: i32, %arg2: memref<320000xi32, #tpu.memory_space<hbm>>, %arg3: memref<320000xi32, #tpu.memory_space<hbm>>, %arg4: memref<10000xf32, #tpu.memory_space<hbm>>, %arg5: memref<10000xf32, #tpu.memory_space<hbm>>, %arg6: memref<16xf32, #tpu.memory_space<hbm>>, %arg7: memref<10000x128xf32, #tpu.memory_space<hbm>>, %arg8: memref<632x128xf32, #tpu.memory_space<hbm>>, %arg9: memref<10000xf32, #tpu.memory_space<hbm>>, %arg10: memref<2x10112x128xf32, #tpu.memory_space<hbm>>, %arg11: memref<32x10000xf32, #tpu.memory_space<hbm>>, %arg12: memref<16xf32, #tpu.memory_space<vmem>>, %arg13: memref<10000xf32, #tpu.memory_space<vmem>>, %arg14: memref<80xi32, #tpu.memory_space<vmem>>, %arg15: memref<80xi32, #tpu.memory_space<vmem>>, %arg16: memref<80xi32, #tpu.memory_space<vmem>>, %arg17: memref<80xi32, #tpu.memory_space<vmem>>, %arg18: memref<80xi32, #tpu.memory_space<vmem>>, %arg19: memref<80xi32, #tpu.memory_space<vmem>>, %arg20: memref<80xf32, #tpu.memory_space<vmem>>, %arg21: memref<80xf32, #tpu.memory_space<vmem>>, %arg22: memref<80xf32, #tpu.memory_space<vmem>>, %arg23: memref<80xf32, #tpu.memory_space<vmem>>, %arg24: memref<80xf32, #tpu.memory_space<vmem>>, %arg25: memref<80xf32, #tpu.memory_space<vmem>>, %arg26: memref<80xf32, #tpu.memory_space<vmem>>, %arg27: memref<80xf32, #tpu.memory_space<vmem>>, %arg28: memref<80xf32, #tpu.memory_space<vmem>>, %arg29: memref<80xi32, #tpu.memory_space<vmem>>, %arg30: memref<80xi32, #tpu.memory_space<vmem>>, %arg31: memref<80xi32, #tpu.memory_space<vmem>>, %arg32: memref<80x128xf32, #tpu.memory_space<vmem>>, %arg33: memref<80x128xf32, #tpu.memory_space<vmem>>, %arg34: memref<80x128xf32, #tpu.memory_space<vmem>>, %arg35: memref<10112x128xf32, #tpu.memory_space<vmem_shared>>, %arg36: memref<!tpu.dma_semaphore, #tpu.memory_space<semaphore_mem>>, %arg37: memref<!tpu.dma_semaphore, #tpu.memory_space<semaphore_mem>>, %arg38: memref<!tpu.dma_semaphore, #tpu.memory_space<semaphore_mem>>, %arg39: memref<!tpu.dma_semaphore, #tpu.memory_space<semaphore_mem>>, %arg40: memref<!tpu.dma_semaphore, #tpu.memory_space<semaphore_mem>>, %arg41: memref<!tpu.dma_semaphore, #tpu.memory_space<semaphore_mem>>, %arg42: memref<!tpu.dma_semaphore, #tpu.memory_space<semaphore_mem>>, %arg43: memref<!tpu.dma_semaphore, #tpu.memory_space<semaphore_mem>>, %arg44: memref<!tpu.dma_semaphore, #tpu.memory_space<semaphore_mem>>) attributes {dimension_semantics = [#tpu.dimension_semantics<core_parallel>, #tpu.dimension_semantics<subcore_parallel>], iteration_bounds = array<i64: 2, 16>, scalar_prefetch = 0 : i64, scratch_operands = 33 : i64, tpu.core_type = #tpu.core_type<sc_vector_subcore>, window_params = [{transform_indices = #map}, {transform_indices = #map}, {transform_indices = #map}, {transform_indices = #map}, {transform_indices = #map}, {transform_indices = #map1}, {transform_indices = #map1}, {transform_indices = #map}, {transform_indices = #map2}, {transform_indices = #map1}]} {
    %mul3A = arith.constant 2 : i32
    %mul3A_0 = arith.muli %arg1, %mul3A : i32
    %add3A = arith.addi %mul3A_0, %arg0 : i32
    %mul3A_1 = arith.constant 10000 : i32
    %mul3A_2 = arith.muli %add3A, %mul3A_1 : i32
    "tpu.region"() ({
      %run_scoped3A = tpu.sem_alloc : memref<!tpu.dma_semaphore, #tpu.memory_space<semaphore_mem>>
      tpu.enqueue_dma source(%arg6 : memref<16xf32, #tpu.memory_space<hbm>>) target(%arg12 : memref<16xf32, #tpu.memory_space<vmem>>) target_semaphore(%run_scoped3A : memref<!tpu.dma_semaphore, #tpu.memory_space<semaphore_mem>>)
      tpu.wait_dma2 semaphore(%run_scoped3A : memref<!tpu.dma_semaphore, #tpu.memory_space<semaphore_mem>>) src(%arg6 : memref<16xf32, #tpu.memory_space<hbm>>) dst(%arg12 : memref<16xf32, #tpu.memory_space<vmem>>)
      tpu.yield
    }) : () -> ()
    "tpu.region"() ({
      %run_scoped3A = tpu.sem_alloc : memref<!tpu.dma_semaphore, #tpu.memory_space<semaphore_mem>>
      tpu.enqueue_dma source(%arg9 : memref<10000xf32, #tpu.memory_space<hbm>>) target(%arg13 : memref<10000xf32, #tpu.memory_space<vmem>>) target_semaphore(%run_scoped3A : memref<!tpu.dma_semaphore, #tpu.memory_space<semaphore_mem>>)
      tpu.wait_dma2 semaphore(%run_scoped3A : memref<!tpu.dma_semaphore, #tpu.memory_space<semaphore_mem>>) src(%arg9 : memref<10000xf32, #tpu.memory_space<hbm>>) dst(%arg13 : memref<10000xf32, #tpu.memory_space<vmem>>)
      tpu.yield
    }) : () -> ()
    %mul3A_3 = arith.constant 632 : i32
    %mul3A_4 = arith.muli %arg1, %mul3A_3 : i32
    "tpu.region"() ({
      %run_scoped3A = tpu.sem_alloc : memref<!tpu.dma_semaphore, #tpu.memory_space<semaphore_mem>>
      %dma_start3A_54 = arith.constant 0 : i32
      %dma_start3A_55 = tpu.memref_slice %arg35[%mul3A_4, %dma_start3A_54] : memref<10112x128xf32, #tpu.memory_space<vmem_shared>> -> memref<632x128xf32, #tpu.memory_space<vmem_shared>>
      tpu.enqueue_dma source(%arg8 : memref<632x128xf32, #tpu.memory_space<hbm>>) target(%dma_start3A_55 : memref<632x128xf32, #tpu.memory_space<vmem_shared>>) target_semaphore(%run_scoped3A : memref<!tpu.dma_semaphore, #tpu.memory_space<semaphore_mem>>)
      %dma_wait3A_56 = arith.constant 0 : i32
      %dma_wait3A_57 = tpu.memref_slice %arg35[%mul3A_4, %dma_wait3A_56] : memref<10112x128xf32, #tpu.memory_space<vmem_shared>> -> memref<632x128xf32, #tpu.memory_space<vmem_shared>>
      tpu.wait_dma2 semaphore(%run_scoped3A : memref<!tpu.dma_semaphore, #tpu.memory_space<semaphore_mem>>) src(%arg8 : memref<632x128xf32, #tpu.memory_space<hbm>>) dst(%dma_wait3A_57 : memref<632x128xf32, #tpu.memory_space<vmem_shared>>)
      tpu.yield
    }) : () -> ()
    %barrier3A = arith.constant 0 : index
    tpu.barrier barrier_id(%barrier3A)
    %get3A = arith.constant 0 : index
    %get3A_5 = tpu.vector_load %arg12[%get3A] {strides = array<i32>} : memref<16xf32, #tpu.memory_space<vmem>>, vector<16xf32>,
    %add3A_6 = arith.constant 0 : i32
    %add3A_7 = arith.addi %mul3A_2, %add3A_6 : i32
    %dma_start3A = tpu.memref_slice %arg2[%add3A_7] : memref<320000xi32, #tpu.memory_space<hbm>> -> memref<80xi32, #tpu.memory_space<hbm>>
    %dma_start3A_8 = tpu.memref_slice %arg2[%add3A_7] : memref<320000xi32, #tpu.memory_space<hbm>> -> memref<80xi32, #tpu.memory_space<hbm>>
    tpu.enqueue_dma source(%dma_start3A_8 : memref<80xi32, #tpu.memory_space<hbm>>) target(%arg14 : memref<80xi32, #tpu.memory_space<vmem>>) target_semaphore(%arg36 : memref<!tpu.dma_semaphore, #tpu.memory_space<semaphore_mem>>)
    %add3A_9 = arith.constant 0 : i32
    %add3A_10 = arith.addi %mul3A_2, %add3A_9 : i32
    %dma_start3A_11 = tpu.memref_slice %arg3[%add3A_10] : memref<320000xi32, #tpu.memory_space<hbm>> -> memref<80xi32, #tpu.memory_space<hbm>>
    %dma_start3A_12 = tpu.memref_slice %arg3[%add3A_10] : memref<320000xi32, #tpu.memory_space<hbm>> -> memref<80xi32, #tpu.memory_space<hbm>>
    tpu.enqueue_dma source(%dma_start3A_12 : memref<80xi32, #tpu.memory_space<hbm>>) target(%arg17 : memref<80xi32, #tpu.memory_space<vmem>>) target_semaphore(%arg36 : memref<!tpu.dma_semaphore, #tpu.memory_space<semaphore_mem>>)
    %add3A_13 = arith.constant 80 : i32
    %add3A_14 = arith.addi %mul3A_2, %add3A_13 : i32
    %dma_start3A_15 = tpu.memref_slice %arg2[%add3A_14] : memref<320000xi32, #tpu.memory_space<hbm>> -> memref<80xi32, #tpu.memory_space<hbm>>
    %dma_start3A_16 = tpu.memref_slice %arg2[%add3A_14] : memref<320000xi32, #tpu.memory_space<hbm>> -> memref<80xi32, #tpu.memory_space<hbm>>
    tpu.enqueue_dma source(%dma_start3A_16 : memref<80xi32, #tpu.memory_space<hbm>>) target(%arg15 : memref<80xi32, #tpu.memory_space<vmem>>) target_semaphore(%arg37 : memref<!tpu.dma_semaphore, #tpu.memory_space<semaphore_mem>>)
    %add3A_17 = arith.constant 80 : i32
    %add3A_18 = arith.addi %mul3A_2, %add3A_17 : i32
    %dma_start3A_19 = tpu.memref_slice %arg3[%add3A_18] : memref<320000xi32, #tpu.memory_space<hbm>> -> memref<80xi32, #tpu.memory_space<hbm>>
    %dma_start3A_20 = tpu.memref_slice %arg3[%add3A_18] : memref<320000xi32, #tpu.memory_space<hbm>> -> memref<80xi32, #tpu.memory_space<hbm>>
    tpu.enqueue_dma source(%dma_start3A_20 : memref<80xi32, #tpu.memory_space<hbm>>) target(%arg18 : memref<80xi32, #tpu.memory_space<vmem>>) target_semaphore(%arg37 : memref<!tpu.dma_semaphore, #tpu.memory_space<semaphore_mem>>)
    %add3A_21 = arith.constant 0 : i32
    %add3A_22 = arith.addi %mul3A_2, %add3A_21 : i32
    %dma_wait3A = tpu.memref_slice %arg2[%add3A_22] : memref<320000xi32, #tpu.memory_space<hbm>> -> memref<80xi32, #tpu.memory_space<hbm>>
    %dma_wait3A_23 = tpu.memref_slice %arg2[%add3A_22] : memref<320000xi32, #tpu.memory_space<hbm>> -> memref<80xi32, #tpu.memory_space<hbm>>
    tpu.wait_dma2 semaphore(%arg36 : memref<!tpu.dma_semaphore, #tpu.memory_space<semaphore_mem>>) src(%dma_wait3A_23 : memref<80xi32, #tpu.memory_space<hbm>>) dst(%arg14 : memref<80xi32, #tpu.memory_space<vmem>>)
    %add3A_24 = arith.constant 0 : i32
    %add3A_25 = arith.addi %mul3A_2, %add3A_24 : i32
    %dma_wait3A_26 = tpu.memref_slice %arg3[%add3A_25] : memref<320000xi32, #tpu.memory_space<hbm>> -> memref<80xi32, #tpu.memory_space<hbm>>
    %dma_wait3A_27 = tpu.memref_slice %arg3[%add3A_25] : memref<320000xi32, #tpu.memory_space<hbm>> -> memref<80xi32, #tpu.memory_space<hbm>>
    tpu.wait_dma2 semaphore(%arg36 : memref<!tpu.dma_semaphore, #tpu.memory_space<semaphore_mem>>) src(%dma_wait3A_27 : memref<80xi32, #tpu.memory_space<hbm>>) dst(%arg17 : memref<80xi32, #tpu.memory_space<vmem>>)
    %dma_start3A_28 = arith.constant 0 : i32
    %dma_start3A_29 = arith.constant 0 : i32
    %dma_start3A_30 = tpu.memref_slice %arg7[%dma_start3A_28, %dma_start3A_29] : memref<10000x128xf32, #tpu.memory_space<hbm>> -> memref<10000x128xf32, #tpu.memory_space<hbm>>
    tpu.enqueue_indirect_dma source(%dma_start3A_30 : memref<10000x128xf32, #tpu.memory_space<hbm>>) target(%arg32 : memref<80x128xf32, #tpu.memory_space<vmem>>) offsets(%arg14 : memref<80xi32, #tpu.memory_space<vmem>>) semaphore(%arg39 : memref<!tpu.dma_semaphore, #tpu.memory_space<semaphore_mem>>)
    %dma_start3A_31 = arith.constant 0 : i32
    %dma_start3A_32 = tpu.memref_slice %arg4[%dma_start3A_31] : memref<10000xf32, #tpu.memory_space<hbm>> -> memref<10000xf32, #tpu.memory_space<hbm>>
    tpu.enqueue_indirect_dma source(%dma_start3A_32 : memref<10000xf32, #tpu.memory_space<hbm>>) target(%arg20 : memref<80xf32, #tpu.memory_space<vmem>>) offsets(%arg14 : memref<80xi32, #tpu.memory_space<vmem>>) semaphore(%arg39 : memref<!tpu.dma_semaphore, #tpu.memory_space<semaphore_mem>>)
    %dma_start3A_33 = arith.constant 0 : i32
    %dma_start3A_34 = tpu.memref_slice %arg5[%dma_start3A_33] : memref<10000xf32, #tpu.memory_space<hbm>> -> memref<10000xf32, #tpu.memory_space<hbm>>
    tpu.enqueue_indirect_dma source(%dma_start3A_34 : memref<10000xf32, #tpu.memory_space<hbm>>) target(%arg23 : memref<80xf32, #tpu.memory_space<vmem>>) offsets(%arg17 : memref<80xi32, #tpu.memory_space<vmem>>) semaphore(%arg39 : memref<!tpu.dma_semaphore, #tpu.memory_space<semaphore_mem>>)
    %scan3A = arith.constant 0 : i32
    %scan3A_35 = arith.constant 0 : i32
    %scan3A_36 = arith.constant 42 : i32
    %scan3A_37 = arith.addi %scan3A_35, %scan3A_36 : i32
    %scan3A_38 = arith.constant 1 : i32
    scf.for %scan3A_54 = %scan3A_35 to %scan3A_37 step %scan3A_38  : i32 {
      %mul3A_55 = arith.constant 3 : i32
      %mul3A_56 = arith.muli %scan3A_54, %mul3A_55 : i32
      %add3A_57 = arith.constant 0 : i32
      %add3A_58 = arith.addi %mul3A_56, %add3A_57 : i32
      %add3A_59 = arith.constant 2 : i32
      %add3A_60 = arith.addi %add3A_58, %add3A_59 : i32
      %lt3A = arith.constant 125 : i32
      %lt3A_61 = arith.cmpi slt, %add3A_60, %lt3A : i32
      %convert_element_type3A = arith.extui %lt3A_61 : i1 to i32
      %cond3A = arith.constant 0 : i32
      %cond3A_62 = arith.cmpi ne, %convert_element_type3A, %cond3A : i32
      scf.if %cond3A_62 {
        %add3A_170 = arith.constant 2 : i32
        %add3A_171 = arith.addi %add3A_58, %add3A_170 : i32
        %mul3A_172 = arith.constant 80 : i32
        %mul3A_173 = arith.muli %add3A_171, %mul3A_172 : i32
        %add3A_174 = arith.addi %mul3A_2, %mul3A_173 : i32
        %dma_start3A_175 = tpu.memref_slice %arg2[%add3A_174] : memref<320000xi32, #tpu.memory_space<hbm>> -> memref<80xi32, #tpu.memory_space<hbm>>
        %dma_start3A_176 = tpu.memref_slice %arg2[%add3A_174] : memref<320000xi32, #tpu.memory_space<hbm>> -> memref<80xi32, #tpu.memory_space<hbm>>
        tpu.enqueue_dma source(%dma_start3A_176 : memref<80xi32, #tpu.memory_space<hbm>>) target(%arg16 : memref<80xi32, #tpu.memory_space<vmem>>) target_semaphore(%arg38 : memref<!tpu.dma_semaphore, #tpu.memory_space<semaphore_mem>>)
        %mul3A_177 = arith.constant 80 : i32
        %mul3A_178 = arith.muli %add3A_171, %mul3A_177 : i32
        %add3A_179 = arith.addi %mul3A_2, %mul3A_178 : i32
        %dma_start3A_180 = tpu.memref_slice %arg3[%add3A_179] : memref<320000xi32, #tpu.memory_space<hbm>> -> memref<80xi32, #tpu.memory_space<hbm>>
        %dma_start3A_181 = tpu.memref_slice %arg3[%add3A_179] : memref<320000xi32, #tpu.memory_space<hbm>> -> memref<80xi32, #tpu.memory_space<hbm>>
        tpu.enqueue_dma source(%dma_start3A_181 : memref<80xi32, #tpu.memory_space<hbm>>) target(%arg19 : memref<80xi32, #tpu.memory_space<vmem>>) target_semaphore(%arg38 : memref<!tpu.dma_semaphore, #tpu.memory_space<semaphore_mem>>)
      } else {
      }
      %add3A_63 = arith.constant 1 : i32
      %add3A_64 = arith.addi %add3A_58, %add3A_63 : i32
      %lt3A_65 = arith.constant 125 : i32
      %lt3A_66 = arith.cmpi slt, %add3A_64, %lt3A_65 : i32
      %convert_element_type3A_67 = arith.extui %lt3A_66 : i1 to i32
      %cond3A_68 = arith.constant 0 : i32
      %cond3A_69 = arith.cmpi ne, %convert_element_type3A_67, %cond3A_68 : i32
      scf.if %cond3A_69 {
        %add3A_170 = arith.constant 1 : i32
        %add3A_171 = arith.addi %add3A_58, %add3A_170 : i32
        %mul3A_172 = arith.constant 80 : i32
        %mul3A_173 = arith.muli %add3A_171, %mul3A_172 : i32
        %add3A_174 = arith.addi %mul3A_2, %mul3A_173 : i32
        %dma_wait3A_175 = tpu.memref_slice %arg2[%add3A_174] : memref<320000xi32, #tpu.memory_space<hbm>> -> memref<80xi32, #tpu.memory_space<hbm>>
        %dma_wait3A_176 = tpu.memref_slice %arg2[%add3A_174] : memref<320000xi32, #tpu.memory_space<hbm>> -> memref<80xi32, #tpu.memory_space<hbm>>
        tpu.wait_dma2 semaphore(%arg37 : memref<!tpu.dma_semaphore, #tpu.memory_space<semaphore_mem>>) src(%dma_wait3A_176 : memref<80xi32, #tpu.memory_space<hbm>>) dst(%arg15 : memref<80xi32, #tpu.memory_space<vmem>>)
        %mul3A_177 = arith.constant 80 : i32
        %mul3A_178 = arith.muli %add3A_171, %mul3A_177 : i32
        %add3A_179 = arith.addi %mul3A_2, %mul3A_178 : i32
        %dma_wait3A_180 = tpu.memref_slice %arg3[%add3A_179] : memref<320000xi32, #tpu.memory_space<hbm>> -> memref<80xi32, #tpu.memory_space<hbm>>
        %dma_wait3A_181 = tpu.memref_slice %arg3[%add3A_179] : memref<320000xi32, #tpu.memory_space<hbm>> -> memref<80xi32, #tpu.memory_space<hbm>>
        tpu.wait_dma2 semaphore(%arg37 : memref<!tpu.dma_semaphore, #tpu.memory_space<semaphore_mem>>) src(%dma_wait3A_181 : memref<80xi32, #tpu.memory_space<hbm>>) dst(%arg18 : memref<80xi32, #tpu.memory_space<vmem>>)
      } else {
      }
      %ge3A = arith.constant 2 : i32
      %ge3A_70 = arith.cmpi sge, %add3A_58, %ge3A : i32
      %add3A_71 = arith.constant 1 : i32
      %add3A_72 = arith.addi %add3A_58, %add3A_71 : i32
      %lt3A_73 = arith.constant 125 : i32
      %lt3A_74 = arith.cmpi slt, %add3A_72, %lt3A_73 : i32
      %and3A = arith.andi %ge3A_70, %lt3A_74 : i1
      %convert_element_type3A_75 = arith.extui %and3A : i1 to i32
      %cond3A_76 = arith.constant 0 : i32
      %cond3A_77 = arith.cmpi ne, %convert_element_type3A_75, %cond3A_76 : i32
      scf.if %cond3A_77 {
        %dma_wait3A_170 = arith.constant 0 : i32
        %dma_wait3A_171 = arith.constant 0 : i32
        %dma_wait3A_172 = tpu.memref_slice %arg35[%dma_wait3A_170, %dma_wait3A_171] : memref<10112x128xf32, #tpu.memory_space<vmem_shared>> -> memref<10112x128xf32, #tpu.memory_space<vmem_shared>>
        tpu.wait_indirect_dma semaphore(%arg43 : memref<!tpu.dma_semaphore, #tpu.memory_space<semaphore_mem>>) src(%arg33 : memref<80x128xf32, #tpu.memory_space<vmem>>) dst(%dma_wait3A_172 : memref<10112x128xf32, #tpu.memory_space<vmem_shared>>)
      } else {
      }
      %add3A_78 = arith.constant 1 : i32
      %add3A_79 = arith.addi %add3A_58, %add3A_78 : i32
      %lt3A_80 = arith.constant 125 : i32
      %lt3A_81 = arith.cmpi slt, %add3A_79, %lt3A_80 : i32
      %convert_element_type3A_82 = arith.extui %lt3A_81 : i1 to i32
      %cond3A_83 = arith.constant 0 : i32
      %cond3A_84 = arith.cmpi ne, %convert_element_type3A_82, %cond3A_83 : i32
      scf.if %cond3A_84 {
        %dma_start3A_170 = arith.constant 0 : i32
        %dma_start3A_171 = arith.constant 0 : i32
        %dma_start3A_172 = tpu.memref_slice %arg7[%dma_start3A_170, %dma_start3A_171] : memref<10000x128xf32, #tpu.memory_space<hbm>> -> memref<10000x128xf32, #tpu.memory_space<hbm>>
        tpu.enqueue_indirect_dma source(%dma_start3A_172 : memref<10000x128xf32, #tpu.memory_space<hbm>>) target(%arg33 : memref<80x128xf32, #tpu.memory_space<vmem>>) offsets(%arg15 : memref<80xi32, #tpu.memory_space<vmem>>) semaphore(%arg40 : memref<!tpu.dma_semaphore, #tpu.memory_space<semaphore_mem>>)
        %dma_start3A_173 = arith.constant 0 : i32
        %dma_start3A_174 = tpu.memref_slice %arg4[%dma_start3A_173] : memref<10000xf32, #tpu.memory_space<hbm>> -> memref<10000xf32, #tpu.memory_space<hbm>>
        tpu.enqueue_indirect_dma source(%dma_start3A_174 : memref<10000xf32, #tpu.memory_space<hbm>>) target(%arg21 : memref<80xf32, #tpu.memory_space<vmem>>) offsets(%arg15 : memref<80xi32, #tpu.memory_space<vmem>>) semaphore(%arg40 : memref<!tpu.dma_semaphore, #tpu.memory_space<semaphore_mem>>)
        %dma_start3A_175 = arith.constant 0 : i32
        %dma_start3A_176 = tpu.memref_slice %arg5[%dma_start3A_175] : memref<10000xf32, #tpu.memory_space<hbm>> -> memref<10000xf32, #tpu.memory_space<hbm>>
        tpu.enqueue_indirect_dma source(%dma_start3A_176 : memref<10000xf32, #tpu.memory_space<hbm>>) target(%arg24 : memref<80xf32, #tpu.memory_space<vmem>>) offsets(%arg18 : memref<80xi32, #tpu.memory_space<vmem>>) semaphore(%arg40 : memref<!tpu.dma_semaphore, #tpu.memory_space<semaphore_mem>>)
      } else {
      }
      %lt3A_85 = arith.constant 125 : i32
      %lt3A_86 = arith.cmpi slt, %add3A_58, %lt3A_85 : i32
      %convert_element_type3A_87 = arith.extui %lt3A_86 : i1 to i32
      %cond3A_88 = arith.constant 0 : i32
      %cond3A_89 = arith.cmpi ne, %convert_element_type3A_87, %cond3A_88 : i32
      scf.if %cond3A_89 {
        %dma_wait3A_170 = arith.constant 0 : i32
        %dma_wait3A_171 = arith.constant 0 : i32
        %dma_wait3A_172 = tpu.memref_slice %arg7[%dma_wait3A_170, %dma_wait3A_171] : memref<10000x128xf32, #tpu.memory_space<hbm>> -> memref<10000x128xf32, #tpu.memory_space<hbm>>
        tpu.wait_indirect_dma semaphore(%arg39 : memref<!tpu.dma_semaphore, #tpu.memory_space<semaphore_mem>>) src(%dma_wait3A_172 : memref<10000x128xf32, #tpu.memory_space<hbm>>) dst(%arg32 : memref<80x128xf32, #tpu.memory_space<vmem>>)
        %dma_wait3A_173 = arith.constant 0 : i32
        %dma_wait3A_174 = tpu.memref_slice %arg4[%dma_wait3A_173] : memref<10000xf32, #tpu.memory_space<hbm>> -> memref<10000xf32, #tpu.memory_space<hbm>>
        tpu.wait_indirect_dma semaphore(%arg39 : memref<!tpu.dma_semaphore, #tpu.memory_space<semaphore_mem>>) src(%dma_wait3A_174 : memref<10000xf32, #tpu.memory_space<hbm>>) dst(%arg20 : memref<80xf32, #tpu.memory_space<vmem>>)
        %dma_wait3A_175 = arith.constant 0 : i32
        %dma_wait3A_176 = tpu.memref_slice %arg5[%dma_wait3A_175] : memref<10000xf32, #tpu.memory_space<hbm>> -> memref<10000xf32, #tpu.memory_space<hbm>>
        tpu.wait_indirect_dma semaphore(%arg39 : memref<!tpu.dma_semaphore, #tpu.memory_space<semaphore_mem>>) src(%dma_wait3A_176 : memref<10000xf32, #tpu.memory_space<hbm>>) dst(%arg23 : memref<80xf32, #tpu.memory_space<vmem>>)
        %get3A_177 = arith.constant 0 : index
        %get3A_178 = tpu.vector_load %arg20[%get3A_177] {strides = array<i32>} : memref<80xf32, #tpu.memory_space<vmem>>, vector<16xf32>,
        %get3A_179 = arith.constant 0 : index
        %get3A_180 = tpu.vector_load %arg23[%get3A_179] {strides = array<i32>} : memref<80xf32, #tpu.memory_space<vmem>>, vector<16xf32>,
        %get3A_181 = arith.constant 0 : index
        %get3A_182 = tpu.vector_load %arg17[%get3A_181] {strides = array<i32>} : memref<80xi32, #tpu.memory_space<vmem>>, vector<16xi32>,
        %add3A_183 = arith.addf %get3A_178, %get3A_180 : vector<16xf32>
        %mul3A_184 = arith.constant 2.000000e-01 : f32
        %mul3A_185 = vector.broadcast %mul3A_184 : f32 to vector<16xf32>
        %mul3A_186 = arith.mulf %mul3A_185, %add3A_183 : vector<16xf32>
        %max3A = arith.maximumf %add3A_183, %mul3A_186 : vector<16xf32>
        %sub3A = arith.subf %max3A, %get3A_5 : vector<16xf32>
        %exp3A = math.exp %sub3A : vector<16xf32>
        %swap3A = arith.constant 0 : index
        %swap3A_187 = tpu.vector_load %arg26[%swap3A] {strides = array<i32>} : memref<80xf32, #tpu.memory_space<vmem>>, vector<16xf32>,
        tpu.vector_store %arg26[%swap3A], %exp3A {strides = array<i32>} : memref<80xf32, #tpu.memory_space<vmem>>, vector<16xf32>,
        %swap3A_188 = arith.constant 0 : index
        %swap3A_189 = tpu.vector_load %arg29[%swap3A_188] {strides = array<i32>} : memref<80xi32, #tpu.memory_space<vmem>>, vector<16xi32>,
        tpu.vector_store %arg29[%swap3A_188], %get3A_182 {strides = array<i32>} : memref<80xi32, #tpu.memory_space<vmem>>, vector<16xi32>,
        tpu.vector_store_idx %arg13[%get3A_182], %exp3A {add = true} : memref<10000xf32, #tpu.memory_space<vmem>>[vector<16xi32>], vector<16xf32>,
        %get3A_190 = arith.constant 16 : index
        %get3A_191 = tpu.vector_load %arg20[%get3A_190] {strides = array<i32>} : memref<80xf32, #tpu.memory_space<vmem>>, vector<16xf32>,
        %get3A_192 = arith.constant 16 : index
        %get3A_193 = tpu.vector_load %arg23[%get3A_192] {strides = array<i32>} : memref<80xf32, #tpu.memory_space<vmem>>, vector<16xf32>,
        %get3A_194 = arith.constant 16 : index
        %get3A_195 = tpu.vector_load %arg17[%get3A_194] {strides = array<i32>} : memref<80xi32, #tpu.memory_space<vmem>>, vector<16xi32>,
        %add3A_196 = arith.addf %get3A_191, %get3A_193 : vector<16xf32>
        %mul3A_197 = arith.constant 2.000000e-01 : f32
        %mul3A_198 = vector.broadcast %mul3A_197 : f32 to vector<16xf32>
        %mul3A_199 = arith.mulf %mul3A_198, %add3A_196 : vector<16xf32>
        %max3A_200 = arith.maximumf %add3A_196, %mul3A_199 : vector<16xf32>
        %sub3A_201 = arith.subf %max3A_200, %get3A_5 : vector<16xf32>
        %exp3A_202 = math.exp %sub3A_201 : vector<16xf32>
        %swap3A_203 = arith.constant 16 : index
        %swap3A_204 = tpu.vector_load %arg26[%swap3A_203] {strides = array<i32>} : memref<80xf32, #tpu.memory_space<vmem>>, vector<16xf32>,
        tpu.vector_store %arg26[%swap3A_203], %exp3A_202 {strides = array<i32>} : memref<80xf32, #tpu.memory_space<vmem>>, vector<16xf32>,
        %swap3A_205 = arith.constant 16 : index
        %swap3A_206 = tpu.vector_load %arg29[%swap3A_205] {strides = array<i32>} : memref<80xi32, #tpu.memory_space<vmem>>, vector<16xi32>,
        tpu.vector_store %arg29[%swap3A_205], %get3A_195 {strides = array<i32>} : memref<80xi32, #tpu.memory_space<vmem>>, vector<16xi32>,
        tpu.vector_store_idx %arg13[%get3A_195], %exp3A_202 {add = true} : memref<10000xf32, #tpu.memory_space<vmem>>[vector<16xi32>], vector<16xf32>,
        %get3A_207 = arith.constant 32 : index
        %get3A_208 = tpu.vector_load %arg20[%get3A_207] {strides = array<i32>} : memref<80xf32, #tpu.memory_space<vmem>>, vector<16xf32>,
        %get3A_209 = arith.constant 32 : index
        %get3A_210 = tpu.vector_load %arg23[%get3A_209] {strides = array<i32>} : memref<80xf32, #tpu.memory_space<vmem>>, vector<16xf32>,
        %get3A_211 = arith.constant 32 : index
        %get3A_212 = tpu.vector_load %arg17[%get3A_211] {strides = array<i32>} : memref<80xi32, #tpu.memory_space<vmem>>, vector<16xi32>,
        %add3A_213 = arith.addf %get3A_208, %get3A_210 : vector<16xf32>
        %mul3A_214 = arith.constant 2.000000e-01 : f32
        %mul3A_215 = vector.broadcast %mul3A_214 : f32 to vector<16xf32>
        %mul3A_216 = arith.mulf %mul3A_215, %add3A_213 : vector<16xf32>
        %max3A_217 = arith.maximumf %add3A_213, %mul3A_216 : vector<16xf32>
        %sub3A_218 = arith.subf %max3A_217, %get3A_5 : vector<16xf32>
        %exp3A_219 = math.exp %sub3A_218 : vector<16xf32>
        %swap3A_220 = arith.constant 32 : index
        %swap3A_221 = tpu.vector_load %arg26[%swap3A_220] {strides = array<i32>} : memref<80xf32, #tpu.memory_space<vmem>>, vector<16xf32>,
        tpu.vector_store %arg26[%swap3A_220], %exp3A_219 {strides = array<i32>} : memref<80xf32, #tpu.memory_space<vmem>>, vector<16xf32>,
        %swap3A_222 = arith.constant 32 : index
        %swap3A_223 = tpu.vector_load %arg29[%swap3A_222] {strides = array<i32>} : memref<80xi32, #tpu.memory_space<vmem>>, vector<16xi32>,
        tpu.vector_store %arg29[%swap3A_222], %get3A_212 {strides = array<i32>} : memref<80xi32, #tpu.memory_space<vmem>>, vector<16xi32>,
        tpu.vector_store_idx %arg13[%get3A_212], %exp3A_219 {add = true} : memref<10000xf32, #tpu.memory_space<vmem>>[vector<16xi32>], vector<16xf32>,
        %get3A_224 = arith.constant 48 : index
        %get3A_225 = tpu.vector_load %arg20[%get3A_224] {strides = array<i32>} : memref<80xf32, #tpu.memory_space<vmem>>, vector<16xf32>,
        %get3A_226 = arith.constant 48 : index
        %get3A_227 = tpu.vector_load %arg23[%get3A_226] {strides = array<i32>} : memref<80xf32, #tpu.memory_space<vmem>>, vector<16xf32>,
        %get3A_228 = arith.constant 48 : index
        %get3A_229 = tpu.vector_load %arg17[%get3A_228] {strides = array<i32>} : memref<80xi32, #tpu.memory_space<vmem>>, vector<16xi32>,
        %add3A_230 = arith.addf %get3A_225, %get3A_227 : vector<16xf32>
        %mul3A_231 = arith.constant 2.000000e-01 : f32
        %mul3A_232 = vector.broadcast %mul3A_231 : f32 to vector<16xf32>
        %mul3A_233 = arith.mulf %mul3A_232, %add3A_230 : vector<16xf32>
        %max3A_234 = arith.maximumf %add3A_230, %mul3A_233 : vector<16xf32>
        %sub3A_235 = arith.subf %max3A_234, %get3A_5 : vector<16xf32>
        %exp3A_236 = math.exp %sub3A_235 : vector<16xf32>
        %swap3A_237 = arith.constant 48 : index
        %swap3A_238 = tpu.vector_load %arg26[%swap3A_237] {strides = array<i32>} : memref<80xf32, #tpu.memory_space<vmem>>, vector<16xf32>,
        tpu.vector_store %arg26[%swap3A_237], %exp3A_236 {strides = array<i32>} : memref<80xf32, #tpu.memory_space<vmem>>, vector<16xf32>,
        %swap3A_239 = arith.constant 48 : index
        %swap3A_240 = tpu.vector_load %arg29[%swap3A_239] {strides = array<i32>} : memref<80xi32, #tpu.memory_space<vmem>>, vector<16xi32>,
        tpu.vector_store %arg29[%swap3A_239], %get3A_229 {strides = array<i32>} : memref<80xi32, #tpu.memory_space<vmem>>, vector<16xi32>,
        tpu.vector_store_idx %arg13[%get3A_229], %exp3A_236 {add = true} : memref<10000xf32, #tpu.memory_space<vmem>>[vector<16xi32>], vector<16xf32>,
        %get3A_241 = arith.constant 64 : index
        %get3A_242 = tpu.vector_load %arg20[%get3A_241] {strides = array<i32>} : memref<80xf32, #tpu.memory_space<vmem>>, vector<16xf32>,
        %get3A_243 = arith.constant 64 : index
        %get3A_244 = tpu.vector_load %arg23[%get3A_243] {strides = array<i32>} : memref<80xf32, #tpu.memory_space<vmem>>, vector<16xf32>,
        %get3A_245 = arith.constant 64 : index
        %get3A_246 = tpu.vector_load %arg17[%get3A_245] {strides = array<i32>} : memref<80xi32, #tpu.memory_space<vmem>>, vector<16xi32>,
        %add3A_247 = arith.addf %get3A_242, %get3A_244 : vector<16xf32>
        %mul3A_248 = arith.constant 2.000000e-01 : f32
        %mul3A_249 = vector.broadcast %mul3A_248 : f32 to vector<16xf32>
        %mul3A_250 = arith.mulf %mul3A_249, %add3A_247 : vector<16xf32>
        %max3A_251 = arith.maximumf %add3A_247, %mul3A_250 : vector<16xf32>
        %sub3A_252 = arith.subf %max3A_251, %get3A_5 : vector<16xf32>
        %exp3A_253 = math.exp %sub3A_252 : vector<16xf32>
        %swap3A_254 = arith.constant 64 : index
        %swap3A_255 = tpu.vector_load %arg26[%swap3A_254] {strides = array<i32>} : memref<80xf32, #tpu.memory_space<vmem>>, vector<16xf32>,
        tpu.vector_store %arg26[%swap3A_254], %exp3A_253 {strides = array<i32>} : memref<80xf32, #tpu.memory_space<vmem>>, vector<16xf32>,
        %swap3A_256 = arith.constant 64 : index
        %swap3A_257 = tpu.vector_load %arg29[%swap3A_256] {strides = array<i32>} : memref<80xi32, #tpu.memory_space<vmem>>, vector<16xi32>,
        tpu.vector_store %arg29[%swap3A_256], %get3A_246 {strides = array<i32>} : memref<80xi32, #tpu.memory_space<vmem>>, vector<16xi32>,
        tpu.vector_store_idx %arg13[%get3A_246], %exp3A_253 {add = true} : memref<10000xf32, #tpu.memory_space<vmem>>[vector<16xi32>], vector<16xf32>,
        %scan3A_258 = arith.constant 0 : i32
        %scan3A_259 = arith.constant 0 : i32
        %scan3A_260 = arith.constant 80 : i32
        %scan3A_261 = arith.addi %scan3A_259, %scan3A_260 : i32
        %scan3A_262 = arith.constant 1 : i32
        scf.for %scan3A_267 = %scan3A_259 to %scan3A_261 step %scan3A_262  : i32 {
          %broadcast_in_dim3A = vector.broadcast %scan3A_267 : i32 to vector<16xi32>
          %gather3A = tpu.vector_load_idx %arg26[%broadcast_in_dim3A] : memref<80xf32, #tpu.memory_space<vmem>>[vector<16xi32>], vector<16xf32>,
          %get3A_268 = arith.index_cast %scan3A_267 : i32 to index
          %get3A_269 = arith.constant 0 : index
          %get3A_270 = tpu.vector_load %arg32[%get3A_268, %get3A_269] {strides = array<i32>} : memref<80x128xf32, #tpu.memory_space<vmem>>, vector<16xf32>,
          %mul3A_271 = arith.mulf %get3A_270, %gather3A : vector<16xf32>
          %swap3A_272 = arith.index_cast %scan3A_267 : i32 to index
          %swap3A_273 = arith.constant 0 : index
          %swap3A_274 = tpu.vector_load %arg32[%swap3A_272, %swap3A_273] {strides = array<i32>} : memref<80x128xf32, #tpu.memory_space<vmem>>, vector<16xf32>,
          tpu.vector_store %arg32[%swap3A_272, %swap3A_273], %mul3A_271 {strides = array<i32>} : memref<80x128xf32, #tpu.memory_space<vmem>>, vector<16xf32>,
          %get3A_275 = arith.index_cast %scan3A_267 : i32 to index
          %get3A_276 = arith.constant 16 : index
          %get3A_277 = tpu.vector_load %arg32[%get3A_275, %get3A_276] {strides = array<i32>} : memref<80x128xf32, #tpu.memory_space<vmem>>, vector<16xf32>,
          %mul3A_278 = arith.mulf %get3A_277, %gather3A : vector<16xf32>
          %swap3A_279 = arith.index_cast %scan3A_267 : i32 to index
          %swap3A_280 = arith.constant 16 : index
          %swap3A_281 = tpu.vector_load %arg32[%swap3A_279, %swap3A_280] {strides = array<i32>} : memref<80x128xf32, #tpu.memory_space<vmem>>, vector<16xf32>,
          tpu.vector_store %arg32[%swap3A_279, %swap3A_280], %mul3A_278 {strides = array<i32>} : memref<80x128xf32, #tpu.memory_space<vmem>>, vector<16xf32>,
          %get3A_282 = arith.index_cast %scan3A_267 : i32 to index
          %get3A_283 = arith.constant 32 : index
          %get3A_284 = tpu.vector_load %arg32[%get3A_282, %get3A_283] {strides = array<i32>} : memref<80x128xf32, #tpu.memory_space<vmem>>, vector<16xf32>,
          %mul3A_285 = arith.mulf %get3A_284, %gather3A : vector<16xf32>
          %swap3A_286 = arith.index_cast %scan3A_267 : i32 to index
          %swap3A_287 = arith.constant 32 : index
          %swap3A_288 = tpu.vector_load %arg32[%swap3A_286, %swap3A_287] {strides = array<i32>} : memref<80x128xf32, #tpu.memory_space<vmem>>, vector<16xf32>,
          tpu.vector_store %arg32[%swap3A_286, %swap3A_287], %mul3A_285 {strides = array<i32>} : memref<80x128xf32, #tpu.memory_space<vmem>>, vector<16xf32>,
          %get3A_289 = arith.index_cast %scan3A_267 : i32 to index
          %get3A_290 = arith.constant 48 : index
          %get3A_291 = tpu.vector_load %arg32[%get3A_289, %get3A_290] {strides = array<i32>} : memref<80x128xf32, #tpu.memory_space<vmem>>, vector<16xf32>,
          %mul3A_292 = arith.mulf %get3A_291, %gather3A : vector<16xf32>
          %swap3A_293 = arith.index_cast %scan3A_267 : i32 to index
          %swap3A_294 = arith.constant 48 : index
          %swap3A_295 = tpu.vector_load %arg32[%swap3A_293, %swap3A_294] {strides = array<i32>} : memref<80x128xf32, #tpu.memory_space<vmem>>, vector<16xf32>,
          tpu.vector_store %arg32[%swap3A_293, %swap3A_294], %mul3A_292 {strides = array<i32>} : memref<80x128xf32, #tpu.memory_space<vmem>>, vector<16xf32>,
          %get3A_296 = arith.index_cast %scan3A_267 : i32 to index
          %get3A_297 = arith.constant 64 : index
          %get3A_298 = tpu.vector_load %arg32[%get3A_296, %get3A_297] {strides = array<i32>} : memref<80x128xf32, #tpu.memory_space<vmem>>, vector<16xf32>,
          %mul3A_299 = arith.mulf %get3A_298, %gather3A : vector<16xf32>
          %swap3A_300 = arith.index_cast %scan3A_267 : i32 to index
          %swap3A_301 = arith.constant 64 : index
          %swap3A_302 = tpu.vector_load %arg32[%swap3A_300, %swap3A_301] {strides = array<i32>} : memref<80x128xf32, #tpu.memory_space<vmem>>, vector<16xf32>,
          tpu.vector_store %arg32[%swap3A_300, %swap3A_301], %mul3A_299 {strides = array<i32>} : memref<80x128xf32, #tpu.memory_space<vmem>>, vector<16xf32>,
          %get3A_303 = arith.index_cast %scan3A_267 : i32 to index
          %get3A_304 = arith.constant 80 : index
          %get3A_305 = tpu.vector_load %arg32[%get3A_303, %get3A_304] {strides = array<i32>} : memref<80x128xf32, #tpu.memory_space<vmem>>, vector<16xf32>,
          %mul3A_306 = arith.mulf %get3A_305, %gather3A : vector<16xf32>
          %swap3A_307 = arith.index_cast %scan3A_267 : i32 to index
          %swap3A_308 = arith.constant 80 : index
          %swap3A_309 = tpu.vector_load %arg32[%swap3A_307, %swap3A_308] {strides = array<i32>} : memref<80x128xf32, #tpu.memory_space<vmem>>, vector<16xf32>,
          tpu.vector_store %arg32[%swap3A_307, %swap3A_308], %mul3A_306 {strides = array<i32>} : memref<80x128xf32, #tpu.memory_space<vmem>>, vector<16xf32>,
          %get3A_310 = arith.index_cast %scan3A_267 : i32 to index
          %get3A_311 = arith.constant 96 : index
          %get3A_312 = tpu.vector_load %arg32[%get3A_310, %get3A_311] {strides = array<i32>} : memref<80x128xf32, #tpu.memory_space<vmem>>, vector<16xf32>,
          %mul3A_313 = arith.mulf %get3A_312, %gather3A : vector<16xf32>
          %swap3A_314 = arith.index_cast %scan3A_267 : i32 to index
          %swap3A_315 = arith.constant 96 : index
          %swap3A_316 = tpu.vector_load %arg32[%swap3A_314, %swap3A_315] {strides = array<i32>} : memref<80x128xf32, #tpu.memory_space<vmem>>, vector<16xf32>,
          tpu.vector_store %arg32[%swap3A_314, %swap3A_315], %mul3A_313 {strides = array<i32>} : memref<80x128xf32, #tpu.memory_space<vmem>>, vector<16xf32>,
          %get3A_317 = arith.index_cast %scan3A_267 : i32 to index
          %get3A_318 = arith.constant 112 : index
          %get3A_319 = tpu.vector_load %arg32[%get3A_317, %get3A_318] {strides = array<i32>} : memref<80x128xf32, #tpu.memory_space<vmem>>, vector<16xf32>,
          %mul3A_320 = arith.mulf %get3A_319, %gather3A : vector<16xf32>
          %swap3A_321 = arith.index_cast %scan3A_267 : i32 to index
          %swap3A_322 = arith.constant 112 : index
          %swap3A_323 = tpu.vector_load %arg32[%swap3A_321, %swap3A_322] {strides = array<i32>} : memref<80x128xf32, #tpu.memory_space<vmem>>, vector<16xf32>,
          tpu.vector_store %arg32[%swap3A_321, %swap3A_322], %mul3A_320 {strides = array<i32>} : memref<80x128xf32, #tpu.memory_space<vmem>>, vector<16xf32>,
        }
        %scan3A_263 = arith.constant 80 : i32
        %dma_start3A_264 = arith.constant 0 : i32
        %dma_start3A_265 = arith.constant 0 : i32
        %dma_start3A_266 = tpu.memref_slice %arg35[%dma_start3A_264, %dma_start3A_265] : memref<10112x128xf32, #tpu.memory_space<vmem_shared>> -> memref<10112x128xf32, #tpu.memory_space<vmem_shared>>
        tpu.enqueue_indirect_dma source(%arg32 : memref<80x128xf32, #tpu.memory_space<vmem>>) target(%dma_start3A_266 : memref<10112x128xf32, #tpu.memory_space<vmem_shared>>) offsets(%arg29 : memref<80xi32, #tpu.memory_space<vmem>>) semaphore(%arg42 : memref<!tpu.dma_semaphore, #tpu.memory_space<semaphore_mem>>) {add = true}
      } else {
      }
      %mul3A_90 = arith.constant 3 : i32
      %mul3A_91 = arith.muli %scan3A_54, %mul3A_90 : i32
      %add3A_92 = arith.constant 1 : i32
      %add3A_93 = arith.addi %mul3A_91, %add3A_92 : i32
      %add3A_94 = arith.constant 2 : i32
      %add3A_95 = arith.addi %add3A_93, %add3A_94 : i32
      %lt3A_96 = arith.constant 125 : i32
      %lt3A_97 = arith.cmpi slt, %add3A_95, %lt3A_96 : i32
      %convert_element_type3A_98 = arith.extui %lt3A_97 : i1 to i32
      %cond3A_99 = arith.constant 0 : i32
      %cond3A_100 = arith.cmpi ne, %convert_element_type3A_98, %cond3A_99 : i32
      scf.if %cond3A_100 {
        %add3A_170 = arith.constant 2 : i32
        %add3A_171 = arith.addi %add3A_93, %add3A_170 : i32
        %mul3A_172 = arith.constant 80 : i32
        %mul3A_173 = arith.muli %add3A_171, %mul3A_172 : i32
        %add3A_174 = arith.addi %mul3A_2, %mul3A_173 : i32
        %dma_start3A_175 = tpu.memref_slice %arg2[%add3A_174] : memref<320000xi32, #tpu.memory_space<hbm>> -> memref<80xi32, #tpu.memory_space<hbm>>
        %dma_start3A_176 = tpu.memref_slice %arg2[%add3A_174] : memref<320000xi32, #tpu.memory_space<hbm>> -> memref<80xi32, #tpu.memory_space<hbm>>
        tpu.enqueue_dma source(%dma_start3A_176 : memref<80xi32, #tpu.memory_space<hbm>>) target(%arg14 : memref<80xi32, #tpu.memory_space<vmem>>) target_semaphore(%arg36 : memref<!tpu.dma_semaphore, #tpu.memory_space<semaphore_mem>>)
        %mul3A_177 = arith.constant 80 : i32
        %mul3A_178 = arith.muli %add3A_171, %mul3A_177 : i32
        %add3A_179 = arith.addi %mul3A_2, %mul3A_178 : i32
        %dma_start3A_180 = tpu.memref_slice %arg3[%add3A_179] : memref<320000xi32, #tpu.memory_space<hbm>> -> memref<80xi32, #tpu.memory_space<hbm>>
        %dma_start3A_181 = tpu.memref_slice %arg3[%add3A_179] : memref<320000xi32, #tpu.memory_space<hbm>> -> memref<80xi32, #tpu.memory_space<hbm>>
        tpu.enqueue_dma source(%dma_start3A_181 : memref<80xi32, #tpu.memory_space<hbm>>) target(%arg17 : memref<80xi32, #tpu.memory_space<vmem>>) target_semaphore(%arg36 : memref<!tpu.dma_semaphore, #tpu.memory_space<semaphore_mem>>)
      } else {
      }
      %add3A_101 = arith.constant 1 : i32
      %add3A_102 = arith.addi %add3A_93, %add3A_101 : i32
      %lt3A_103 = arith.constant 125 : i32
      %lt3A_104 = arith.cmpi slt, %add3A_102, %lt3A_103 : i32
      %convert_element_type3A_105 = arith.extui %lt3A_104 : i1 to i32
      %cond3A_106 = arith.constant 0 : i32
      %cond3A_107 = arith.cmpi ne, %convert_element_type3A_105, %cond3A_106 : i32
      scf.if %cond3A_107 {
        %add3A_170 = arith.constant 1 : i32
        %add3A_171 = arith.addi %add3A_93, %add3A_170 : i32
        %mul3A_172 = arith.constant 80 : i32
        %mul3A_173 = arith.muli %add3A_171, %mul3A_172 : i32
        %add3A_174 = arith.addi %mul3A_2, %mul3A_173 : i32
        %dma_wait3A_175 = tpu.memref_slice %arg2[%add3A_174] : memref<320000xi32, #tpu.memory_space<hbm>> -> memref<80xi32, #tpu.memory_space<hbm>>
        %dma_wait3A_176 = tpu.memref_slice %arg2[%add3A_174] : memref<320000xi32, #tpu.memory_space<hbm>> -> memref<80xi32, #tpu.memory_space<hbm>>
        tpu.wait_dma2 semaphore(%arg38 : memref<!tpu.dma_semaphore, #tpu.memory_space<semaphore_mem>>) src(%dma_wait3A_176 : memref<80xi32, #tpu.memory_space<hbm>>) dst(%arg16 : memref<80xi32, #tpu.memory_space<vmem>>)
        %mul3A_177 = arith.constant 80 : i32
        %mul3A_178 = arith.muli %add3A_171, %mul3A_177 : i32
        %add3A_179 = arith.addi %mul3A_2, %mul3A_178 : i32
        %dma_wait3A_180 = tpu.memref_slice %arg3[%add3A_179] : memref<320000xi32, #tpu.memory_space<hbm>> -> memref<80xi32, #tpu.memory_space<hbm>>
        %dma_wait3A_181 = tpu.memref_slice %arg3[%add3A_179] : memref<320000xi32, #tpu.memory_space<hbm>> -> memref<80xi32, #tpu.memory_space<hbm>>
        tpu.wait_dma2 semaphore(%arg38 : memref<!tpu.dma_semaphore, #tpu.memory_space<semaphore_mem>>) src(%dma_wait3A_181 : memref<80xi32, #tpu.memory_space<hbm>>) dst(%arg19 : memref<80xi32, #tpu.memory_space<vmem>>)
      } else {
      }
      %ge3A_108 = arith.constant 2 : i32
      %ge3A_109 = arith.cmpi sge, %add3A_93, %ge3A_108 : i32
      %add3A_110 = arith.constant 1 : i32
      %add3A_111 = arith.addi %add3A_93, %add3A_110 : i32
      %lt3A_112 = arith.constant 125 : i32
      %lt3A_113 = arith.cmpi slt, %add3A_111, %lt3A_112 : i32
      %and3A_114 = arith.andi %ge3A_109, %lt3A_113 : i1
      %convert_element_type3A_115 = arith.extui %and3A_114 : i1 to i32
      %cond3A_116 = arith.constant 0 : i32
      %cond3A_117 = arith.cmpi ne, %convert_element_type3A_115, %cond3A_116 : i32
      scf.if %cond3A_117 {
        %dma_wait3A_170 = arith.constant 0 : i32
        %dma_wait3A_171 = arith.constant 0 : i32
        %dma_wait3A_172 = tpu.memref_slice %arg35[%dma_wait3A_170, %dma_wait3A_171] : memref<10112x128xf32, #tpu.memory_space<vmem_shared>> -> memref<10112x128xf32, #tpu.memory_space<vmem_shared>>
        tpu.wait_indirect_dma semaphore(%arg44 : memref<!tpu.dma_semaphore, #tpu.memory_space<semaphore_mem>>) src(%arg34 : memref<80x128xf32, #tpu.memory_space<vmem>>) dst(%dma_wait3A_172 : memref<10112x128xf32, #tpu.memory_space<vmem_shared>>)
      } else {
      }
      %add3A_118 = arith.constant 1 : i32
      %add3A_119 = arith.addi %add3A_93, %add3A_118 : i32
      %lt3A_120 = arith.constant 125 : i32
      %lt3A_121 = arith.cmpi slt, %add3A_119, %lt3A_120 : i32
      %convert_element_type3A_122 = arith.extui %lt3A_121 : i1 to i32
      %cond3A_123 = arith.constant 0 : i32
      %cond3A_124 = arith.cmpi ne, %convert_element_type3A_122, %cond3A_123 : i32
      scf.if %cond3A_124 {
        %dma_start3A_170 = arith.constant 0 : i32
        %dma_start3A_171 = arith.constant 0 : i32
        %dma_start3A_172 = tpu.memref_slice %arg7[%dma_start3A_170, %dma_start3A_171] : memref<10000x128xf32, #tpu.memory_space<hbm>> -> memref<10000x128xf32, #tpu.memory_space<hbm>>
        tpu.enqueue_indirect_dma source(%dma_start3A_172 : memref<10000x128xf32, #tpu.memory_space<hbm>>) target(%arg34 : memref<80x128xf32, #tpu.memory_space<vmem>>) offsets(%arg16 : memref<80xi32, #tpu.memory_space<vmem>>) semaphore(%arg41 : memref<!tpu.dma_semaphore, #tpu.memory_space<semaphore_mem>>)
        %dma_start3A_173 = arith.constant 0 : i32
        %dma_start3A_174 = tpu.memref_slice %arg4[%dma_start3A_173] : memref<10000xf32, #tpu.memory_space<hbm>> -> memref<10000xf32, #tpu.memory_space<hbm>>
        tpu.enqueue_indirect_dma source(%dma_start3A_174 : memref<10000xf32, #tpu.memory_space<hbm>>) target(%arg22 : memref<80xf32, #tpu.memory_space<vmem>>) offsets(%arg16 : memref<80xi32, #tpu.memory_space<vmem>>) semaphore(%arg41 : memref<!tpu.dma_semaphore, #tpu.memory_space<semaphore_mem>>)
        %dma_start3A_175 = arith.constant 0 : i32
        %dma_start3A_176 = tpu.memref_slice %arg5[%dma_start3A_175] : memref<10000xf32, #tpu.memory_space<hbm>> -> memref<10000xf32, #tpu.memory_space<hbm>>
        tpu.enqueue_indirect_dma source(%dma_start3A_176 : memref<10000xf32, #tpu.memory_space<hbm>>) target(%arg25 : memref<80xf32, #tpu.memory_space<vmem>>) offsets(%arg19 : memref<80xi32, #tpu.memory_space<vmem>>) semaphore(%arg41 : memref<!tpu.dma_semaphore, #tpu.memory_space<semaphore_mem>>)
      } else {
      }
      %lt3A_125 = arith.constant 125 : i32
      %lt3A_126 = arith.cmpi slt, %add3A_93, %lt3A_125 : i32
      %convert_element_type3A_127 = arith.extui %lt3A_126 : i1 to i32
      %cond3A_128 = arith.constant 0 : i32
      %cond3A_129 = arith.cmpi ne, %convert_element_type3A_127, %cond3A_128 : i32
      scf.if %cond3A_129 {
        %dma_wait3A_170 = arith.constant 0 : i32
        %dma_wait3A_171 = arith.constant 0 : i32
        %dma_wait3A_172 = tpu.memref_slice %arg7[%dma_wait3A_170, %dma_wait3A_171] : memref<10000x128xf32, #tpu.memory_space<hbm>> -> memref<10000x128xf32, #tpu.memory_space<hbm>>
        tpu.wait_indirect_dma semaphore(%arg40 : memref<!tpu.dma_semaphore, #tpu.memory_space<semaphore_mem>>) src(%dma_wait3A_172 : memref<10000x128xf32, #tpu.memory_space<hbm>>) dst(%arg33 : memref<80x128xf32, #tpu.memory_space<vmem>>)
        %dma_wait3A_173 = arith.constant 0 : i32
        %dma_wait3A_174 = tpu.memref_slice %arg4[%dma_wait3A_173] : memref<10000xf32, #tpu.memory_space<hbm>> -> memref<10000xf32, #tpu.memory_space<hbm>>
        tpu.wait_indirect_dma semaphore(%arg40 : memref<!tpu.dma_semaphore, #tpu.memory_space<semaphore_mem>>) src(%dma_wait3A_174 : memref<10000xf32, #tpu.memory_space<hbm>>) dst(%arg21 : memref<80xf32, #tpu.memory_space<vmem>>)
        %dma_wait3A_175 = arith.constant 0 : i32
        %dma_wait3A_176 = tpu.memref_slice %arg5[%dma_wait3A_175] : memref<10000xf32, #tpu.memory_space<hbm>> -> memref<10000xf32, #tpu.memory_space<hbm>>
        tpu.wait_indirect_dma semaphore(%arg40 : memref<!tpu.dma_semaphore, #tpu.memory_space<semaphore_mem>>) src(%dma_wait3A_176 : memref<10000xf32, #tpu.memory_space<hbm>>) dst(%arg24 : memref<80xf32, #tpu.memory_space<vmem>>)
        %get3A_177 = arith.constant 0 : index
        %get3A_178 = tpu.vector_load %arg21[%get3A_177] {strides = array<i32>} : memref<80xf32, #tpu.memory_space<vmem>>, vector<16xf32>,
        %get3A_179 = arith.constant 0 : index
        %get3A_180 = tpu.vector_load %arg24[%get3A_179] {strides = array<i32>} : memref<80xf32, #tpu.memory_space<vmem>>, vector<16xf32>,
        %get3A_181 = arith.constant 0 : index
        %get3A_182 = tpu.vector_load %arg18[%get3A_181] {strides = array<i32>} : memref<80xi32, #tpu.memory_space<vmem>>, vector<16xi32>,
        %add3A_183 = arith.addf %get3A_178, %get3A_180 : vector<16xf32>
        %mul3A_184 = arith.constant 2.000000e-01 : f32
        %mul3A_185 = vector.broadcast %mul3A_184 : f32 to vector<16xf32>
        %mul3A_186 = arith.mulf %mul3A_185, %add3A_183 : vector<16xf32>
        %max3A = arith.maximumf %add3A_183, %mul3A_186 : vector<16xf32>
        %sub3A = arith.subf %max3A, %get3A_5 : vector<16xf32>
        %exp3A = math.exp %sub3A : vector<16xf32>
        %swap3A = arith.constant 0 : index
        %swap3A_187 = tpu.vector_load %arg27[%swap3A] {strides = array<i32>} : memref<80xf32, #tpu.memory_space<vmem>>, vector<16xf32>,
        tpu.vector_store %arg27[%swap3A], %exp3A {strides = array<i32>} : memref<80xf32, #tpu.memory_space<vmem>>, vector<16xf32>,
        %swap3A_188 = arith.constant 0 : index
        %swap3A_189 = tpu.vector_load %arg30[%swap3A_188] {strides = array<i32>} : memref<80xi32, #tpu.memory_space<vmem>>, vector<16xi32>,
        tpu.vector_store %arg30[%swap3A_188], %get3A_182 {strides = array<i32>} : memref<80xi32, #tpu.memory_space<vmem>>, vector<16xi32>,
        tpu.vector_store_idx %arg13[%get3A_182], %exp3A {add = true} : memref<10000xf32, #tpu.memory_space<vmem>>[vector<16xi32>], vector<16xf32>,
        %get3A_190 = arith.constant 16 : index
        %get3A_191 = tpu.vector_load %arg21[%get3A_190] {strides = array<i32>} : memref<80xf32, #tpu.memory_space<vmem>>, vector<16xf32>,
        %get3A_192 = arith.constant 16 : index
        %get3A_193 = tpu.vector_load %arg24[%get3A_192] {strides = array<i32>} : memref<80xf32, #tpu.memory_space<vmem>>, vector<16xf32>,
        %get3A_194 = arith.constant 16 : index
        %get3A_195 = tpu.vector_load %arg18[%get3A_194] {strides = array<i32>} : memref<80xi32, #tpu.memory_space<vmem>>, vector<16xi32>,
        %add3A_196 = arith.addf %get3A_191, %get3A_193 : vector<16xf32>
        %mul3A_197 = arith.constant 2.000000e-01 : f32
        %mul3A_198 = vector.broadcast %mul3A_197 : f32 to vector<16xf32>
        %mul3A_199 = arith.mulf %mul3A_198, %add3A_196 : vector<16xf32>
        %max3A_200 = arith.maximumf %add3A_196, %mul3A_199 : vector<16xf32>
        %sub3A_201 = arith.subf %max3A_200, %get3A_5 : vector<16xf32>
        %exp3A_202 = math.exp %sub3A_201 : vector<16xf32>
        %swap3A_203 = arith.constant 16 : index
        %swap3A_204 = tpu.vector_load %arg27[%swap3A_203] {strides = array<i32>} : memref<80xf32, #tpu.memory_space<vmem>>, vector<16xf32>,
        tpu.vector_store %arg27[%swap3A_203], %exp3A_202 {strides = array<i32>} : memref<80xf32, #tpu.memory_space<vmem>>, vector<16xf32>,
        %swap3A_205 = arith.constant 16 : index
        %swap3A_206 = tpu.vector_load %arg30[%swap3A_205] {strides = array<i32>} : memref<80xi32, #tpu.memory_space<vmem>>, vector<16xi32>,
        tpu.vector_store %arg30[%swap3A_205], %get3A_195 {strides = array<i32>} : memref<80xi32, #tpu.memory_space<vmem>>, vector<16xi32>,
        tpu.vector_store_idx %arg13[%get3A_195], %exp3A_202 {add = true} : memref<10000xf32, #tpu.memory_space<vmem>>[vector<16xi32>], vector<16xf32>,
        %get3A_207 = arith.constant 32 : index
        %get3A_208 = tpu.vector_load %arg21[%get3A_207] {strides = array<i32>} : memref<80xf32, #tpu.memory_space<vmem>>, vector<16xf32>,
        %get3A_209 = arith.constant 32 : index
        %get3A_210 = tpu.vector_load %arg24[%get3A_209] {strides = array<i32>} : memref<80xf32, #tpu.memory_space<vmem>>, vector<16xf32>,
        %get3A_211 = arith.constant 32 : index
        %get3A_212 = tpu.vector_load %arg18[%get3A_211] {strides = array<i32>} : memref<80xi32, #tpu.memory_space<vmem>>, vector<16xi32>,
        %add3A_213 = arith.addf %get3A_208, %get3A_210 : vector<16xf32>
        %mul3A_214 = arith.constant 2.000000e-01 : f32
        %mul3A_215 = vector.broadcast %mul3A_214 : f32 to vector<16xf32>
        %mul3A_216 = arith.mulf %mul3A_215, %add3A_213 : vector<16xf32>
        %max3A_217 = arith.maximumf %add3A_213, %mul3A_216 : vector<16xf32>
        %sub3A_218 = arith.subf %max3A_217, %get3A_5 : vector<16xf32>
        %exp3A_219 = math.exp %sub3A_218 : vector<16xf32>
        %swap3A_220 = arith.constant 32 : index
        %swap3A_221 = tpu.vector_load %arg27[%swap3A_220] {strides = array<i32>} : memref<80xf32, #tpu.memory_space<vmem>>, vector<16xf32>,
        tpu.vector_store %arg27[%swap3A_220], %exp3A_219 {strides = array<i32>} : memref<80xf32, #tpu.memory_space<vmem>>, vector<16xf32>,
        %swap3A_222 = arith.constant 32 : index
        %swap3A_223 = tpu.vector_load %arg30[%swap3A_222] {strides = array<i32>} : memref<80xi32, #tpu.memory_space<vmem>>, vector<16xi32>,
        tpu.vector_store %arg30[%swap3A_222], %get3A_212 {strides = array<i32>} : memref<80xi32, #tpu.memory_space<vmem>>, vector<16xi32>,
        tpu.vector_store_idx %arg13[%get3A_212], %exp3A_219 {add = true} : memref<10000xf32, #tpu.memory_space<vmem>>[vector<16xi32>], vector<16xf32>,
        %get3A_224 = arith.constant 48 : index
        %get3A_225 = tpu.vector_load %arg21[%get3A_224] {strides = array<i32>} : memref<80xf32, #tpu.memory_space<vmem>>, vector<16xf32>,
        %get3A_226 = arith.constant 48 : index
        %get3A_227 = tpu.vector_load %arg24[%get3A_226] {strides = array<i32>} : memref<80xf32, #tpu.memory_space<vmem>>, vector<16xf32>,
        %get3A_228 = arith.constant 48 : index
        %get3A_229 = tpu.vector_load %arg18[%get3A_228] {strides = array<i32>} : memref<80xi32, #tpu.memory_space<vmem>>, vector<16xi32>,
        %add3A_230 = arith.addf %get3A_225, %get3A_227 : vector<16xf32>
        %mul3A_231 = arith.constant 2.000000e-01 : f32
        %mul3A_232 = vector.broadcast %mul3A_231 : f32 to vector<16xf32>
        %mul3A_233 = arith.mulf %mul3A_232, %add3A_230 : vector<16xf32>
        %max3A_234 = arith.maximumf %add3A_230, %mul3A_233 : vector<16xf32>
        %sub3A_235 = arith.subf %max3A_234, %get3A_5 : vector<16xf32>
        %exp3A_236 = math.exp %sub3A_235 : vector<16xf32>
        %swap3A_237 = arith.constant 48 : index
        %swap3A_238 = tpu.vector_load %arg27[%swap3A_237] {strides = array<i32>} : memref<80xf32, #tpu.memory_space<vmem>>, vector<16xf32>,
        tpu.vector_store %arg27[%swap3A_237], %exp3A_236 {strides = array<i32>} : memref<80xf32, #tpu.memory_space<vmem>>, vector<16xf32>,
        %swap3A_239 = arith.constant 48 : index
        %swap3A_240 = tpu.vector_load %arg30[%swap3A_239] {strides = array<i32>} : memref<80xi32, #tpu.memory_space<vmem>>, vector<16xi32>,
        tpu.vector_store %arg30[%swap3A_239], %get3A_229 {strides = array<i32>} : memref<80xi32, #tpu.memory_space<vmem>>, vector<16xi32>,
        tpu.vector_store_idx %arg13[%get3A_229], %exp3A_236 {add = true} : memref<10000xf32, #tpu.memory_space<vmem>>[vector<16xi32>], vector<16xf32>,
        %get3A_241 = arith.constant 64 : index
        %get3A_242 = tpu.vector_load %arg21[%get3A_241] {strides = array<i32>} : memref<80xf32, #tpu.memory_space<vmem>>, vector<16xf32>,
        %get3A_243 = arith.constant 64 : index
        %get3A_244 = tpu.vector_load %arg24[%get3A_243] {strides = array<i32>} : memref<80xf32, #tpu.memory_space<vmem>>, vector<16xf32>,
        %get3A_245 = arith.constant 64 : index
        %get3A_246 = tpu.vector_load %arg18[%get3A_245] {strides = array<i32>} : memref<80xi32, #tpu.memory_space<vmem>>, vector<16xi32>,
        %add3A_247 = arith.addf %get3A_242, %get3A_244 : vector<16xf32>
        %mul3A_248 = arith.constant 2.000000e-01 : f32
        %mul3A_249 = vector.broadcast %mul3A_248 : f32 to vector<16xf32>
        %mul3A_250 = arith.mulf %mul3A_249, %add3A_247 : vector<16xf32>
        %max3A_251 = arith.maximumf %add3A_247, %mul3A_250 : vector<16xf32>
        %sub3A_252 = arith.subf %max3A_251, %get3A_5 : vector<16xf32>
        %exp3A_253 = math.exp %sub3A_252 : vector<16xf32>
        %swap3A_254 = arith.constant 64 : index
        %swap3A_255 = tpu.vector_load %arg27[%swap3A_254] {strides = array<i32>} : memref<80xf32, #tpu.memory_space<vmem>>, vector<16xf32>,
        tpu.vector_store %arg27[%swap3A_254], %exp3A_253 {strides = array<i32>} : memref<80xf32, #tpu.memory_space<vmem>>, vector<16xf32>,
        %swap3A_256 = arith.constant 64 : index
        %swap3A_257 = tpu.vector_load %arg30[%swap3A_256] {strides = array<i32>} : memref<80xi32, #tpu.memory_space<vmem>>, vector<16xi32>,
        tpu.vector_store %arg30[%swap3A_256], %get3A_246 {strides = array<i32>} : memref<80xi32, #tpu.memory_space<vmem>>, vector<16xi32>,
        tpu.vector_store_idx %arg13[%get3A_246], %exp3A_253 {add = true} : memref<10000xf32, #tpu.memory_space<vmem>>[vector<16xi32>], vector<16xf32>,
        %scan3A_258 = arith.constant 0 : i32
        %scan3A_259 = arith.constant 0 : i32
        %scan3A_260 = arith.constant 80 : i32
        %scan3A_261 = arith.addi %scan3A_259, %scan3A_260 : i32
        %scan3A_262 = arith.constant 1 : i32
        scf.for %scan3A_267 = %scan3A_259 to %scan3A_261 step %scan3A_262  : i32 {
          %broadcast_in_dim3A = vector.broadcast %scan3A_267 : i32 to vector<16xi32>
          %gather3A = tpu.vector_load_idx %arg27[%broadcast_in_dim3A] : memref<80xf32, #tpu.memory_space<vmem>>[vector<16xi32>], vector<16xf32>,
          %get3A_268 = arith.index_cast %scan3A_267 : i32 to index
          %get3A_269 = arith.constant 0 : index
          %get3A_270 = tpu.vector_load %arg33[%get3A_268, %get3A_269] {strides = array<i32>} : memref<80x128xf32, #tpu.memory_space<vmem>>, vector<16xf32>,
          %mul3A_271 = arith.mulf %get3A_270, %gather3A : vector<16xf32>
          %swap3A_272 = arith.index_cast %scan3A_267 : i32 to index
          %swap3A_273 = arith.constant 0 : index
          %swap3A_274 = tpu.vector_load %arg33[%swap3A_272, %swap3A_273] {strides = array<i32>} : memref<80x128xf32, #tpu.memory_space<vmem>>, vector<16xf32>,
          tpu.vector_store %arg33[%swap3A_272, %swap3A_273], %mul3A_271 {strides = array<i32>} : memref<80x128xf32, #tpu.memory_space<vmem>>, vector<16xf32>,
          %get3A_275 = arith.index_cast %scan3A_267 : i32 to index
          %get3A_276 = arith.constant 16 : index
          %get3A_277 = tpu.vector_load %arg33[%get3A_275, %get3A_276] {strides = array<i32>} : memref<80x128xf32, #tpu.memory_space<vmem>>, vector<16xf32>,
          %mul3A_278 = arith.mulf %get3A_277, %gather3A : vector<16xf32>
          %swap3A_279 = arith.index_cast %scan3A_267 : i32 to index
          %swap3A_280 = arith.constant 16 : index
          %swap3A_281 = tpu.vector_load %arg33[%swap3A_279, %swap3A_280] {strides = array<i32>} : memref<80x128xf32, #tpu.memory_space<vmem>>, vector<16xf32>,
          tpu.vector_store %arg33[%swap3A_279, %swap3A_280], %mul3A_278 {strides = array<i32>} : memref<80x128xf32, #tpu.memory_space<vmem>>, vector<16xf32>,
          %get3A_282 = arith.index_cast %scan3A_267 : i32 to index
          %get3A_283 = arith.constant 32 : index
          %get3A_284 = tpu.vector_load %arg33[%get3A_282, %get3A_283] {strides = array<i32>} : memref<80x128xf32, #tpu.memory_space<vmem>>, vector<16xf32>,
          %mul3A_285 = arith.mulf %get3A_284, %gather3A : vector<16xf32>
          %swap3A_286 = arith.index_cast %scan3A_267 : i32 to index
          %swap3A_287 = arith.constant 32 : index
          %swap3A_288 = tpu.vector_load %arg33[%swap3A_286, %swap3A_287] {strides = array<i32>} : memref<80x128xf32, #tpu.memory_space<vmem>>, vector<16xf32>,
          tpu.vector_store %arg33[%swap3A_286, %swap3A_287], %mul3A_285 {strides = array<i32>} : memref<80x128xf32, #tpu.memory_space<vmem>>, vector<16xf32>,
          %get3A_289 = arith.index_cast %scan3A_267 : i32 to index
          %get3A_290 = arith.constant 48 : index
          %get3A_291 = tpu.vector_load %arg33[%get3A_289, %get3A_290] {strides = array<i32>} : memref<80x128xf32, #tpu.memory_space<vmem>>, vector<16xf32>,
          %mul3A_292 = arith.mulf %get3A_291, %gather3A : vector<16xf32>
          %swap3A_293 = arith.index_cast %scan3A_267 : i32 to index
          %swap3A_294 = arith.constant 48 : index
          %swap3A_295 = tpu.vector_load %arg33[%swap3A_293, %swap3A_294] {strides = array<i32>} : memref<80x128xf32, #tpu.memory_space<vmem>>, vector<16xf32>,
          tpu.vector_store %arg33[%swap3A_293, %swap3A_294], %mul3A_292 {strides = array<i32>} : memref<80x128xf32, #tpu.memory_space<vmem>>, vector<16xf32>,
          %get3A_296 = arith.index_cast %scan3A_267 : i32 to index
          %get3A_297 = arith.constant 64 : index
          %get3A_298 = tpu.vector_load %arg33[%get3A_296, %get3A_297] {strides = array<i32>} : memref<80x128xf32, #tpu.memory_space<vmem>>, vector<16xf32>,
          %mul3A_299 = arith.mulf %get3A_298, %gather3A : vector<16xf32>
          %swap3A_300 = arith.index_cast %scan3A_267 : i32 to index
          %swap3A_301 = arith.constant 64 : index
          %swap3A_302 = tpu.vector_load %arg33[%swap3A_300, %swap3A_301] {strides = array<i32>} : memref<80x128xf32, #tpu.memory_space<vmem>>, vector<16xf32>,
          tpu.vector_store %arg33[%swap3A_300, %swap3A_301], %mul3A_299 {strides = array<i32>} : memref<80x128xf32, #tpu.memory_space<vmem>>, vector<16xf32>,
          %get3A_303 = arith.index_cast %scan3A_267 : i32 to index
          %get3A_304 = arith.constant 80 : index
          %get3A_305 = tpu.vector_load %arg33[%get3A_303, %get3A_304] {strides = array<i32>} : memref<80x128xf32, #tpu.memory_space<vmem>>, vector<16xf32>,
          %mul3A_306 = arith.mulf %get3A_305, %gather3A : vector<16xf32>
          %swap3A_307 = arith.index_cast %scan3A_267 : i32 to index
          %swap3A_308 = arith.constant 80 : index
          %swap3A_309 = tpu.vector_load %arg33[%swap3A_307, %swap3A_308] {strides = array<i32>} : memref<80x128xf32, #tpu.memory_space<vmem>>, vector<16xf32>,
          tpu.vector_store %arg33[%swap3A_307, %swap3A_308], %mul3A_306 {strides = array<i32>} : memref<80x128xf32, #tpu.memory_space<vmem>>, vector<16xf32>,
          %get3A_310 = arith.index_cast %scan3A_267 : i32 to index
          %get3A_311 = arith.constant 96 : index
          %get3A_312 = tpu.vector_load %arg33[%get3A_310, %get3A_311] {strides = array<i32>} : memref<80x128xf32, #tpu.memory_space<vmem>>, vector<16xf32>,
          %mul3A_313 = arith.mulf %get3A_312, %gather3A : vector<16xf32>
          %swap3A_314 = arith.index_cast %scan3A_267 : i32 to index
          %swap3A_315 = arith.constant 96 : index
          %swap3A_316 = tpu.vector_load %arg33[%swap3A_314, %swap3A_315] {strides = array<i32>} : memref<80x128xf32, #tpu.memory_space<vmem>>, vector<16xf32>,
          tpu.vector_store %arg33[%swap3A_314, %swap3A_315], %mul3A_313 {strides = array<i32>} : memref<80x128xf32, #tpu.memory_space<vmem>>, vector<16xf32>,
          %get3A_317 = arith.index_cast %scan3A_267 : i32 to index
          %get3A_318 = arith.constant 112 : index
          %get3A_319 = tpu.vector_load %arg33[%get3A_317, %get3A_318] {strides = array<i32>} : memref<80x128xf32, #tpu.memory_space<vmem>>, vector<16xf32>,
          %mul3A_320 = arith.mulf %get3A_319, %gather3A : vector<16xf32>
          %swap3A_321 = arith.index_cast %scan3A_267 : i32 to index
          %swap3A_322 = arith.constant 112 : index
          %swap3A_323 = tpu.vector_load %arg33[%swap3A_321, %swap3A_322] {strides = array<i32>} : memref<80x128xf32, #tpu.memory_space<vmem>>, vector<16xf32>,
          tpu.vector_store %arg33[%swap3A_321, %swap3A_322], %mul3A_320 {strides = array<i32>} : memref<80x128xf32, #tpu.memory_space<vmem>>, vector<16xf32>,
        }
        %scan3A_263 = arith.constant 80 : i32
        %dma_start3A_264 = arith.constant 0 : i32
        %dma_start3A_265 = arith.constant 0 : i32
        %dma_start3A_266 = tpu.memref_slice %arg35[%dma_start3A_264, %dma_start3A_265] : memref<10112x128xf32, #tpu.memory_space<vmem_shared>> -> memref<10112x128xf32, #tpu.memory_space<vmem_shared>>
        tpu.enqueue_indirect_dma source(%arg33 : memref<80x128xf32, #tpu.memory_space<vmem>>) target(%dma_start3A_266 : memref<10112x128xf32, #tpu.memory_space<vmem_shared>>) offsets(%arg30 : memref<80xi32, #tpu.memory_space<vmem>>) semaphore(%arg43 : memref<!tpu.dma_semaphore, #tpu.memory_space<semaphore_mem>>) {add = true}
      } else {
      }
      %mul3A_130 = arith.constant 3 : i32
      %mul3A_131 = arith.muli %scan3A_54, %mul3A_130 : i32
      %add3A_132 = arith.constant 2 : i32
      %add3A_133 = arith.addi %mul3A_131, %add3A_132 : i32
      %add3A_134 = arith.constant 2 : i32
      %add3A_135 = arith.addi %add3A_133, %add3A_134 : i32
      %lt3A_136 = arith.constant 125 : i32
      %lt3A_137 = arith.cmpi slt, %add3A_135, %lt3A_136 : i32
      %convert_element_type3A_138 = arith.extui %lt3A_137 : i1 to i32
      %cond3A_139 = arith.constant 0 : i32
      %cond3A_140 = arith.cmpi ne, %convert_element_type3A_138, %cond3A_139 : i32
      scf.if %cond3A_140 {
        %add3A_170 = arith.constant 2 : i32
        %add3A_171 = arith.addi %add3A_133, %add3A_170 : i32
        %mul3A_172 = arith.constant 80 : i32
        %mul3A_173 = arith.muli %add3A_171, %mul3A_172 : i32
        %add3A_174 = arith.addi %mul3A_2, %mul3A_173 : i32
        %dma_start3A_175 = tpu.memref_slice %arg2[%add3A_174] : memref<320000xi32, #tpu.memory_space<hbm>> -> memref<80xi32, #tpu.memory_space<hbm>>
        %dma_start3A_176 = tpu.memref_slice %arg2[%add3A_174] : memref<320000xi32, #tpu.memory_space<hbm>> -> memref<80xi32, #tpu.memory_space<hbm>>
        tpu.enqueue_dma source(%dma_start3A_176 : memref<80xi32, #tpu.memory_space<hbm>>) target(%arg15 : memref<80xi32, #tpu.memory_space<vmem>>) target_semaphore(%arg37 : memref<!tpu.dma_semaphore, #tpu.memory_space<semaphore_mem>>)
        %mul3A_177 = arith.constant 80 : i32
        %mul3A_178 = arith.muli %add3A_171, %mul3A_177 : i32
        %add3A_179 = arith.addi %mul3A_2, %mul3A_178 : i32
        %dma_start3A_180 = tpu.memref_slice %arg3[%add3A_179] : memref<320000xi32, #tpu.memory_space<hbm>> -> memref<80xi32, #tpu.memory_space<hbm>>
        %dma_start3A_181 = tpu.memref_slice %arg3[%add3A_179] : memref<320000xi32, #tpu.memory_space<hbm>> -> memref<80xi32, #tpu.memory_space<hbm>>
        tpu.enqueue_dma source(%dma_start3A_181 : memref<80xi32, #tpu.memory_space<hbm>>) target(%arg18 : memref<80xi32, #tpu.memory_space<vmem>>) target_semaphore(%arg37 : memref<!tpu.dma_semaphore, #tpu.memory_space<semaphore_mem>>)
      } else {
      }
      %add3A_141 = arith.constant 1 : i32
      %add3A_142 = arith.addi %add3A_133, %add3A_141 : i32
      %lt3A_143 = arith.constant 125 : i32
      %lt3A_144 = arith.cmpi slt, %add3A_142, %lt3A_143 : i32
      %convert_element_type3A_145 = arith.extui %lt3A_144 : i1 to i32
      %cond3A_146 = arith.constant 0 : i32
      %cond3A_147 = arith.cmpi ne, %convert_element_type3A_145, %cond3A_146 : i32
      scf.if %cond3A_147 {
        %add3A_170 = arith.constant 1 : i32
        %add3A_171 = arith.addi %add3A_133, %add3A_170 : i32
        %mul3A_172 = arith.constant 80 : i32
        %mul3A_173 = arith.muli %add3A_171, %mul3A_172 : i32
        %add3A_174 = arith.addi %mul3A_2, %mul3A_173 : i32
        %dma_wait3A_175 = tpu.memref_slice %arg2[%add3A_174] : memref<320000xi32, #tpu.memory_space<hbm>> -> memref<80xi32, #tpu.memory_space<hbm>>
        %dma_wait3A_176 = tpu.memref_slice %arg2[%add3A_174] : memref<320000xi32, #tpu.memory_space<hbm>> -> memref<80xi32, #tpu.memory_space<hbm>>
        tpu.wait_dma2 semaphore(%arg36 : memref<!tpu.dma_semaphore, #tpu.memory_space<semaphore_mem>>) src(%dma_wait3A_176 : memref<80xi32, #tpu.memory_space<hbm>>) dst(%arg14 : memref<80xi32, #tpu.memory_space<vmem>>)
        %mul3A_177 = arith.constant 80 : i32
        %mul3A_178 = arith.muli %add3A_171, %mul3A_177 : i32
        %add3A_179 = arith.addi %mul3A_2, %mul3A_178 : i32
        %dma_wait3A_180 = tpu.memref_slice %arg3[%add3A_179] : memref<320000xi32, #tpu.memory_space<hbm>> -> memref<80xi32, #tpu.memory_space<hbm>>
        %dma_wait3A_181 = tpu.memref_slice %arg3[%add3A_179] : memref<320000xi32, #tpu.memory_space<hbm>> -> memref<80xi32, #tpu.memory_space<hbm>>
        tpu.wait_dma2 semaphore(%arg36 : memref<!tpu.dma_semaphore, #tpu.memory_space<semaphore_mem>>) src(%dma_wait3A_181 : memref<80xi32, #tpu.memory_space<hbm>>) dst(%arg17 : memref<80xi32, #tpu.memory_space<vmem>>)
      } else {
      }
      %ge3A_148 = arith.constant 2 : i32
      %ge3A_149 = arith.cmpi sge, %add3A_133, %ge3A_148 : i32
      %add3A_150 = arith.constant 1 : i32
      %add3A_151 = arith.addi %add3A_133, %add3A_150 : i32
      %lt3A_152 = arith.constant 125 : i32
      %lt3A_153 = arith.cmpi slt, %add3A_151, %lt3A_152 : i32
      %and3A_154 = arith.andi %ge3A_149, %lt3A_153 : i1
      %convert_element_type3A_155 = arith.extui %and3A_154 : i1 to i32
      %cond3A_156 = arith.constant 0 : i32
      %cond3A_157 = arith.cmpi ne, %convert_element_type3A_155, %cond3A_156 : i32
      scf.if %cond3A_157 {
        %dma_wait3A_170 = arith.constant 0 : i32
        %dma_wait3A_171 = arith.constant 0 : i32
        %dma_wait3A_172 = tpu.memref_slice %arg35[%dma_wait3A_170, %dma_wait3A_171] : memref<10112x128xf32, #tpu.memory_space<vmem_shared>> -> memref<10112x128xf32, #tpu.memory_space<vmem_shared>>
        tpu.wait_indirect_dma semaphore(%arg42 : memref<!tpu.dma_semaphore, #tpu.memory_space<semaphore_mem>>) src(%arg32 : memref<80x128xf32, #tpu.memory_space<vmem>>) dst(%dma_wait3A_172 : memref<10112x128xf32, #tpu.memory_space<vmem_shared>>)
      } else {
      }
      %add3A_158 = arith.constant 1 : i32
      %add3A_159 = arith.addi %add3A_133, %add3A_158 : i32
      %lt3A_160 = arith.constant 125 : i32
      %lt3A_161 = arith.cmpi slt, %add3A_159, %lt3A_160 : i32
      %convert_element_type3A_162 = arith.extui %lt3A_161 : i1 to i32
      %cond3A_163 = arith.constant 0 : i32
      %cond3A_164 = arith.cmpi ne, %convert_element_type3A_162, %cond3A_163 : i32
      scf.if %cond3A_164 {
        %dma_start3A_170 = arith.constant 0 : i32
        %dma_start3A_171 = arith.constant 0 : i32
        %dma_start3A_172 = tpu.memref_slice %arg7[%dma_start3A_170, %dma_start3A_171] : memref<10000x128xf32, #tpu.memory_space<hbm>> -> memref<10000x128xf32, #tpu.memory_space<hbm>>
        tpu.enqueue_indirect_dma source(%dma_start3A_172 : memref<10000x128xf32, #tpu.memory_space<hbm>>) target(%arg32 : memref<80x128xf32, #tpu.memory_space<vmem>>) offsets(%arg14 : memref<80xi32, #tpu.memory_space<vmem>>) semaphore(%arg39 : memref<!tpu.dma_semaphore, #tpu.memory_space<semaphore_mem>>)
        %dma_start3A_173 = arith.constant 0 : i32
        %dma_start3A_174 = tpu.memref_slice %arg4[%dma_start3A_173] : memref<10000xf32, #tpu.memory_space<hbm>> -> memref<10000xf32, #tpu.memory_space<hbm>>
        tpu.enqueue_indirect_dma source(%dma_start3A_174 : memref<10000xf32, #tpu.memory_space<hbm>>) target(%arg20 : memref<80xf32, #tpu.memory_space<vmem>>) offsets(%arg14 : memref<80xi32, #tpu.memory_space<vmem>>) semaphore(%arg39 : memref<!tpu.dma_semaphore, #tpu.memory_space<semaphore_mem>>)
        %dma_start3A_175 = arith.constant 0 : i32
        %dma_start3A_176 = tpu.memref_slice %arg5[%dma_start3A_175] : memref<10000xf32, #tpu.memory_space<hbm>> -> memref<10000xf32, #tpu.memory_space<hbm>>
        tpu.enqueue_indirect_dma source(%dma_start3A_176 : memref<10000xf32, #tpu.memory_space<hbm>>) target(%arg23 : memref<80xf32, #tpu.memory_space<vmem>>) offsets(%arg17 : memref<80xi32, #tpu.memory_space<vmem>>) semaphore(%arg39 : memref<!tpu.dma_semaphore, #tpu.memory_space<semaphore_mem>>)
      } else {
      }
      %lt3A_165 = arith.constant 125 : i32
      %lt3A_166 = arith.cmpi slt, %add3A_133, %lt3A_165 : i32
      %convert_element_type3A_167 = arith.extui %lt3A_166 : i1 to i32
      %cond3A_168 = arith.constant 0 : i32
      %cond3A_169 = arith.cmpi ne, %convert_element_type3A_167, %cond3A_168 : i32
      scf.if %cond3A_169 {
        %dma_wait3A_170 = arith.constant 0 : i32
        %dma_wait3A_171 = arith.constant 0 : i32
        %dma_wait3A_172 = tpu.memref_slice %arg7[%dma_wait3A_170, %dma_wait3A_171] : memref<10000x128xf32, #tpu.memory_space<hbm>> -> memref<10000x128xf32, #tpu.memory_space<hbm>>
        tpu.wait_indirect_dma semaphore(%arg41 : memref<!tpu.dma_semaphore, #tpu.memory_space<semaphore_mem>>) src(%dma_wait3A_172 : memref<10000x128xf32, #tpu.memory_space<hbm>>) dst(%arg34 : memref<80x128xf32, #tpu.memory_space<vmem>>)
        %dma_wait3A_173 = arith.constant 0 : i32
        %dma_wait3A_174 = tpu.memref_slice %arg4[%dma_wait3A_173] : memref<10000xf32, #tpu.memory_space<hbm>> -> memref<10000xf32, #tpu.memory_space<hbm>>
        tpu.wait_indirect_dma semaphore(%arg41 : memref<!tpu.dma_semaphore, #tpu.memory_space<semaphore_mem>>) src(%dma_wait3A_174 : memref<10000xf32, #tpu.memory_space<hbm>>) dst(%arg22 : memref<80xf32, #tpu.memory_space<vmem>>)
        %dma_wait3A_175 = arith.constant 0 : i32
        %dma_wait3A_176 = tpu.memref_slice %arg5[%dma_wait3A_175] : memref<10000xf32, #tpu.memory_space<hbm>> -> memref<10000xf32, #tpu.memory_space<hbm>>
        tpu.wait_indirect_dma semaphore(%arg41 : memref<!tpu.dma_semaphore, #tpu.memory_space<semaphore_mem>>) src(%dma_wait3A_176 : memref<10000xf32, #tpu.memory_space<hbm>>) dst(%arg25 : memref<80xf32, #tpu.memory_space<vmem>>)
        %get3A_177 = arith.constant 0 : index
        %get3A_178 = tpu.vector_load %arg22[%get3A_177] {strides = array<i32>} : memref<80xf32, #tpu.memory_space<vmem>>, vector<16xf32>,
        %get3A_179 = arith.constant 0 : index
        %get3A_180 = tpu.vector_load %arg25[%get3A_179] {strides = array<i32>} : memref<80xf32, #tpu.memory_space<vmem>>, vector<16xf32>,
        %get3A_181 = arith.constant 0 : index
        %get3A_182 = tpu.vector_load %arg19[%get3A_181] {strides = array<i32>} : memref<80xi32, #tpu.memory_space<vmem>>, vector<16xi32>,
        %add3A_183 = arith.addf %get3A_178, %get3A_180 : vector<16xf32>
        %mul3A_184 = arith.constant 2.000000e-01 : f32
        %mul3A_185 = vector.broadcast %mul3A_184 : f32 to vector<16xf32>
        %mul3A_186 = arith.mulf %mul3A_185, %add3A_183 : vector<16xf32>
        %max3A = arith.maximumf %add3A_183, %mul3A_186 : vector<16xf32>
        %sub3A = arith.subf %max3A, %get3A_5 : vector<16xf32>
        %exp3A = math.exp %sub3A : vector<16xf32>
        %swap3A = arith.constant 0 : index
        %swap3A_187 = tpu.vector_load %arg28[%swap3A] {strides = array<i32>} : memref<80xf32, #tpu.memory_space<vmem>>, vector<16xf32>,
        tpu.vector_store %arg28[%swap3A], %exp3A {strides = array<i32>} : memref<80xf32, #tpu.memory_space<vmem>>, vector<16xf32>,
        %swap3A_188 = arith.constant 0 : index
        %swap3A_189 = tpu.vector_load %arg31[%swap3A_188] {strides = array<i32>} : memref<80xi32, #tpu.memory_space<vmem>>, vector<16xi32>,
        tpu.vector_store %arg31[%swap3A_188], %get3A_182 {strides = array<i32>} : memref<80xi32, #tpu.memory_space<vmem>>, vector<16xi32>,
        tpu.vector_store_idx %arg13[%get3A_182], %exp3A {add = true} : memref<10000xf32, #tpu.memory_space<vmem>>[vector<16xi32>], vector<16xf32>,
        %get3A_190 = arith.constant 16 : index
        %get3A_191 = tpu.vector_load %arg22[%get3A_190] {strides = array<i32>} : memref<80xf32, #tpu.memory_space<vmem>>, vector<16xf32>,
        %get3A_192 = arith.constant 16 : index
        %get3A_193 = tpu.vector_load %arg25[%get3A_192] {strides = array<i32>} : memref<80xf32, #tpu.memory_space<vmem>>, vector<16xf32>,
        %get3A_194 = arith.constant 16 : index
        %get3A_195 = tpu.vector_load %arg19[%get3A_194] {strides = array<i32>} : memref<80xi32, #tpu.memory_space<vmem>>, vector<16xi32>,
        %add3A_196 = arith.addf %get3A_191, %get3A_193 : vector<16xf32>
        %mul3A_197 = arith.constant 2.000000e-01 : f32
        %mul3A_198 = vector.broadcast %mul3A_197 : f32 to vector<16xf32>
        %mul3A_199 = arith.mulf %mul3A_198, %add3A_196 : vector<16xf32>
        %max3A_200 = arith.maximumf %add3A_196, %mul3A_199 : vector<16xf32>
        %sub3A_201 = arith.subf %max3A_200, %get3A_5 : vector<16xf32>
        %exp3A_202 = math.exp %sub3A_201 : vector<16xf32>
        %swap3A_203 = arith.constant 16 : index
        %swap3A_204 = tpu.vector_load %arg28[%swap3A_203] {strides = array<i32>} : memref<80xf32, #tpu.memory_space<vmem>>, vector<16xf32>,
        tpu.vector_store %arg28[%swap3A_203], %exp3A_202 {strides = array<i32>} : memref<80xf32, #tpu.memory_space<vmem>>, vector<16xf32>,
        %swap3A_205 = arith.constant 16 : index
        %swap3A_206 = tpu.vector_load %arg31[%swap3A_205] {strides = array<i32>} : memref<80xi32, #tpu.memory_space<vmem>>, vector<16xi32>,
        tpu.vector_store %arg31[%swap3A_205], %get3A_195 {strides = array<i32>} : memref<80xi32, #tpu.memory_space<vmem>>, vector<16xi32>,
        tpu.vector_store_idx %arg13[%get3A_195], %exp3A_202 {add = true} : memref<10000xf32, #tpu.memory_space<vmem>>[vector<16xi32>], vector<16xf32>,
        %get3A_207 = arith.constant 32 : index
        %get3A_208 = tpu.vector_load %arg22[%get3A_207] {strides = array<i32>} : memref<80xf32, #tpu.memory_space<vmem>>, vector<16xf32>,
        %get3A_209 = arith.constant 32 : index
        %get3A_210 = tpu.vector_load %arg25[%get3A_209] {strides = array<i32>} : memref<80xf32, #tpu.memory_space<vmem>>, vector<16xf32>,
        %get3A_211 = arith.constant 32 : index
        %get3A_212 = tpu.vector_load %arg19[%get3A_211] {strides = array<i32>} : memref<80xi32, #tpu.memory_space<vmem>>, vector<16xi32>,
        %add3A_213 = arith.addf %get3A_208, %get3A_210 : vector<16xf32>
        %mul3A_214 = arith.constant 2.000000e-01 : f32
        %mul3A_215 = vector.broadcast %mul3A_214 : f32 to vector<16xf32>
        %mul3A_216 = arith.mulf %mul3A_215, %add3A_213 : vector<16xf32>
        %max3A_217 = arith.maximumf %add3A_213, %mul3A_216 : vector<16xf32>
        %sub3A_218 = arith.subf %max3A_217, %get3A_5 : vector<16xf32>
        %exp3A_219 = math.exp %sub3A_218 : vector<16xf32>
        %swap3A_220 = arith.constant 32 : index
        %swap3A_221 = tpu.vector_load %arg28[%swap3A_220] {strides = array<i32>} : memref<80xf32, #tpu.memory_space<vmem>>, vector<16xf32>,
        tpu.vector_store %arg28[%swap3A_220], %exp3A_219 {strides = array<i32>} : memref<80xf32, #tpu.memory_space<vmem>>, vector<16xf32>,
        %swap3A_222 = arith.constant 32 : index
        %swap3A_223 = tpu.vector_load %arg31[%swap3A_222] {strides = array<i32>} : memref<80xi32, #tpu.memory_space<vmem>>, vector<16xi32>,
        tpu.vector_store %arg31[%swap3A_222], %get3A_212 {strides = array<i32>} : memref<80xi32, #tpu.memory_space<vmem>>, vector<16xi32>,
        tpu.vector_store_idx %arg13[%get3A_212], %exp3A_219 {add = true} : memref<10000xf32, #tpu.memory_space<vmem>>[vector<16xi32>], vector<16xf32>,
        %get3A_224 = arith.constant 48 : index
        %get3A_225 = tpu.vector_load %arg22[%get3A_224] {strides = array<i32>} : memref<80xf32, #tpu.memory_space<vmem>>, vector<16xf32>,
        %get3A_226 = arith.constant 48 : index
        %get3A_227 = tpu.vector_load %arg25[%get3A_226] {strides = array<i32>} : memref<80xf32, #tpu.memory_space<vmem>>, vector<16xf32>,
        %get3A_228 = arith.constant 48 : index
        %get3A_229 = tpu.vector_load %arg19[%get3A_228] {strides = array<i32>} : memref<80xi32, #tpu.memory_space<vmem>>, vector<16xi32>,
        %add3A_230 = arith.addf %get3A_225, %get3A_227 : vector<16xf32>
        %mul3A_231 = arith.constant 2.000000e-01 : f32
        %mul3A_232 = vector.broadcast %mul3A_231 : f32 to vector<16xf32>
        %mul3A_233 = arith.mulf %mul3A_232, %add3A_230 : vector<16xf32>
        %max3A_234 = arith.maximumf %add3A_230, %mul3A_233 : vector<16xf32>
        %sub3A_235 = arith.subf %max3A_234, %get3A_5 : vector<16xf32>
        %exp3A_236 = math.exp %sub3A_235 : vector<16xf32>
        %swap3A_237 = arith.constant 48 : index
        %swap3A_238 = tpu.vector_load %arg28[%swap3A_237] {strides = array<i32>} : memref<80xf32, #tpu.memory_space<vmem>>, vector<16xf32>,
        tpu.vector_store %arg28[%swap3A_237], %exp3A_236 {strides = array<i32>} : memref<80xf32, #tpu.memory_space<vmem>>, vector<16xf32>,
        %swap3A_239 = arith.constant 48 : index
        %swap3A_240 = tpu.vector_load %arg31[%swap3A_239] {strides = array<i32>} : memref<80xi32, #tpu.memory_space<vmem>>, vector<16xi32>,
        tpu.vector_store %arg31[%swap3A_239], %get3A_229 {strides = array<i32>} : memref<80xi32, #tpu.memory_space<vmem>>, vector<16xi32>,
        tpu.vector_store_idx %arg13[%get3A_229], %exp3A_236 {add = true} : memref<10000xf32, #tpu.memory_space<vmem>>[vector<16xi32>], vector<16xf32>,
        %get3A_241 = arith.constant 64 : index
        %get3A_242 = tpu.vector_load %arg22[%get3A_241] {strides = array<i32>} : memref<80xf32, #tpu.memory_space<vmem>>, vector<16xf32>,
        %get3A_243 = arith.constant 64 : index
        %get3A_244 = tpu.vector_load %arg25[%get3A_243] {strides = array<i32>} : memref<80xf32, #tpu.memory_space<vmem>>, vector<16xf32>,
        %get3A_245 = arith.constant 64 : index
        %get3A_246 = tpu.vector_load %arg19[%get3A_245] {strides = array<i32>} : memref<80xi32, #tpu.memory_space<vmem>>, vector<16xi32>,
        %add3A_247 = arith.addf %get3A_242, %get3A_244 : vector<16xf32>
        %mul3A_248 = arith.constant 2.000000e-01 : f32
        %mul3A_249 = vector.broadcast %mul3A_248 : f32 to vector<16xf32>
        %mul3A_250 = arith.mulf %mul3A_249, %add3A_247 : vector<16xf32>
        %max3A_251 = arith.maximumf %add3A_247, %mul3A_250 : vector<16xf32>
        %sub3A_252 = arith.subf %max3A_251, %get3A_5 : vector<16xf32>
        %exp3A_253 = math.exp %sub3A_252 : vector<16xf32>
        %swap3A_254 = arith.constant 64 : index
        %swap3A_255 = tpu.vector_load %arg28[%swap3A_254] {strides = array<i32>} : memref<80xf32, #tpu.memory_space<vmem>>, vector<16xf32>,
        tpu.vector_store %arg28[%swap3A_254], %exp3A_253 {strides = array<i32>} : memref<80xf32, #tpu.memory_space<vmem>>, vector<16xf32>,
        %swap3A_256 = arith.constant 64 : index
        %swap3A_257 = tpu.vector_load %arg31[%swap3A_256] {strides = array<i32>} : memref<80xi32, #tpu.memory_space<vmem>>, vector<16xi32>,
        tpu.vector_store %arg31[%swap3A_256], %get3A_246 {strides = array<i32>} : memref<80xi32, #tpu.memory_space<vmem>>, vector<16xi32>,
        tpu.vector_store_idx %arg13[%get3A_246], %exp3A_253 {add = true} : memref<10000xf32, #tpu.memory_space<vmem>>[vector<16xi32>], vector<16xf32>,
        %scan3A_258 = arith.constant 0 : i32
        %scan3A_259 = arith.constant 0 : i32
        %scan3A_260 = arith.constant 80 : i32
        %scan3A_261 = arith.addi %scan3A_259, %scan3A_260 : i32
        %scan3A_262 = arith.constant 1 : i32
        scf.for %scan3A_267 = %scan3A_259 to %scan3A_261 step %scan3A_262  : i32 {
          %broadcast_in_dim3A = vector.broadcast %scan3A_267 : i32 to vector<16xi32>
          %gather3A = tpu.vector_load_idx %arg28[%broadcast_in_dim3A] : memref<80xf32, #tpu.memory_space<vmem>>[vector<16xi32>], vector<16xf32>,
          %get3A_268 = arith.index_cast %scan3A_267 : i32 to index
          %get3A_269 = arith.constant 0 : index
          %get3A_270 = tpu.vector_load %arg34[%get3A_268, %get3A_269] {strides = array<i32>} : memref<80x128xf32, #tpu.memory_space<vmem>>, vector<16xf32>,
          %mul3A_271 = arith.mulf %get3A_270, %gather3A : vector<16xf32>
          %swap3A_272 = arith.index_cast %scan3A_267 : i32 to index
          %swap3A_273 = arith.constant 0 : index
          %swap3A_274 = tpu.vector_load %arg34[%swap3A_272, %swap3A_273] {strides = array<i32>} : memref<80x128xf32, #tpu.memory_space<vmem>>, vector<16xf32>,
          tpu.vector_store %arg34[%swap3A_272, %swap3A_273], %mul3A_271 {strides = array<i32>} : memref<80x128xf32, #tpu.memory_space<vmem>>, vector<16xf32>,
          %get3A_275 = arith.index_cast %scan3A_267 : i32 to index
          %get3A_276 = arith.constant 16 : index
          %get3A_277 = tpu.vector_load %arg34[%get3A_275, %get3A_276] {strides = array<i32>} : memref<80x128xf32, #tpu.memory_space<vmem>>, vector<16xf32>,
          %mul3A_278 = arith.mulf %get3A_277, %gather3A : vector<16xf32>
          %swap3A_279 = arith.index_cast %scan3A_267 : i32 to index
          %swap3A_280 = arith.constant 16 : index
          %swap3A_281 = tpu.vector_load %arg34[%swap3A_279, %swap3A_280] {strides = array<i32>} : memref<80x128xf32, #tpu.memory_space<vmem>>, vector<16xf32>,
          tpu.vector_store %arg34[%swap3A_279, %swap3A_280], %mul3A_278 {strides = array<i32>} : memref<80x128xf32, #tpu.memory_space<vmem>>, vector<16xf32>,
          %get3A_282 = arith.index_cast %scan3A_267 : i32 to index
          %get3A_283 = arith.constant 32 : index
          %get3A_284 = tpu.vector_load %arg34[%get3A_282, %get3A_283] {strides = array<i32>} : memref<80x128xf32, #tpu.memory_space<vmem>>, vector<16xf32>,
          %mul3A_285 = arith.mulf %get3A_284, %gather3A : vector<16xf32>
          %swap3A_286 = arith.index_cast %scan3A_267 : i32 to index
          %swap3A_287 = arith.constant 32 : index
          %swap3A_288 = tpu.vector_load %arg34[%swap3A_286, %swap3A_287] {strides = array<i32>} : memref<80x128xf32, #tpu.memory_space<vmem>>, vector<16xf32>,
          tpu.vector_store %arg34[%swap3A_286, %swap3A_287], %mul3A_285 {strides = array<i32>} : memref<80x128xf32, #tpu.memory_space<vmem>>, vector<16xf32>,
          %get3A_289 = arith.index_cast %scan3A_267 : i32 to index
          %get3A_290 = arith.constant 48 : index
          %get3A_291 = tpu.vector_load %arg34[%get3A_289, %get3A_290] {strides = array<i32>} : memref<80x128xf32, #tpu.memory_space<vmem>>, vector<16xf32>,
          %mul3A_292 = arith.mulf %get3A_291, %gather3A : vector<16xf32>
          %swap3A_293 = arith.index_cast %scan3A_267 : i32 to index
          %swap3A_294 = arith.constant 48 : index
          %swap3A_295 = tpu.vector_load %arg34[%swap3A_293, %swap3A_294] {strides = array<i32>} : memref<80x128xf32, #tpu.memory_space<vmem>>, vector<16xf32>,
          tpu.vector_store %arg34[%swap3A_293, %swap3A_294], %mul3A_292 {strides = array<i32>} : memref<80x128xf32, #tpu.memory_space<vmem>>, vector<16xf32>,
          %get3A_296 = arith.index_cast %scan3A_267 : i32 to index
          %get3A_297 = arith.constant 64 : index
          %get3A_298 = tpu.vector_load %arg34[%get3A_296, %get3A_297] {strides = array<i32>} : memref<80x128xf32, #tpu.memory_space<vmem>>, vector<16xf32>,
          %mul3A_299 = arith.mulf %get3A_298, %gather3A : vector<16xf32>
          %swap3A_300 = arith.index_cast %scan3A_267 : i32 to index
          %swap3A_301 = arith.constant 64 : index
          %swap3A_302 = tpu.vector_load %arg34[%swap3A_300, %swap3A_301] {strides = array<i32>} : memref<80x128xf32, #tpu.memory_space<vmem>>, vector<16xf32>,
          tpu.vector_store %arg34[%swap3A_300, %swap3A_301], %mul3A_299 {strides = array<i32>} : memref<80x128xf32, #tpu.memory_space<vmem>>, vector<16xf32>,
          %get3A_303 = arith.index_cast %scan3A_267 : i32 to index
          %get3A_304 = arith.constant 80 : index
          %get3A_305 = tpu.vector_load %arg34[%get3A_303, %get3A_304] {strides = array<i32>} : memref<80x128xf32, #tpu.memory_space<vmem>>, vector<16xf32>,
          %mul3A_306 = arith.mulf %get3A_305, %gather3A : vector<16xf32>
          %swap3A_307 = arith.index_cast %scan3A_267 : i32 to index
          %swap3A_308 = arith.constant 80 : index
          %swap3A_309 = tpu.vector_load %arg34[%swap3A_307, %swap3A_308] {strides = array<i32>} : memref<80x128xf32, #tpu.memory_space<vmem>>, vector<16xf32>,
          tpu.vector_store %arg34[%swap3A_307, %swap3A_308], %mul3A_306 {strides = array<i32>} : memref<80x128xf32, #tpu.memory_space<vmem>>, vector<16xf32>,
          %get3A_310 = arith.index_cast %scan3A_267 : i32 to index
          %get3A_311 = arith.constant 96 : index
          %get3A_312 = tpu.vector_load %arg34[%get3A_310, %get3A_311] {strides = array<i32>} : memref<80x128xf32, #tpu.memory_space<vmem>>, vector<16xf32>,
          %mul3A_313 = arith.mulf %get3A_312, %gather3A : vector<16xf32>
          %swap3A_314 = arith.index_cast %scan3A_267 : i32 to index
          %swap3A_315 = arith.constant 96 : index
          %swap3A_316 = tpu.vector_load %arg34[%swap3A_314, %swap3A_315] {strides = array<i32>} : memref<80x128xf32, #tpu.memory_space<vmem>>, vector<16xf32>,
          tpu.vector_store %arg34[%swap3A_314, %swap3A_315], %mul3A_313 {strides = array<i32>} : memref<80x128xf32, #tpu.memory_space<vmem>>, vector<16xf32>,
          %get3A_317 = arith.index_cast %scan3A_267 : i32 to index
          %get3A_318 = arith.constant 112 : index
          %get3A_319 = tpu.vector_load %arg34[%get3A_317, %get3A_318] {strides = array<i32>} : memref<80x128xf32, #tpu.memory_space<vmem>>, vector<16xf32>,
          %mul3A_320 = arith.mulf %get3A_319, %gather3A : vector<16xf32>
          %swap3A_321 = arith.index_cast %scan3A_267 : i32 to index
          %swap3A_322 = arith.constant 112 : index
          %swap3A_323 = tpu.vector_load %arg34[%swap3A_321, %swap3A_322] {strides = array<i32>} : memref<80x128xf32, #tpu.memory_space<vmem>>, vector<16xf32>,
          tpu.vector_store %arg34[%swap3A_321, %swap3A_322], %mul3A_320 {strides = array<i32>} : memref<80x128xf32, #tpu.memory_space<vmem>>, vector<16xf32>,
        }
        %scan3A_263 = arith.constant 80 : i32
        %dma_start3A_264 = arith.constant 0 : i32
        %dma_start3A_265 = arith.constant 0 : i32
        %dma_start3A_266 = tpu.memref_slice %arg35[%dma_start3A_264, %dma_start3A_265] : memref<10112x128xf32, #tpu.memory_space<vmem_shared>> -> memref<10112x128xf32, #tpu.memory_space<vmem_shared>>
        tpu.enqueue_indirect_dma source(%arg34 : memref<80x128xf32, #tpu.memory_space<vmem>>) target(%dma_start3A_266 : memref<10112x128xf32, #tpu.memory_space<vmem_shared>>) offsets(%arg31 : memref<80xi32, #tpu.memory_space<vmem>>) semaphore(%arg44 : memref<!tpu.dma_semaphore, #tpu.memory_space<semaphore_mem>>) {add = true}
      } else {
      }
    }
    %scan3A_39 = arith.constant 42 : i32
    %dma_wait3A_40 = arith.constant 0 : i32
    %dma_wait3A_41 = arith.constant 0 : i32
    %dma_wait3A_42 = tpu.memref_slice %arg35[%dma_wait3A_40, %dma_wait3A_41] : memref<10112x128xf32, #tpu.memory_space<vmem_shared>> -> memref<10112x128xf32, #tpu.memory_space<vmem_shared>>
    tpu.wait_indirect_dma semaphore(%arg44 : memref<!tpu.dma_semaphore, #tpu.memory_space<semaphore_mem>>) src(%arg34 : memref<80x128xf32, #tpu.memory_space<vmem>>) dst(%dma_wait3A_42 : memref<10112x128xf32, #tpu.memory_space<vmem_shared>>)
    %dma_wait3A_43 = arith.constant 0 : i32
    %dma_wait3A_44 = arith.constant 0 : i32
    %dma_wait3A_45 = tpu.memref_slice %arg35[%dma_wait3A_43, %dma_wait3A_44] : memref<10112x128xf32, #tpu.memory_space<vmem_shared>> -> memref<10112x128xf32, #tpu.memory_space<vmem_shared>>
    tpu.wait_indirect_dma semaphore(%arg42 : memref<!tpu.dma_semaphore, #tpu.memory_space<semaphore_mem>>) src(%arg32 : memref<80x128xf32, #tpu.memory_space<vmem>>) dst(%dma_wait3A_45 : memref<10112x128xf32, #tpu.memory_space<vmem_shared>>)
    %dma_wait3A_46 = arith.constant 0 : i32
    %dma_wait3A_47 = arith.constant 0 : i32
    %dma_wait3A_48 = tpu.memref_slice %arg35[%dma_wait3A_46, %dma_wait3A_47] : memref<10112x128xf32, #tpu.memory_space<vmem_shared>> -> memref<10112x128xf32, #tpu.memory_space<vmem_shared>>
    tpu.wait_indirect_dma semaphore(%arg43 : memref<!tpu.dma_semaphore, #tpu.memory_space<semaphore_mem>>) src(%arg33 : memref<80x128xf32, #tpu.memory_space<vmem>>) dst(%dma_wait3A_48 : memref<10112x128xf32, #tpu.memory_space<vmem_shared>>)
    "tpu.region"() ({
      %run_scoped3A = tpu.sem_alloc : memref<!tpu.dma_semaphore, #tpu.memory_space<semaphore_mem>>
      %dma_start3A_54 = arith.constant 0 : i32
      %dma_start3A_55 = tpu.memref_slice %arg11[%add3A, %dma_start3A_54] : memref<32x10000xf32, #tpu.memory_space<hbm>> -> memref<1x10000xf32, #tpu.memory_space<hbm>>
      %dma_start3A_56 = tpu.memref_squeeze %dma_start3A_55 : memref<1x10000xf32, #tpu.memory_space<hbm>> -> memref<10000xf32, #tpu.memory_space<hbm>>
      %dma_start3A_57 = arith.constant 0 : i32
      %dma_start3A_58 = tpu.memref_slice %arg11[%add3A, %dma_start3A_57] : memref<32x10000xf32, #tpu.memory_space<hbm>> -> memref<1x10000xf32, #tpu.memory_space<hbm>>
      %dma_start3A_59 = tpu.memref_squeeze %dma_start3A_58 : memref<1x10000xf32, #tpu.memory_space<hbm>> -> memref<10000xf32, #tpu.memory_space<hbm>>
      tpu.enqueue_dma source(%arg13 : memref<10000xf32, #tpu.memory_space<vmem>>) target(%dma_start3A_59 : memref<10000xf32, #tpu.memory_space<hbm>>) target_semaphore(%run_scoped3A : memref<!tpu.dma_semaphore, #tpu.memory_space<semaphore_mem>>)
      %dma_wait3A_60 = arith.constant 0 : i32
      %dma_wait3A_61 = tpu.memref_slice %arg11[%add3A, %dma_wait3A_60] : memref<32x10000xf32, #tpu.memory_space<hbm>> -> memref<1x10000xf32, #tpu.memory_space<hbm>>
      %dma_wait3A_62 = tpu.memref_squeeze %dma_wait3A_61 : memref<1x10000xf32, #tpu.memory_space<hbm>> -> memref<10000xf32, #tpu.memory_space<hbm>>
      %dma_wait3A_63 = arith.constant 0 : i32
      %dma_wait3A_64 = tpu.memref_slice %arg11[%add3A, %dma_wait3A_63] : memref<32x10000xf32, #tpu.memory_space<hbm>> -> memref<1x10000xf32, #tpu.memory_space<hbm>>
      %dma_wait3A_65 = tpu.memref_squeeze %dma_wait3A_64 : memref<1x10000xf32, #tpu.memory_space<hbm>> -> memref<10000xf32, #tpu.memory_space<hbm>>
      tpu.wait_dma2 semaphore(%run_scoped3A : memref<!tpu.dma_semaphore, #tpu.memory_space<semaphore_mem>>) src(%arg13 : memref<10000xf32, #tpu.memory_space<vmem>>) dst(%dma_wait3A_65 : memref<10000xf32, #tpu.memory_space<hbm>>)
      tpu.yield
    }) : () -> ()
    %barrier3A_49 = arith.constant 0 : index
    tpu.barrier barrier_id(%barrier3A_49)
    %mul3A_50 = arith.constant 632 : i32
    %mul3A_51 = arith.muli %arg1, %mul3A_50 : i32
    %mul3A_52 = arith.constant 632 : i32
    %mul3A_53 = arith.muli %arg1, %mul3A_52 : i32
    "tpu.region"() ({
      %run_scoped3A = tpu.sem_alloc : memref<!tpu.dma_semaphore, #tpu.memory_space<semaphore_mem>>
      %dma_start3A_54 = arith.constant 0 : i32
      %dma_start3A_55 = tpu.memref_slice %arg10[%arg0, %mul3A_53, %dma_start3A_54] : memref<2x10112x128xf32, #tpu.memory_space<hbm>> -> memref<1x632x128xf32, #tpu.memory_space<hbm>>
      %dma_start3A_56 = tpu.memref_squeeze %dma_start3A_55 : memref<1x632x128xf32, #tpu.memory_space<hbm>> -> memref<632x128xf32, #tpu.memory_space<hbm>>
      %dma_start3A_57 = arith.constant 0 : i32
      %dma_start3A_58 = tpu.memref_slice %arg35[%mul3A_51, %dma_start3A_57] : memref<10112x128xf32, #tpu.memory_space<vmem_shared>> -> memref<632x128xf32, #tpu.memory_space<vmem_shared>>
      tpu.enqueue_dma source(%dma_start3A_58 : memref<632x128xf32, #tpu.memory_space<vmem_shared>>) target(%dma_start3A_56 : memref<632x128xf32, #tpu.memory_space<hbm>>) target_semaphore(%run_scoped3A : memref<!tpu.dma_semaphore, #tpu.memory_space<semaphore_mem>>)
      %dma_wait3A_59 = arith.constant 0 : i32
      %dma_wait3A_60 = tpu.memref_slice %arg10[%arg0, %mul3A_53, %dma_wait3A_59] : memref<2x10112x128xf32, #tpu.memory_space<hbm>> -> memref<1x632x128xf32, #tpu.memory_space<hbm>>
      %dma_wait3A_61 = tpu.memref_squeeze %dma_wait3A_60 : memref<1x632x128xf32, #tpu.memory_space<hbm>> -> memref<632x128xf32, #tpu.memory_space<hbm>>
      %dma_wait3A_62 = arith.constant 0 : i32
      %dma_wait3A_63 = tpu.memref_slice %arg35[%mul3A_51, %dma_wait3A_62] : memref<10112x128xf32, #tpu.memory_space<vmem_shared>> -> memref<632x128xf32, #tpu.memory_space<vmem_shared>>
      tpu.wait_dma2 semaphore(%run_scoped3A : memref<!tpu.dma_semaphore, #tpu.memory_space<semaphore_mem>>) src(%dma_wait3A_63 : memref<632x128xf32, #tpu.memory_space<vmem_shared>>) dst(%dma_wait3A_61 : memref<632x128xf32, #tpu.memory_space<hbm>>)
      tpu.yield
    }) : () -> ()
    return
  }
}

#map = affine_map<(d0, d1) -> (0)>
#map1 = affine_map<(d0, d1) -> (0, 0)>
#map2 = affine_map<(d0, d1) -> (0, 0, 0)>
module attributes {stable_mosaic.version = 14 : i64} {
  func.func @_sc_body(%arg0: i32, %arg1: i32, %arg2: memref<320000xi32, #tpu.memory_space<hbm>>, %arg3: memref<320000xi32, #tpu.memory_space<hbm>>, %arg4: memref<10000xf32, #tpu.memory_space<hbm>>, %arg5: memref<10000xf32, #tpu.memory_space<hbm>>, %arg6: memref<16xf32, #tpu.memory_space<hbm>>, %arg7: memref<10000x128xf32, #tpu.memory_space<hbm>>, %arg8: memref<632x128xf32, #tpu.memory_space<hbm>>, %arg9: memref<10000xf32, #tpu.memory_space<hbm>>, %arg10: memref<2x10112x128xf32, #tpu.memory_space<hbm>>, %arg11: memref<32x10000xf32, #tpu.memory_space<hbm>>, %arg12: memref<16xf32, #tpu.memory_space<vmem>>, %arg13: memref<10000xf32, #tpu.memory_space<vmem>>, %arg14: memref<80xi32, #tpu.memory_space<vmem>>, %arg15: memref<80xi32, #tpu.memory_space<vmem>>, %arg16: memref<80xi32, #tpu.memory_space<vmem>>, %arg17: memref<80xi32, #tpu.memory_space<vmem>>, %arg18: memref<80xi32, #tpu.memory_space<vmem>>, %arg19: memref<80xi32, #tpu.memory_space<vmem>>, %arg20: memref<80xf32, #tpu.memory_space<vmem>>, %arg21: memref<80xf32, #tpu.memory_space<vmem>>, %arg22: memref<80xf32, #tpu.memory_space<vmem>>, %arg23: memref<80xf32, #tpu.memory_space<vmem>>, %arg24: memref<80xf32, #tpu.memory_space<vmem>>, %arg25: memref<80xf32, #tpu.memory_space<vmem>>, %arg26: memref<80xf32, #tpu.memory_space<vmem>>, %arg27: memref<80xf32, #tpu.memory_space<vmem>>, %arg28: memref<80xf32, #tpu.memory_space<vmem>>, %arg29: memref<80xi32, #tpu.memory_space<vmem>>, %arg30: memref<80xi32, #tpu.memory_space<vmem>>, %arg31: memref<80xi32, #tpu.memory_space<vmem>>, %arg32: memref<80x128xf32, #tpu.memory_space<vmem>>, %arg33: memref<80x128xf32, #tpu.memory_space<vmem>>, %arg34: memref<80x128xf32, #tpu.memory_space<vmem>>, %arg35: memref<10112x128xf32, #tpu.memory_space<vmem_shared>>, %arg36: memref<!tpu.dma_semaphore, #tpu.memory_space<semaphore_mem>>, %arg37: memref<!tpu.dma_semaphore, #tpu.memory_space<semaphore_mem>>, %arg38: memref<!tpu.dma_semaphore, #tpu.memory_space<semaphore_mem>>, %arg39: memref<!tpu.dma_semaphore, #tpu.memory_space<semaphore_mem>>, %arg40: memref<!tpu.dma_semaphore, #tpu.memory_space<semaphore_mem>>, %arg41: memref<!tpu.dma_semaphore, #tpu.memory_space<semaphore_mem>>, %arg42: memref<!tpu.dma_semaphore, #tpu.memory_space<semaphore_mem>>, %arg43: memref<!tpu.dma_semaphore, #tpu.memory_space<semaphore_mem>>, %arg44: memref<!tpu.dma_semaphore, #tpu.memory_space<semaphore_mem>>) attributes {dimension_semantics = [#tpu.dimension_semantics<core_parallel>, #tpu.dimension_semantics<subcore_parallel>], iteration_bounds = array<i64: 2, 16>, scalar_prefetch = 0 : i64, scratch_operands = 33 : i64, tpu.core_type = #tpu.core_type<sc_vector_subcore>, window_params = [{transform_indices = #map}, {transform_indices = #map}, {transform_indices = #map}, {transform_indices = #map}, {transform_indices = #map}, {transform_indices = #map1}, {transform_indices = #map1}, {transform_indices = #map}, {transform_indices = #map2}, {transform_indices = #map1}]} {
    %mul3A = arith.constant 2 : i32
    %mul3A_0 = arith.muli %arg1, %mul3A : i32
    %add3A = arith.addi %mul3A_0, %arg0 : i32
    %mul3A_1 = arith.constant 10000 : i32
    %mul3A_2 = arith.muli %add3A, %mul3A_1 : i32
    "tpu.region"() ({
      %run_scoped3A = tpu.sem_alloc : memref<!tpu.dma_semaphore, #tpu.memory_space<semaphore_mem>>
      tpu.enqueue_dma source(%arg6 : memref<16xf32, #tpu.memory_space<hbm>>) target(%arg12 : memref<16xf32, #tpu.memory_space<vmem>>) target_semaphore(%run_scoped3A : memref<!tpu.dma_semaphore, #tpu.memory_space<semaphore_mem>>)
      tpu.wait_dma2 semaphore(%run_scoped3A : memref<!tpu.dma_semaphore, #tpu.memory_space<semaphore_mem>>) src(%arg6 : memref<16xf32, #tpu.memory_space<hbm>>) dst(%arg12 : memref<16xf32, #tpu.memory_space<vmem>>)
      tpu.yield
    }) : () -> ()
    "tpu.region"() ({
      %run_scoped3A = tpu.sem_alloc : memref<!tpu.dma_semaphore, #tpu.memory_space<semaphore_mem>>
      tpu.enqueue_dma source(%arg9 : memref<10000xf32, #tpu.memory_space<hbm>>) target(%arg13 : memref<10000xf32, #tpu.memory_space<vmem>>) target_semaphore(%run_scoped3A : memref<!tpu.dma_semaphore, #tpu.memory_space<semaphore_mem>>)
      tpu.wait_dma2 semaphore(%run_scoped3A : memref<!tpu.dma_semaphore, #tpu.memory_space<semaphore_mem>>) src(%arg9 : memref<10000xf32, #tpu.memory_space<hbm>>) dst(%arg13 : memref<10000xf32, #tpu.memory_space<vmem>>)
      tpu.yield
    }) : () -> ()
    %mul3A_3 = arith.constant 632 : i32
    %mul3A_4 = arith.muli %arg1, %mul3A_3 : i32
    "tpu.region"() ({
      %run_scoped3A = tpu.sem_alloc : memref<!tpu.dma_semaphore, #tpu.memory_space<semaphore_mem>>
      %dma_start3A_54 = arith.constant 0 : i32
      %dma_start3A_55 = tpu.memref_slice %arg35[%mul3A_4, %dma_start3A_54] : memref<10112x128xf32, #tpu.memory_space<vmem_shared>> -> memref<632x128xf32, #tpu.memory_space<vmem_shared>>
      tpu.enqueue_dma source(%arg8 : memref<632x128xf32, #tpu.memory_space<hbm>>) target(%dma_start3A_55 : memref<632x128xf32, #tpu.memory_space<vmem_shared>>) target_semaphore(%run_scoped3A : memref<!tpu.dma_semaphore, #tpu.memory_space<semaphore_mem>>)
      %dma_wait3A_56 = arith.constant 0 : i32
      %dma_wait3A_57 = tpu.memref_slice %arg35[%mul3A_4, %dma_wait3A_56] : memref<10112x128xf32, #tpu.memory_space<vmem_shared>> -> memref<632x128xf32, #tpu.memory_space<vmem_shared>>
      tpu.wait_dma2 semaphore(%run_scoped3A : memref<!tpu.dma_semaphore, #tpu.memory_space<semaphore_mem>>) src(%arg8 : memref<632x128xf32, #tpu.memory_space<hbm>>) dst(%dma_wait3A_57 : memref<632x128xf32, #tpu.memory_space<vmem_shared>>)
      tpu.yield
    }) : () -> ()
    %barrier3A = arith.constant 0 : index
    tpu.barrier barrier_id(%barrier3A)
    %get3A = arith.constant 0 : index
    %get3A_5 = tpu.vector_load %arg12[%get3A] {strides = array<i32>} : memref<16xf32, #tpu.memory_space<vmem>>, vector<16xf32>,
    %add3A_6 = arith.constant 0 : i32
    %add3A_7 = arith.addi %mul3A_2, %add3A_6 : i32
    %dma_start3A = tpu.memref_slice %arg2[%add3A_7] : memref<320000xi32, #tpu.memory_space<hbm>> -> memref<80xi32, #tpu.memory_space<hbm>>
    %dma_start3A_8 = tpu.memref_slice %arg2[%add3A_7] : memref<320000xi32, #tpu.memory_space<hbm>> -> memref<80xi32, #tpu.memory_space<hbm>>
    tpu.enqueue_dma source(%dma_start3A_8 : memref<80xi32, #tpu.memory_space<hbm>>) target(%arg14 : memref<80xi32, #tpu.memory_space<vmem>>) target_semaphore(%arg36 : memref<!tpu.dma_semaphore, #tpu.memory_space<semaphore_mem>>)
    %add3A_9 = arith.constant 0 : i32
    %add3A_10 = arith.addi %mul3A_2, %add3A_9 : i32
    %dma_start3A_11 = tpu.memref_slice %arg3[%add3A_10] : memref<320000xi32, #tpu.memory_space<hbm>> -> memref<80xi32, #tpu.memory_space<hbm>>
    %dma_start3A_12 = tpu.memref_slice %arg3[%add3A_10] : memref<320000xi32, #tpu.memory_space<hbm>> -> memref<80xi32, #tpu.memory_space<hbm>>
    tpu.enqueue_dma source(%dma_start3A_12 : memref<80xi32, #tpu.memory_space<hbm>>) target(%arg17 : memref<80xi32, #tpu.memory_space<vmem>>) target_semaphore(%arg36 : memref<!tpu.dma_semaphore, #tpu.memory_space<semaphore_mem>>)
    %add3A_13 = arith.constant 80 : i32
    %add3A_14 = arith.addi %mul3A_2, %add3A_13 : i32
    %dma_start3A_15 = tpu.memref_slice %arg2[%add3A_14] : memref<320000xi32, #tpu.memory_space<hbm>> -> memref<80xi32, #tpu.memory_space<hbm>>
    %dma_start3A_16 = tpu.memref_slice %arg2[%add3A_14] : memref<320000xi32, #tpu.memory_space<hbm>> -> memref<80xi32, #tpu.memory_space<hbm>>
    tpu.enqueue_dma source(%dma_start3A_16 : memref<80xi32, #tpu.memory_space<hbm>>) target(%arg15 : memref<80xi32, #tpu.memory_space<vmem>>) target_semaphore(%arg37 : memref<!tpu.dma_semaphore, #tpu.memory_space<semaphore_mem>>)
    %add3A_17 = arith.constant 80 : i32
    %add3A_18 = arith.addi %mul3A_2, %add3A_17 : i32
    %dma_start3A_19 = tpu.memref_slice %arg3[%add3A_18] : memref<320000xi32, #tpu.memory_space<hbm>> -> memref<80xi32, #tpu.memory_space<hbm>>
    %dma_start3A_20 = tpu.memref_slice %arg3[%add3A_18] : memref<320000xi32, #tpu.memory_space<hbm>> -> memref<80xi32, #tpu.memory_space<hbm>>
    tpu.enqueue_dma source(%dma_start3A_20 : memref<80xi32, #tpu.memory_space<hbm>>) target(%arg18 : memref<80xi32, #tpu.memory_space<vmem>>) target_semaphore(%arg37 : memref<!tpu.dma_semaphore, #tpu.memory_space<semaphore_mem>>)
    %add3A_21 = arith.constant 0 : i32
    %add3A_22 = arith.addi %mul3A_2, %add3A_21 : i32
    %dma_wait3A = tpu.memref_slice %arg2[%add3A_22] : memref<320000xi32, #tpu.memory_space<hbm>> -> memref<80xi32, #tpu.memory_space<hbm>>
    %dma_wait3A_23 = tpu.memref_slice %arg2[%add3A_22] : memref<320000xi32, #tpu.memory_space<hbm>> -> memref<80xi32, #tpu.memory_space<hbm>>
    tpu.wait_dma2 semaphore(%arg36 : memref<!tpu.dma_semaphore, #tpu.memory_space<semaphore_mem>>) src(%dma_wait3A_23 : memref<80xi32, #tpu.memory_space<hbm>>) dst(%arg14 : memref<80xi32, #tpu.memory_space<vmem>>)
    %add3A_24 = arith.constant 0 : i32
    %add3A_25 = arith.addi %mul3A_2, %add3A_24 : i32
    %dma_wait3A_26 = tpu.memref_slice %arg3[%add3A_25] : memref<320000xi32, #tpu.memory_space<hbm>> -> memref<80xi32, #tpu.memory_space<hbm>>
    %dma_wait3A_27 = tpu.memref_slice %arg3[%add3A_25] : memref<320000xi32, #tpu.memory_space<hbm>> -> memref<80xi32, #tpu.memory_space<hbm>>
    tpu.wait_dma2 semaphore(%arg36 : memref<!tpu.dma_semaphore, #tpu.memory_space<semaphore_mem>>) src(%dma_wait3A_27 : memref<80xi32, #tpu.memory_space<hbm>>) dst(%arg17 : memref<80xi32, #tpu.memory_space<vmem>>)
    %dma_start3A_28 = arith.constant 0 : i32
    %dma_start3A_29 = arith.constant 0 : i32
    %dma_start3A_30 = tpu.memref_slice %arg7[%dma_start3A_28, %dma_start3A_29] : memref<10000x128xf32, #tpu.memory_space<hbm>> -> memref<10000x128xf32, #tpu.memory_space<hbm>>
    tpu.enqueue_indirect_dma source(%dma_start3A_30 : memref<10000x128xf32, #tpu.memory_space<hbm>>) target(%arg32 : memref<80x128xf32, #tpu.memory_space<vmem>>) offsets(%arg14 : memref<80xi32, #tpu.memory_space<vmem>>) semaphore(%arg39 : memref<!tpu.dma_semaphore, #tpu.memory_space<semaphore_mem>>)
    %dma_start3A_31 = arith.constant 0 : i32
    %dma_start3A_32 = tpu.memref_slice %arg4[%dma_start3A_31] : memref<10000xf32, #tpu.memory_space<hbm>> -> memref<10000xf32, #tpu.memory_space<hbm>>
    tpu.enqueue_indirect_dma source(%dma_start3A_32 : memref<10000xf32, #tpu.memory_space<hbm>>) target(%arg20 : memref<80xf32, #tpu.memory_space<vmem>>) offsets(%arg14 : memref<80xi32, #tpu.memory_space<vmem>>) semaphore(%arg39 : memref<!tpu.dma_semaphore, #tpu.memory_space<semaphore_mem>>)
    %dma_start3A_33 = arith.constant 0 : i32
    %dma_start3A_34 = tpu.memref_slice %arg5[%dma_start3A_33] : memref<10000xf32, #tpu.memory_space<hbm>> -> memref<10000xf32, #tpu.memory_space<hbm>>
    tpu.enqueue_indirect_dma source(%dma_start3A_34 : memref<10000xf32, #tpu.memory_space<hbm>>) target(%arg23 : memref<80xf32, #tpu.memory_space<vmem>>) offsets(%arg17 : memref<80xi32, #tpu.memory_space<vmem>>) semaphore(%arg39 : memref<!tpu.dma_semaphore, #tpu.memory_space<semaphore_mem>>)
    %scan3A = arith.constant 0 : i32
    %scan3A_35 = arith.constant 0 : i32
    %scan3A_36 = arith.constant 42 : i32
    %scan3A_37 = arith.addi %scan3A_35, %scan3A_36 : i32
    %scan3A_38 = arith.constant 1 : i32
    scf.for %scan3A_54 = %scan3A_35 to %scan3A_37 step %scan3A_38  : i32 {
      %mul3A_55 = arith.constant 3 : i32
      %mul3A_56 = arith.muli %scan3A_54, %mul3A_55 : i32
      %add3A_57 = arith.constant 0 : i32
      %add3A_58 = arith.addi %mul3A_56, %add3A_57 : i32
      %add3A_59 = arith.constant 2 : i32
      %add3A_60 = arith.addi %add3A_58, %add3A_59 : i32
      %lt3A = arith.constant 125 : i32
      %lt3A_61 = arith.cmpi slt, %add3A_60, %lt3A : i32
      %convert_element_type3A = arith.extui %lt3A_61 : i1 to i32
      %cond3A = arith.constant 0 : i32
      %cond3A_62 = arith.cmpi ne, %convert_element_type3A, %cond3A : i32
      scf.if %cond3A_62 {
        %add3A_170 = arith.constant 2 : i32
        %add3A_171 = arith.addi %add3A_58, %add3A_170 : i32
        %mul3A_172 = arith.constant 80 : i32
        %mul3A_173 = arith.muli %add3A_171, %mul3A_172 : i32
        %add3A_174 = arith.addi %mul3A_2, %mul3A_173 : i32
        %dma_start3A_175 = tpu.memref_slice %arg2[%add3A_174] : memref<320000xi32, #tpu.memory_space<hbm>> -> memref<80xi32, #tpu.memory_space<hbm>>
        %dma_start3A_176 = tpu.memref_slice %arg2[%add3A_174] : memref<320000xi32, #tpu.memory_space<hbm>> -> memref<80xi32, #tpu.memory_space<hbm>>
        tpu.enqueue_dma source(%dma_start3A_176 : memref<80xi32, #tpu.memory_space<hbm>>) target(%arg16 : memref<80xi32, #tpu.memory_space<vmem>>) target_semaphore(%arg38 : memref<!tpu.dma_semaphore, #tpu.memory_space<semaphore_mem>>)
        %mul3A_177 = arith.constant 80 : i32
        %mul3A_178 = arith.muli %add3A_171, %mul3A_177 : i32
        %add3A_179 = arith.addi %mul3A_2, %mul3A_178 : i32
        %dma_start3A_180 = tpu.memref_slice %arg3[%add3A_179] : memref<320000xi32, #tpu.memory_space<hbm>> -> memref<80xi32, #tpu.memory_space<hbm>>
        %dma_start3A_181 = tpu.memref_slice %arg3[%add3A_179] : memref<320000xi32, #tpu.memory_space<hbm>> -> memref<80xi32, #tpu.memory_space<hbm>>
        tpu.enqueue_dma source(%dma_start3A_181 : memref<80xi32, #tpu.memory_space<hbm>>) target(%arg19 : memref<80xi32, #tpu.memory_space<vmem>>) target_semaphore(%arg38 : memref<!tpu.dma_semaphore, #tpu.memory_space<semaphore_mem>>)
      } else {
      }
      %add3A_63 = arith.constant 1 : i32
      %add3A_64 = arith.addi %add3A_58, %add3A_63 : i32
      %lt3A_65 = arith.constant 125 : i32
      %lt3A_66 = arith.cmpi slt, %add3A_64, %lt3A_65 : i32
      %convert_element_type3A_67 = arith.extui %lt3A_66 : i1 to i32
      %cond3A_68 = arith.constant 0 : i32
      %cond3A_69 = arith.cmpi ne, %convert_element_type3A_67, %cond3A_68 : i32
      scf.if %cond3A_69 {
        %add3A_170 = arith.constant 1 : i32
        %add3A_171 = arith.addi %add3A_58, %add3A_170 : i32
        %mul3A_172 = arith.constant 80 : i32
        %mul3A_173 = arith.muli %add3A_171, %mul3A_172 : i32
        %add3A_174 = arith.addi %mul3A_2, %mul3A_173 : i32
        %dma_wait3A_175 = tpu.memref_slice %arg2[%add3A_174] : memref<320000xi32, #tpu.memory_space<hbm>> -> memref<80xi32, #tpu.memory_space<hbm>>
        %dma_wait3A_176 = tpu.memref_slice %arg2[%add3A_174] : memref<320000xi32, #tpu.memory_space<hbm>> -> memref<80xi32, #tpu.memory_space<hbm>>
        tpu.wait_dma2 semaphore(%arg37 : memref<!tpu.dma_semaphore, #tpu.memory_space<semaphore_mem>>) src(%dma_wait3A_176 : memref<80xi32, #tpu.memory_space<hbm>>) dst(%arg15 : memref<80xi32, #tpu.memory_space<vmem>>)
        %mul3A_177 = arith.constant 80 : i32
        %mul3A_178 = arith.muli %add3A_171, %mul3A_177 : i32
        %add3A_179 = arith.addi %mul3A_2, %mul3A_178 : i32
        %dma_wait3A_180 = tpu.memref_slice %arg3[%add3A_179] : memref<320000xi32, #tpu.memory_space<hbm>> -> memref<80xi32, #tpu.memory_space<hbm>>
        %dma_wait3A_181 = tpu.memref_slice %arg3[%add3A_179] : memref<320000xi32, #tpu.memory_space<hbm>> -> memref<80xi32, #tpu.memory_space<hbm>>
        tpu.wait_dma2 semaphore(%arg37 : memref<!tpu.dma_semaphore, #tpu.memory_space<semaphore_mem>>) src(%dma_wait3A_181 : memref<80xi32, #tpu.memory_space<hbm>>) dst(%arg18 : memref<80xi32, #tpu.memory_space<vmem>>)
      } else {
      }
      %ge3A = arith.constant 2 : i32
      %ge3A_70 = arith.cmpi sge, %add3A_58, %ge3A : i32
      %add3A_71 = arith.constant 1 : i32
      %add3A_72 = arith.addi %add3A_58, %add3A_71 : i32
      %lt3A_73 = arith.constant 125 : i32
      %lt3A_74 = arith.cmpi slt, %add3A_72, %lt3A_73 : i32
      %and3A = arith.andi %ge3A_70, %lt3A_74 : i1
      %convert_element_type3A_75 = arith.extui %and3A : i1 to i32
      %cond3A_76 = arith.constant 0 : i32
      %cond3A_77 = arith.cmpi ne, %convert_element_type3A_75, %cond3A_76 : i32
      scf.if %cond3A_77 {
        %dma_wait3A_170 = arith.constant 0 : i32
        %dma_wait3A_171 = arith.constant 0 : i32
        %dma_wait3A_172 = tpu.memref_slice %arg35[%dma_wait3A_170, %dma_wait3A_171] : memref<10112x128xf32, #tpu.memory_space<vmem_shared>> -> memref<10112x128xf32, #tpu.memory_space<vmem_shared>>
        tpu.wait_indirect_dma semaphore(%arg43 : memref<!tpu.dma_semaphore, #tpu.memory_space<semaphore_mem>>) src(%arg33 : memref<80x128xf32, #tpu.memory_space<vmem>>) dst(%dma_wait3A_172 : memref<10112x128xf32, #tpu.memory_space<vmem_shared>>)
      } else {
      }
      %add3A_78 = arith.constant 1 : i32
      %add3A_79 = arith.addi %add3A_58, %add3A_78 : i32
      %lt3A_80 = arith.constant 125 : i32
      %lt3A_81 = arith.cmpi slt, %add3A_79, %lt3A_80 : i32
      %convert_element_type3A_82 = arith.extui %lt3A_81 : i1 to i32
      %cond3A_83 = arith.constant 0 : i32
      %cond3A_84 = arith.cmpi ne, %convert_element_type3A_82, %cond3A_83 : i32
      scf.if %cond3A_84 {
        %dma_start3A_170 = arith.constant 0 : i32
        %dma_start3A_171 = arith.constant 0 : i32
        %dma_start3A_172 = tpu.memref_slice %arg7[%dma_start3A_170, %dma_start3A_171] : memref<10000x128xf32, #tpu.memory_space<hbm>> -> memref<10000x128xf32, #tpu.memory_space<hbm>>
        tpu.enqueue_indirect_dma source(%dma_start3A_172 : memref<10000x128xf32, #tpu.memory_space<hbm>>) target(%arg33 : memref<80x128xf32, #tpu.memory_space<vmem>>) offsets(%arg15 : memref<80xi32, #tpu.memory_space<vmem>>) semaphore(%arg40 : memref<!tpu.dma_semaphore, #tpu.memory_space<semaphore_mem>>)
        %dma_start3A_173 = arith.constant 0 : i32
        %dma_start3A_174 = tpu.memref_slice %arg4[%dma_start3A_173] : memref<10000xf32, #tpu.memory_space<hbm>> -> memref<10000xf32, #tpu.memory_space<hbm>>
        tpu.enqueue_indirect_dma source(%dma_start3A_174 : memref<10000xf32, #tpu.memory_space<hbm>>) target(%arg21 : memref<80xf32, #tpu.memory_space<vmem>>) offsets(%arg15 : memref<80xi32, #tpu.memory_space<vmem>>) semaphore(%arg40 : memref<!tpu.dma_semaphore, #tpu.memory_space<semaphore_mem>>)
        %dma_start3A_175 = arith.constant 0 : i32
        %dma_start3A_176 = tpu.memref_slice %arg5[%dma_start3A_175] : memref<10000xf32, #tpu.memory_space<hbm>> -> memref<10000xf32, #tpu.memory_space<hbm>>
        tpu.enqueue_indirect_dma source(%dma_start3A_176 : memref<10000xf32, #tpu.memory_space<hbm>>) target(%arg24 : memref<80xf32, #tpu.memory_space<vmem>>) offsets(%arg18 : memref<80xi32, #tpu.memory_space<vmem>>) semaphore(%arg40 : memref<!tpu.dma_semaphore, #tpu.memory_space<semaphore_mem>>)
      } else {
      }
      %lt3A_85 = arith.constant 125 : i32
      %lt3A_86 = arith.cmpi slt, %add3A_58, %lt3A_85 : i32
      %convert_element_type3A_87 = arith.extui %lt3A_86 : i1 to i32
      %cond3A_88 = arith.constant 0 : i32
      %cond3A_89 = arith.cmpi ne, %convert_element_type3A_87, %cond3A_88 : i32
      scf.if %cond3A_89 {
        %dma_wait3A_170 = arith.constant 0 : i32
        %dma_wait3A_171 = arith.constant 0 : i32
        %dma_wait3A_172 = tpu.memref_slice %arg7[%dma_wait3A_170, %dma_wait3A_171] : memref<10000x128xf32, #tpu.memory_space<hbm>> -> memref<10000x128xf32, #tpu.memory_space<hbm>>
        tpu.wait_indirect_dma semaphore(%arg39 : memref<!tpu.dma_semaphore, #tpu.memory_space<semaphore_mem>>) src(%dma_wait3A_172 : memref<10000x128xf32, #tpu.memory_space<hbm>>) dst(%arg32 : memref<80x128xf32, #tpu.memory_space<vmem>>)
        %dma_wait3A_173 = arith.constant 0 : i32
        %dma_wait3A_174 = tpu.memref_slice %arg4[%dma_wait3A_173] : memref<10000xf32, #tpu.memory_space<hbm>> -> memref<10000xf32, #tpu.memory_space<hbm>>
        tpu.wait_indirect_dma semaphore(%arg39 : memref<!tpu.dma_semaphore, #tpu.memory_space<semaphore_mem>>) src(%dma_wait3A_174 : memref<10000xf32, #tpu.memory_space<hbm>>) dst(%arg20 : memref<80xf32, #tpu.memory_space<vmem>>)
        %dma_wait3A_175 = arith.constant 0 : i32
        %dma_wait3A_176 = tpu.memref_slice %arg5[%dma_wait3A_175] : memref<10000xf32, #tpu.memory_space<hbm>> -> memref<10000xf32, #tpu.memory_space<hbm>>
        tpu.wait_indirect_dma semaphore(%arg39 : memref<!tpu.dma_semaphore, #tpu.memory_space<semaphore_mem>>) src(%dma_wait3A_176 : memref<10000xf32, #tpu.memory_space<hbm>>) dst(%arg23 : memref<80xf32, #tpu.memory_space<vmem>>)
        %get3A_177 = arith.constant 0 : index
        %get3A_178 = tpu.vector_load %arg20[%get3A_177] {strides = array<i32>} : memref<80xf32, #tpu.memory_space<vmem>>, vector<16xf32>,
        %get3A_179 = arith.constant 0 : index
        %get3A_180 = tpu.vector_load %arg23[%get3A_179] {strides = array<i32>} : memref<80xf32, #tpu.memory_space<vmem>>, vector<16xf32>,
        %get3A_181 = arith.constant 0 : index
        %get3A_182 = tpu.vector_load %arg17[%get3A_181] {strides = array<i32>} : memref<80xi32, #tpu.memory_space<vmem>>, vector<16xi32>,
        %add3A_183 = arith.addf %get3A_178, %get3A_180 : vector<16xf32>
        %mul3A_184 = arith.constant 2.000000e-01 : f32
        %mul3A_185 = vector.broadcast %mul3A_184 : f32 to vector<16xf32>
        %mul3A_186 = arith.mulf %mul3A_185, %add3A_183 : vector<16xf32>
        %max3A = arith.maximumf %add3A_183, %mul3A_186 : vector<16xf32>
        %sub3A = arith.subf %max3A, %get3A_5 : vector<16xf32>
        %exp3A = math.exp %sub3A : vector<16xf32>
        %swap3A = arith.constant 0 : index
        %swap3A_187 = tpu.vector_load %arg26[%swap3A] {strides = array<i32>} : memref<80xf32, #tpu.memory_space<vmem>>, vector<16xf32>,
        tpu.vector_store %arg26[%swap3A], %exp3A {strides = array<i32>} : memref<80xf32, #tpu.memory_space<vmem>>, vector<16xf32>,
        %swap3A_188 = arith.constant 0 : index
        %swap3A_189 = tpu.vector_load %arg29[%swap3A_188] {strides = array<i32>} : memref<80xi32, #tpu.memory_space<vmem>>, vector<16xi32>,
        tpu.vector_store %arg29[%swap3A_188], %get3A_182 {strides = array<i32>} : memref<80xi32, #tpu.memory_space<vmem>>, vector<16xi32>,
        tpu.vector_store_idx %arg13[%get3A_182], %exp3A {add = true} : memref<10000xf32, #tpu.memory_space<vmem>>[vector<16xi32>], vector<16xf32>,
        %get3A_190 = arith.constant 16 : index
        %get3A_191 = tpu.vector_load %arg20[%get3A_190] {strides = array<i32>} : memref<80xf32, #tpu.memory_space<vmem>>, vector<16xf32>,
        %get3A_192 = arith.constant 16 : index
        %get3A_193 = tpu.vector_load %arg23[%get3A_192] {strides = array<i32>} : memref<80xf32, #tpu.memory_space<vmem>>, vector<16xf32>,
        %get3A_194 = arith.constant 16 : index
        %get3A_195 = tpu.vector_load %arg17[%get3A_194] {strides = array<i32>} : memref<80xi32, #tpu.memory_space<vmem>>, vector<16xi32>,
        %add3A_196 = arith.addf %get3A_191, %get3A_193 : vector<16xf32>
        %mul3A_197 = arith.constant 2.000000e-01 : f32
        %mul3A_198 = vector.broadcast %mul3A_197 : f32 to vector<16xf32>
        %mul3A_199 = arith.mulf %mul3A_198, %add3A_196 : vector<16xf32>
        %max3A_200 = arith.maximumf %add3A_196, %mul3A_199 : vector<16xf32>
        %sub3A_201 = arith.subf %max3A_200, %get3A_5 : vector<16xf32>
        %exp3A_202 = math.exp %sub3A_201 : vector<16xf32>
        %swap3A_203 = arith.constant 16 : index
        %swap3A_204 = tpu.vector_load %arg26[%swap3A_203] {strides = array<i32>} : memref<80xf32, #tpu.memory_space<vmem>>, vector<16xf32>,
        tpu.vector_store %arg26[%swap3A_203], %exp3A_202 {strides = array<i32>} : memref<80xf32, #tpu.memory_space<vmem>>, vector<16xf32>,
        %swap3A_205 = arith.constant 16 : index
        %swap3A_206 = tpu.vector_load %arg29[%swap3A_205] {strides = array<i32>} : memref<80xi32, #tpu.memory_space<vmem>>, vector<16xi32>,
        tpu.vector_store %arg29[%swap3A_205], %get3A_195 {strides = array<i32>} : memref<80xi32, #tpu.memory_space<vmem>>, vector<16xi32>,
        tpu.vector_store_idx %arg13[%get3A_195], %exp3A_202 {add = true} : memref<10000xf32, #tpu.memory_space<vmem>>[vector<16xi32>], vector<16xf32>,
        %get3A_207 = arith.constant 32 : index
        %get3A_208 = tpu.vector_load %arg20[%get3A_207] {strides = array<i32>} : memref<80xf32, #tpu.memory_space<vmem>>, vector<16xf32>,
        %get3A_209 = arith.constant 32 : index
        %get3A_210 = tpu.vector_load %arg23[%get3A_209] {strides = array<i32>} : memref<80xf32, #tpu.memory_space<vmem>>, vector<16xf32>,
        %get3A_211 = arith.constant 32 : index
        %get3A_212 = tpu.vector_load %arg17[%get3A_211] {strides = array<i32>} : memref<80xi32, #tpu.memory_space<vmem>>, vector<16xi32>,
        %add3A_213 = arith.addf %get3A_208, %get3A_210 : vector<16xf32>
        %mul3A_214 = arith.constant 2.000000e-01 : f32
        %mul3A_215 = vector.broadcast %mul3A_214 : f32 to vector<16xf32>
        %mul3A_216 = arith.mulf %mul3A_215, %add3A_213 : vector<16xf32>
        %max3A_217 = arith.maximumf %add3A_213, %mul3A_216 : vector<16xf32>
        %sub3A_218 = arith.subf %max3A_217, %get3A_5 : vector<16xf32>
        %exp3A_219 = math.exp %sub3A_218 : vector<16xf32>
        %swap3A_220 = arith.constant 32 : index
        %swap3A_221 = tpu.vector_load %arg26[%swap3A_220] {strides = array<i32>} : memref<80xf32, #tpu.memory_space<vmem>>, vector<16xf32>,
        tpu.vector_store %arg26[%swap3A_220], %exp3A_219 {strides = array<i32>} : memref<80xf32, #tpu.memory_space<vmem>>, vector<16xf32>,
        %swap3A_222 = arith.constant 32 : index
        %swap3A_223 = tpu.vector_load %arg29[%swap3A_222] {strides = array<i32>} : memref<80xi32, #tpu.memory_space<vmem>>, vector<16xi32>,
        tpu.vector_store %arg29[%swap3A_222], %get3A_212 {strides = array<i32>} : memref<80xi32, #tpu.memory_space<vmem>>, vector<16xi32>,
        tpu.vector_store_idx %arg13[%get3A_212], %exp3A_219 {add = true} : memref<10000xf32, #tpu.memory_space<vmem>>[vector<16xi32>], vector<16xf32>,
        %get3A_224 = arith.constant 48 : index
        %get3A_225 = tpu.vector_load %arg20[%get3A_224] {strides = array<i32>} : memref<80xf32, #tpu.memory_space<vmem>>, vector<16xf32>,
        %get3A_226 = arith.constant 48 : index
        %get3A_227 = tpu.vector_load %arg23[%get3A_226] {strides = array<i32>} : memref<80xf32, #tpu.memory_space<vmem>>, vector<16xf32>,
        %get3A_228 = arith.constant 48 : index
        %get3A_229 = tpu.vector_load %arg17[%get3A_228] {strides = array<i32>} : memref<80xi32, #tpu.memory_space<vmem>>, vector<16xi32>,
        %add3A_230 = arith.addf %get3A_225, %get3A_227 : vector<16xf32>
        %mul3A_231 = arith.constant 2.000000e-01 : f32
        %mul3A_232 = vector.broadcast %mul3A_231 : f32 to vector<16xf32>
        %mul3A_233 = arith.mulf %mul3A_232, %add3A_230 : vector<16xf32>
        %max3A_234 = arith.maximumf %add3A_230, %mul3A_233 : vector<16xf32>
        %sub3A_235 = arith.subf %max3A_234, %get3A_5 : vector<16xf32>
        %exp3A_236 = math.exp %sub3A_235 : vector<16xf32>
        %swap3A_237 = arith.constant 48 : index
        %swap3A_238 = tpu.vector_load %arg26[%swap3A_237] {strides = array<i32>} : memref<80xf32, #tpu.memory_space<vmem>>, vector<16xf32>,
        tpu.vector_store %arg26[%swap3A_237], %exp3A_236 {strides = array<i32>} : memref<80xf32, #tpu.memory_space<vmem>>, vector<16xf32>,
        %swap3A_239 = arith.constant 48 : index
        %swap3A_240 = tpu.vector_load %arg29[%swap3A_239] {strides = array<i32>} : memref<80xi32, #tpu.memory_space<vmem>>, vector<16xi32>,
        tpu.vector_store %arg29[%swap3A_239], %get3A_229 {strides = array<i32>} : memref<80xi32, #tpu.memory_space<vmem>>, vector<16xi32>,
        tpu.vector_store_idx %arg13[%get3A_229], %exp3A_236 {add = true} : memref<10000xf32, #tpu.memory_space<vmem>>[vector<16xi32>], vector<16xf32>,
        %get3A_241 = arith.constant 64 : index
        %get3A_242 = tpu.vector_load %arg20[%get3A_241] {strides = array<i32>} : memref<80xf32, #tpu.memory_space<vmem>>, vector<16xf32>,
        %get3A_243 = arith.constant 64 : index
        %get3A_244 = tpu.vector_load %arg23[%get3A_243] {strides = array<i32>} : memref<80xf32, #tpu.memory_space<vmem>>, vector<16xf32>,
        %get3A_245 = arith.constant 64 : index
        %get3A_246 = tpu.vector_load %arg17[%get3A_245] {strides = array<i32>} : memref<80xi32, #tpu.memory_space<vmem>>, vector<16xi32>,
        %add3A_247 = arith.addf %get3A_242, %get3A_244 : vector<16xf32>
        %mul3A_248 = arith.constant 2.000000e-01 : f32
        %mul3A_249 = vector.broadcast %mul3A_248 : f32 to vector<16xf32>
        %mul3A_250 = arith.mulf %mul3A_249, %add3A_247 : vector<16xf32>
        %max3A_251 = arith.maximumf %add3A_247, %mul3A_250 : vector<16xf32>
        %sub3A_252 = arith.subf %max3A_251, %get3A_5 : vector<16xf32>
        %exp3A_253 = math.exp %sub3A_252 : vector<16xf32>
        %swap3A_254 = arith.constant 64 : index
        %swap3A_255 = tpu.vector_load %arg26[%swap3A_254] {strides = array<i32>} : memref<80xf32, #tpu.memory_space<vmem>>, vector<16xf32>,
        tpu.vector_store %arg26[%swap3A_254], %exp3A_253 {strides = array<i32>} : memref<80xf32, #tpu.memory_space<vmem>>, vector<16xf32>,
        %swap3A_256 = arith.constant 64 : index
        %swap3A_257 = tpu.vector_load %arg29[%swap3A_256] {strides = array<i32>} : memref<80xi32, #tpu.memory_space<vmem>>, vector<16xi32>,
        tpu.vector_store %arg29[%swap3A_256], %get3A_246 {strides = array<i32>} : memref<80xi32, #tpu.memory_space<vmem>>, vector<16xi32>,
        tpu.vector_store_idx %arg13[%get3A_246], %exp3A_253 {add = true} : memref<10000xf32, #tpu.memory_space<vmem>>[vector<16xi32>], vector<16xf32>,
        %scan3A_258 = arith.constant 0 : i32
        %scan3A_259 = arith.constant 0 : i32
        %scan3A_260 = arith.constant 80 : i32
        %scan3A_261 = arith.addi %scan3A_259, %scan3A_260 : i32
        %scan3A_262 = arith.constant 1 : i32
        scf.for %scan3A_267 = %scan3A_259 to %scan3A_261 step %scan3A_262  : i32 {
          %broadcast_in_dim3A = vector.broadcast %scan3A_267 : i32 to vector<16xi32>
          %gather3A = tpu.vector_load_idx %arg26[%broadcast_in_dim3A] : memref<80xf32, #tpu.memory_space<vmem>>[vector<16xi32>], vector<16xf32>,
          %get3A_268 = arith.index_cast %scan3A_267 : i32 to index
          %get3A_269 = arith.constant 0 : index
          %get3A_270 = tpu.vector_load %arg32[%get3A_268, %get3A_269] {strides = array<i32>} : memref<80x128xf32, #tpu.memory_space<vmem>>, vector<16xf32>,
          %mul3A_271 = arith.mulf %get3A_270, %gather3A : vector<16xf32>
          %swap3A_272 = arith.index_cast %scan3A_267 : i32 to index
          %swap3A_273 = arith.constant 0 : index
          %swap3A_274 = tpu.vector_load %arg32[%swap3A_272, %swap3A_273] {strides = array<i32>} : memref<80x128xf32, #tpu.memory_space<vmem>>, vector<16xf32>,
          tpu.vector_store %arg32[%swap3A_272, %swap3A_273], %mul3A_271 {strides = array<i32>} : memref<80x128xf32, #tpu.memory_space<vmem>>, vector<16xf32>,
          %get3A_275 = arith.index_cast %scan3A_267 : i32 to index
          %get3A_276 = arith.constant 16 : index
          %get3A_277 = tpu.vector_load %arg32[%get3A_275, %get3A_276] {strides = array<i32>} : memref<80x128xf32, #tpu.memory_space<vmem>>, vector<16xf32>,
          %mul3A_278 = arith.mulf %get3A_277, %gather3A : vector<16xf32>
          %swap3A_279 = arith.index_cast %scan3A_267 : i32 to index
          %swap3A_280 = arith.constant 16 : index
          %swap3A_281 = tpu.vector_load %arg32[%swap3A_279, %swap3A_280] {strides = array<i32>} : memref<80x128xf32, #tpu.memory_space<vmem>>, vector<16xf32>,
          tpu.vector_store %arg32[%swap3A_279, %swap3A_280], %mul3A_278 {strides = array<i32>} : memref<80x128xf32, #tpu.memory_space<vmem>>, vector<16xf32>,
          %get3A_282 = arith.index_cast %scan3A_267 : i32 to index
          %get3A_283 = arith.constant 32 : index
          %get3A_284 = tpu.vector_load %arg32[%get3A_282, %get3A_283] {strides = array<i32>} : memref<80x128xf32, #tpu.memory_space<vmem>>, vector<16xf32>,
          %mul3A_285 = arith.mulf %get3A_284, %gather3A : vector<16xf32>
          %swap3A_286 = arith.index_cast %scan3A_267 : i32 to index
          %swap3A_287 = arith.constant 32 : index
          %swap3A_288 = tpu.vector_load %arg32[%swap3A_286, %swap3A_287] {strides = array<i32>} : memref<80x128xf32, #tpu.memory_space<vmem>>, vector<16xf32>,
          tpu.vector_store %arg32[%swap3A_286, %swap3A_287], %mul3A_285 {strides = array<i32>} : memref<80x128xf32, #tpu.memory_space<vmem>>, vector<16xf32>,
          %get3A_289 = arith.index_cast %scan3A_267 : i32 to index
          %get3A_290 = arith.constant 48 : index
          %get3A_291 = tpu.vector_load %arg32[%get3A_289, %get3A_290] {strides = array<i32>} : memref<80x128xf32, #tpu.memory_space<vmem>>, vector<16xf32>,
          %mul3A_292 = arith.mulf %get3A_291, %gather3A : vector<16xf32>
          %swap3A_293 = arith.index_cast %scan3A_267 : i32 to index
          %swap3A_294 = arith.constant 48 : index
          %swap3A_295 = tpu.vector_load %arg32[%swap3A_293, %swap3A_294] {strides = array<i32>} : memref<80x128xf32, #tpu.memory_space<vmem>>, vector<16xf32>,
          tpu.vector_store %arg32[%swap3A_293, %swap3A_294], %mul3A_292 {strides = array<i32>} : memref<80x128xf32, #tpu.memory_space<vmem>>, vector<16xf32>,
          %get3A_296 = arith.index_cast %scan3A_267 : i32 to index
          %get3A_297 = arith.constant 64 : index
          %get3A_298 = tpu.vector_load %arg32[%get3A_296, %get3A_297] {strides = array<i32>} : memref<80x128xf32, #tpu.memory_space<vmem>>, vector<16xf32>,
          %mul3A_299 = arith.mulf %get3A_298, %gather3A : vector<16xf32>
          %swap3A_300 = arith.index_cast %scan3A_267 : i32 to index
          %swap3A_301 = arith.constant 64 : index
          %swap3A_302 = tpu.vector_load %arg32[%swap3A_300, %swap3A_301] {strides = array<i32>} : memref<80x128xf32, #tpu.memory_space<vmem>>, vector<16xf32>,
          tpu.vector_store %arg32[%swap3A_300, %swap3A_301], %mul3A_299 {strides = array<i32>} : memref<80x128xf32, #tpu.memory_space<vmem>>, vector<16xf32>,
          %get3A_303 = arith.index_cast %scan3A_267 : i32 to index
          %get3A_304 = arith.constant 80 : index
          %get3A_305 = tpu.vector_load %arg32[%get3A_303, %get3A_304] {strides = array<i32>} : memref<80x128xf32, #tpu.memory_space<vmem>>, vector<16xf32>,
          %mul3A_306 = arith.mulf %get3A_305, %gather3A : vector<16xf32>
          %swap3A_307 = arith.index_cast %scan3A_267 : i32 to index
          %swap3A_308 = arith.constant 80 : index
          %swap3A_309 = tpu.vector_load %arg32[%swap3A_307, %swap3A_308] {strides = array<i32>} : memref<80x128xf32, #tpu.memory_space<vmem>>, vector<16xf32>,
          tpu.vector_store %arg32[%swap3A_307, %swap3A_308], %mul3A_306 {strides = array<i32>} : memref<80x128xf32, #tpu.memory_space<vmem>>, vector<16xf32>,
          %get3A_310 = arith.index_cast %scan3A_267 : i32 to index
          %get3A_311 = arith.constant 96 : index
          %get3A_312 = tpu.vector_load %arg32[%get3A_310, %get3A_311] {strides = array<i32>} : memref<80x128xf32, #tpu.memory_space<vmem>>, vector<16xf32>,
          %mul3A_313 = arith.mulf %get3A_312, %gather3A : vector<16xf32>
          %swap3A_314 = arith.index_cast %scan3A_267 : i32 to index
          %swap3A_315 = arith.constant 96 : index
          %swap3A_316 = tpu.vector_load %arg32[%swap3A_314, %swap3A_315] {strides = array<i32>} : memref<80x128xf32, #tpu.memory_space<vmem>>, vector<16xf32>,
          tpu.vector_store %arg32[%swap3A_314, %swap3A_315], %mul3A_313 {strides = array<i32>} : memref<80x128xf32, #tpu.memory_space<vmem>>, vector<16xf32>,
          %get3A_317 = arith.index_cast %scan3A_267 : i32 to index
          %get3A_318 = arith.constant 112 : index
          %get3A_319 = tpu.vector_load %arg32[%get3A_317, %get3A_318] {strides = array<i32>} : memref<80x128xf32, #tpu.memory_space<vmem>>, vector<16xf32>,
          %mul3A_320 = arith.mulf %get3A_319, %gather3A : vector<16xf32>
          %swap3A_321 = arith.index_cast %scan3A_267 : i32 to index
          %swap3A_322 = arith.constant 112 : index
          %swap3A_323 = tpu.vector_load %arg32[%swap3A_321, %swap3A_322] {strides = array<i32>} : memref<80x128xf32, #tpu.memory_space<vmem>>, vector<16xf32>,
          tpu.vector_store %arg32[%swap3A_321, %swap3A_322], %mul3A_320 {strides = array<i32>} : memref<80x128xf32, #tpu.memory_space<vmem>>, vector<16xf32>,
        }
        %scan3A_263 = arith.constant 80 : i32
        %dma_start3A_264 = arith.constant 0 : i32
        %dma_start3A_265 = arith.constant 0 : i32
        %dma_start3A_266 = tpu.memref_slice %arg35[%dma_start3A_264, %dma_start3A_265] : memref<10112x128xf32, #tpu.memory_space<vmem_shared>> -> memref<10112x128xf32, #tpu.memory_space<vmem_shared>>
        tpu.enqueue_indirect_dma source(%arg32 : memref<80x128xf32, #tpu.memory_space<vmem>>) target(%dma_start3A_266 : memref<10112x128xf32, #tpu.memory_space<vmem_shared>>) offsets(%arg29 : memref<80xi32, #tpu.memory_space<vmem>>) semaphore(%arg42 : memref<!tpu.dma_semaphore, #tpu.memory_space<semaphore_mem>>) {add = true}
      } else {
      }
      %mul3A_90 = arith.constant 3 : i32
      %mul3A_91 = arith.muli %scan3A_54, %mul3A_90 : i32
      %add3A_92 = arith.constant 1 : i32
      %add3A_93 = arith.addi %mul3A_91, %add3A_92 : i32
      %add3A_94 = arith.constant 2 : i32
      %add3A_95 = arith.addi %add3A_93, %add3A_94 : i32
      %lt3A_96 = arith.constant 125 : i32
      %lt3A_97 = arith.cmpi slt, %add3A_95, %lt3A_96 : i32
      %convert_element_type3A_98 = arith.extui %lt3A_97 : i1 to i32
      %cond3A_99 = arith.constant 0 : i32
      %cond3A_100 = arith.cmpi ne, %convert_element_type3A_98, %cond3A_99 : i32
      scf.if %cond3A_100 {
        %add3A_170 = arith.constant 2 : i32
        %add3A_171 = arith.addi %add3A_93, %add3A_170 : i32
        %mul3A_172 = arith.constant 80 : i32
        %mul3A_173 = arith.muli %add3A_171, %mul3A_172 : i32
        %add3A_174 = arith.addi %mul3A_2, %mul3A_173 : i32
        %dma_start3A_175 = tpu.memref_slice %arg2[%add3A_174] : memref<320000xi32, #tpu.memory_space<hbm>> -> memref<80xi32, #tpu.memory_space<hbm>>
        %dma_start3A_176 = tpu.memref_slice %arg2[%add3A_174] : memref<320000xi32, #tpu.memory_space<hbm>> -> memref<80xi32, #tpu.memory_space<hbm>>
        tpu.enqueue_dma source(%dma_start3A_176 : memref<80xi32, #tpu.memory_space<hbm>>) target(%arg14 : memref<80xi32, #tpu.memory_space<vmem>>) target_semaphore(%arg36 : memref<!tpu.dma_semaphore, #tpu.memory_space<semaphore_mem>>)
        %mul3A_177 = arith.constant 80 : i32
        %mul3A_178 = arith.muli %add3A_171, %mul3A_177 : i32
        %add3A_179 = arith.addi %mul3A_2, %mul3A_178 : i32
        %dma_start3A_180 = tpu.memref_slice %arg3[%add3A_179] : memref<320000xi32, #tpu.memory_space<hbm>> -> memref<80xi32, #tpu.memory_space<hbm>>
        %dma_start3A_181 = tpu.memref_slice %arg3[%add3A_179] : memref<320000xi32, #tpu.memory_space<hbm>> -> memref<80xi32, #tpu.memory_space<hbm>>
        tpu.enqueue_dma source(%dma_start3A_181 : memref<80xi32, #tpu.memory_space<hbm>>) target(%arg17 : memref<80xi32, #tpu.memory_space<vmem>>) target_semaphore(%arg36 : memref<!tpu.dma_semaphore, #tpu.memory_space<semaphore_mem>>)
      } else {
      }
      %add3A_101 = arith.constant 1 : i32
      %add3A_102 = arith.addi %add3A_93, %add3A_101 : i32
      %lt3A_103 = arith.constant 125 : i32
      %lt3A_104 = arith.cmpi slt, %add3A_102, %lt3A_103 : i32
      %convert_element_type3A_105 = arith.extui %lt3A_104 : i1 to i32
      %cond3A_106 = arith.constant 0 : i32
      %cond3A_107 = arith.cmpi ne, %convert_element_type3A_105, %cond3A_106 : i32
      scf.if %cond3A_107 {
        %add3A_170 = arith.constant 1 : i32
        %add3A_171 = arith.addi %add3A_93, %add3A_170 : i32
        %mul3A_172 = arith.constant 80 : i32
        %mul3A_173 = arith.muli %add3A_171, %mul3A_172 : i32
        %add3A_174 = arith.addi %mul3A_2, %mul3A_173 : i32
        %dma_wait3A_175 = tpu.memref_slice %arg2[%add3A_174] : memref<320000xi32, #tpu.memory_space<hbm>> -> memref<80xi32, #tpu.memory_space<hbm>>
        %dma_wait3A_176 = tpu.memref_slice %arg2[%add3A_174] : memref<320000xi32, #tpu.memory_space<hbm>> -> memref<80xi32, #tpu.memory_space<hbm>>
        tpu.wait_dma2 semaphore(%arg38 : memref<!tpu.dma_semaphore, #tpu.memory_space<semaphore_mem>>) src(%dma_wait3A_176 : memref<80xi32, #tpu.memory_space<hbm>>) dst(%arg16 : memref<80xi32, #tpu.memory_space<vmem>>)
        %mul3A_177 = arith.constant 80 : i32
        %mul3A_178 = arith.muli %add3A_171, %mul3A_177 : i32
        %add3A_179 = arith.addi %mul3A_2, %mul3A_178 : i32
        %dma_wait3A_180 = tpu.memref_slice %arg3[%add3A_179] : memref<320000xi32, #tpu.memory_space<hbm>> -> memref<80xi32, #tpu.memory_space<hbm>>
        %dma_wait3A_181 = tpu.memref_slice %arg3[%add3A_179] : memref<320000xi32, #tpu.memory_space<hbm>> -> memref<80xi32, #tpu.memory_space<hbm>>
        tpu.wait_dma2 semaphore(%arg38 : memref<!tpu.dma_semaphore, #tpu.memory_space<semaphore_mem>>) src(%dma_wait3A_181 : memref<80xi32, #tpu.memory_space<hbm>>) dst(%arg19 : memref<80xi32, #tpu.memory_space<vmem>>)
      } else {
      }
      %ge3A_108 = arith.constant 2 : i32
      %ge3A_109 = arith.cmpi sge, %add3A_93, %ge3A_108 : i32
      %add3A_110 = arith.constant 1 : i32
      %add3A_111 = arith.addi %add3A_93, %add3A_110 : i32
      %lt3A_112 = arith.constant 125 : i32
      %lt3A_113 = arith.cmpi slt, %add3A_111, %lt3A_112 : i32
      %and3A_114 = arith.andi %ge3A_109, %lt3A_113 : i1
      %convert_element_type3A_115 = arith.extui %and3A_114 : i1 to i32
      %cond3A_116 = arith.constant 0 : i32
      %cond3A_117 = arith.cmpi ne, %convert_element_type3A_115, %cond3A_116 : i32
      scf.if %cond3A_117 {
        %dma_wait3A_170 = arith.constant 0 : i32
        %dma_wait3A_171 = arith.constant 0 : i32
        %dma_wait3A_172 = tpu.memref_slice %arg35[%dma_wait3A_170, %dma_wait3A_171] : memref<10112x128xf32, #tpu.memory_space<vmem_shared>> -> memref<10112x128xf32, #tpu.memory_space<vmem_shared>>
        tpu.wait_indirect_dma semaphore(%arg44 : memref<!tpu.dma_semaphore, #tpu.memory_space<semaphore_mem>>) src(%arg34 : memref<80x128xf32, #tpu.memory_space<vmem>>) dst(%dma_wait3A_172 : memref<10112x128xf32, #tpu.memory_space<vmem_shared>>)
      } else {
      }
      %add3A_118 = arith.constant 1 : i32
      %add3A_119 = arith.addi %add3A_93, %add3A_118 : i32
      %lt3A_120 = arith.constant 125 : i32
      %lt3A_121 = arith.cmpi slt, %add3A_119, %lt3A_120 : i32
      %convert_element_type3A_122 = arith.extui %lt3A_121 : i1 to i32
      %cond3A_123 = arith.constant 0 : i32
      %cond3A_124 = arith.cmpi ne, %convert_element_type3A_122, %cond3A_123 : i32
      scf.if %cond3A_124 {
        %dma_start3A_170 = arith.constant 0 : i32
        %dma_start3A_171 = arith.constant 0 : i32
        %dma_start3A_172 = tpu.memref_slice %arg7[%dma_start3A_170, %dma_start3A_171] : memref<10000x128xf32, #tpu.memory_space<hbm>> -> memref<10000x128xf32, #tpu.memory_space<hbm>>
        tpu.enqueue_indirect_dma source(%dma_start3A_172 : memref<10000x128xf32, #tpu.memory_space<hbm>>) target(%arg34 : memref<80x128xf32, #tpu.memory_space<vmem>>) offsets(%arg16 : memref<80xi32, #tpu.memory_space<vmem>>) semaphore(%arg41 : memref<!tpu.dma_semaphore, #tpu.memory_space<semaphore_mem>>)
        %dma_start3A_173 = arith.constant 0 : i32
        %dma_start3A_174 = tpu.memref_slice %arg4[%dma_start3A_173] : memref<10000xf32, #tpu.memory_space<hbm>> -> memref<10000xf32, #tpu.memory_space<hbm>>
        tpu.enqueue_indirect_dma source(%dma_start3A_174 : memref<10000xf32, #tpu.memory_space<hbm>>) target(%arg22 : memref<80xf32, #tpu.memory_space<vmem>>) offsets(%arg16 : memref<80xi32, #tpu.memory_space<vmem>>) semaphore(%arg41 : memref<!tpu.dma_semaphore, #tpu.memory_space<semaphore_mem>>)
        %dma_start3A_175 = arith.constant 0 : i32
        %dma_start3A_176 = tpu.memref_slice %arg5[%dma_start3A_175] : memref<10000xf32, #tpu.memory_space<hbm>> -> memref<10000xf32, #tpu.memory_space<hbm>>
        tpu.enqueue_indirect_dma source(%dma_start3A_176 : memref<10000xf32, #tpu.memory_space<hbm>>) target(%arg25 : memref<80xf32, #tpu.memory_space<vmem>>) offsets(%arg19 : memref<80xi32, #tpu.memory_space<vmem>>) semaphore(%arg41 : memref<!tpu.dma_semaphore, #tpu.memory_space<semaphore_mem>>)
      } else {
      }
      %lt3A_125 = arith.constant 125 : i32
      %lt3A_126 = arith.cmpi slt, %add3A_93, %lt3A_125 : i32
      %convert_element_type3A_127 = arith.extui %lt3A_126 : i1 to i32
      %cond3A_128 = arith.constant 0 : i32
      %cond3A_129 = arith.cmpi ne, %convert_element_type3A_127, %cond3A_128 : i32
      scf.if %cond3A_129 {
        %dma_wait3A_170 = arith.constant 0 : i32
        %dma_wait3A_171 = arith.constant 0 : i32
        %dma_wait3A_172 = tpu.memref_slice %arg7[%dma_wait3A_170, %dma_wait3A_171] : memref<10000x128xf32, #tpu.memory_space<hbm>> -> memref<10000x128xf32, #tpu.memory_space<hbm>>
        tpu.wait_indirect_dma semaphore(%arg40 : memref<!tpu.dma_semaphore, #tpu.memory_space<semaphore_mem>>) src(%dma_wait3A_172 : memref<10000x128xf32, #tpu.memory_space<hbm>>) dst(%arg33 : memref<80x128xf32, #tpu.memory_space<vmem>>)
        %dma_wait3A_173 = arith.constant 0 : i32
        %dma_wait3A_174 = tpu.memref_slice %arg4[%dma_wait3A_173] : memref<10000xf32, #tpu.memory_space<hbm>> -> memref<10000xf32, #tpu.memory_space<hbm>>
        tpu.wait_indirect_dma semaphore(%arg40 : memref<!tpu.dma_semaphore, #tpu.memory_space<semaphore_mem>>) src(%dma_wait3A_174 : memref<10000xf32, #tpu.memory_space<hbm>>) dst(%arg21 : memref<80xf32, #tpu.memory_space<vmem>>)
        %dma_wait3A_175 = arith.constant 0 : i32
        %dma_wait3A_176 = tpu.memref_slice %arg5[%dma_wait3A_175] : memref<10000xf32, #tpu.memory_space<hbm>> -> memref<10000xf32, #tpu.memory_space<hbm>>
        tpu.wait_indirect_dma semaphore(%arg40 : memref<!tpu.dma_semaphore, #tpu.memory_space<semaphore_mem>>) src(%dma_wait3A_176 : memref<10000xf32, #tpu.memory_space<hbm>>) dst(%arg24 : memref<80xf32, #tpu.memory_space<vmem>>)
        %get3A_177 = arith.constant 0 : index
        %get3A_178 = tpu.vector_load %arg21[%get3A_177] {strides = array<i32>} : memref<80xf32, #tpu.memory_space<vmem>>, vector<16xf32>,
        %get3A_179 = arith.constant 0 : index
        %get3A_180 = tpu.vector_load %arg24[%get3A_179] {strides = array<i32>} : memref<80xf32, #tpu.memory_space<vmem>>, vector<16xf32>,
        %get3A_181 = arith.constant 0 : index
        %get3A_182 = tpu.vector_load %arg18[%get3A_181] {strides = array<i32>} : memref<80xi32, #tpu.memory_space<vmem>>, vector<16xi32>,
        %add3A_183 = arith.addf %get3A_178, %get3A_180 : vector<16xf32>
        %mul3A_184 = arith.constant 2.000000e-01 : f32
        %mul3A_185 = vector.broadcast %mul3A_184 : f32 to vector<16xf32>
        %mul3A_186 = arith.mulf %mul3A_185, %add3A_183 : vector<16xf32>
        %max3A = arith.maximumf %add3A_183, %mul3A_186 : vector<16xf32>
        %sub3A = arith.subf %max3A, %get3A_5 : vector<16xf32>
        %exp3A = math.exp %sub3A : vector<16xf32>
        %swap3A = arith.constant 0 : index
        %swap3A_187 = tpu.vector_load %arg27[%swap3A] {strides = array<i32>} : memref<80xf32, #tpu.memory_space<vmem>>, vector<16xf32>,
        tpu.vector_store %arg27[%swap3A], %exp3A {strides = array<i32>} : memref<80xf32, #tpu.memory_space<vmem>>, vector<16xf32>,
        %swap3A_188 = arith.constant 0 : index
        %swap3A_189 = tpu.vector_load %arg30[%swap3A_188] {strides = array<i32>} : memref<80xi32, #tpu.memory_space<vmem>>, vector<16xi32>,
        tpu.vector_store %arg30[%swap3A_188], %get3A_182 {strides = array<i32>} : memref<80xi32, #tpu.memory_space<vmem>>, vector<16xi32>,
        tpu.vector_store_idx %arg13[%get3A_182], %exp3A {add = true} : memref<10000xf32, #tpu.memory_space<vmem>>[vector<16xi32>], vector<16xf32>,
        %get3A_190 = arith.constant 16 : index
        %get3A_191 = tpu.vector_load %arg21[%get3A_190] {strides = array<i32>} : memref<80xf32, #tpu.memory_space<vmem>>, vector<16xf32>,
        %get3A_192 = arith.constant 16 : index
        %get3A_193 = tpu.vector_load %arg24[%get3A_192] {strides = array<i32>} : memref<80xf32, #tpu.memory_space<vmem>>, vector<16xf32>,
        %get3A_194 = arith.constant 16 : index
        %get3A_195 = tpu.vector_load %arg18[%get3A_194] {strides = array<i32>} : memref<80xi32, #tpu.memory_space<vmem>>, vector<16xi32>,
        %add3A_196 = arith.addf %get3A_191, %get3A_193 : vector<16xf32>
        %mul3A_197 = arith.constant 2.000000e-01 : f32
        %mul3A_198 = vector.broadcast %mul3A_197 : f32 to vector<16xf32>
        %mul3A_199 = arith.mulf %mul3A_198, %add3A_196 : vector<16xf32>
        %max3A_200 = arith.maximumf %add3A_196, %mul3A_199 : vector<16xf32>
        %sub3A_201 = arith.subf %max3A_200, %get3A_5 : vector<16xf32>
        %exp3A_202 = math.exp %sub3A_201 : vector<16xf32>
        %swap3A_203 = arith.constant 16 : index
        %swap3A_204 = tpu.vector_load %arg27[%swap3A_203] {strides = array<i32>} : memref<80xf32, #tpu.memory_space<vmem>>, vector<16xf32>,
        tpu.vector_store %arg27[%swap3A_203], %exp3A_202 {strides = array<i32>} : memref<80xf32, #tpu.memory_space<vmem>>, vector<16xf32>,
        %swap3A_205 = arith.constant 16 : index
        %swap3A_206 = tpu.vector_load %arg30[%swap3A_205] {strides = array<i32>} : memref<80xi32, #tpu.memory_space<vmem>>, vector<16xi32>,
        tpu.vector_store %arg30[%swap3A_205], %get3A_195 {strides = array<i32>} : memref<80xi32, #tpu.memory_space<vmem>>, vector<16xi32>,
        tpu.vector_store_idx %arg13[%get3A_195], %exp3A_202 {add = true} : memref<10000xf32, #tpu.memory_space<vmem>>[vector<16xi32>], vector<16xf32>,
        %get3A_207 = arith.constant 32 : index
        %get3A_208 = tpu.vector_load %arg21[%get3A_207] {strides = array<i32>} : memref<80xf32, #tpu.memory_space<vmem>>, vector<16xf32>,
        %get3A_209 = arith.constant 32 : index
        %get3A_210 = tpu.vector_load %arg24[%get3A_209] {strides = array<i32>} : memref<80xf32, #tpu.memory_space<vmem>>, vector<16xf32>,
        %get3A_211 = arith.constant 32 : index
        %get3A_212 = tpu.vector_load %arg18[%get3A_211] {strides = array<i32>} : memref<80xi32, #tpu.memory_space<vmem>>, vector<16xi32>,
        %add3A_213 = arith.addf %get3A_208, %get3A_210 : vector<16xf32>
        %mul3A_214 = arith.constant 2.000000e-01 : f32
        %mul3A_215 = vector.broadcast %mul3A_214 : f32 to vector<16xf32>
        %mul3A_216 = arith.mulf %mul3A_215, %add3A_213 : vector<16xf32>
        %max3A_217 = arith.maximumf %add3A_213, %mul3A_216 : vector<16xf32>
        %sub3A_218 = arith.subf %max3A_217, %get3A_5 : vector<16xf32>
        %exp3A_219 = math.exp %sub3A_218 : vector<16xf32>
        %swap3A_220 = arith.constant 32 : index
        %swap3A_221 = tpu.vector_load %arg27[%swap3A_220] {strides = array<i32>} : memref<80xf32, #tpu.memory_space<vmem>>, vector<16xf32>,
        tpu.vector_store %arg27[%swap3A_220], %exp3A_219 {strides = array<i32>} : memref<80xf32, #tpu.memory_space<vmem>>, vector<16xf32>,
        %swap3A_222 = arith.constant 32 : index
        %swap3A_223 = tpu.vector_load %arg30[%swap3A_222] {strides = array<i32>} : memref<80xi32, #tpu.memory_space<vmem>>, vector<16xi32>,
        tpu.vector_store %arg30[%swap3A_222], %get3A_212 {strides = array<i32>} : memref<80xi32, #tpu.memory_space<vmem>>, vector<16xi32>,
        tpu.vector_store_idx %arg13[%get3A_212], %exp3A_219 {add = true} : memref<10000xf32, #tpu.memory_space<vmem>>[vector<16xi32>], vector<16xf32>,
        %get3A_224 = arith.constant 48 : index
        %get3A_225 = tpu.vector_load %arg21[%get3A_224] {strides = array<i32>} : memref<80xf32, #tpu.memory_space<vmem>>, vector<16xf32>,
        %get3A_226 = arith.constant 48 : index
        %get3A_227 = tpu.vector_load %arg24[%get3A_226] {strides = array<i32>} : memref<80xf32, #tpu.memory_space<vmem>>, vector<16xf32>,
        %get3A_228 = arith.constant 48 : index
        %get3A_229 = tpu.vector_load %arg18[%get3A_228] {strides = array<i32>} : memref<80xi32, #tpu.memory_space<vmem>>, vector<16xi32>,
        %add3A_230 = arith.addf %get3A_225, %get3A_227 : vector<16xf32>
        %mul3A_231 = arith.constant 2.000000e-01 : f32
        %mul3A_232 = vector.broadcast %mul3A_231 : f32 to vector<16xf32>
        %mul3A_233 = arith.mulf %mul3A_232, %add3A_230 : vector<16xf32>
        %max3A_234 = arith.maximumf %add3A_230, %mul3A_233 : vector<16xf32>
        %sub3A_235 = arith.subf %max3A_234, %get3A_5 : vector<16xf32>
        %exp3A_236 = math.exp %sub3A_235 : vector<16xf32>
        %swap3A_237 = arith.constant 48 : index
        %swap3A_238 = tpu.vector_load %arg27[%swap3A_237] {strides = array<i32>} : memref<80xf32, #tpu.memory_space<vmem>>, vector<16xf32>,
        tpu.vector_store %arg27[%swap3A_237], %exp3A_236 {strides = array<i32>} : memref<80xf32, #tpu.memory_space<vmem>>, vector<16xf32>,
        %swap3A_239 = arith.constant 48 : index
        %swap3A_240 = tpu.vector_load %arg30[%swap3A_239] {strides = array<i32>} : memref<80xi32, #tpu.memory_space<vmem>>, vector<16xi32>,
        tpu.vector_store %arg30[%swap3A_239], %get3A_229 {strides = array<i32>} : memref<80xi32, #tpu.memory_space<vmem>>, vector<16xi32>,
        tpu.vector_store_idx %arg13[%get3A_229], %exp3A_236 {add = true} : memref<10000xf32, #tpu.memory_space<vmem>>[vector<16xi32>], vector<16xf32>,
        %get3A_241 = arith.constant 64 : index
        %get3A_242 = tpu.vector_load %arg21[%get3A_241] {strides = array<i32>} : memref<80xf32, #tpu.memory_space<vmem>>, vector<16xf32>,
        %get3A_243 = arith.constant 64 : index
        %get3A_244 = tpu.vector_load %arg24[%get3A_243] {strides = array<i32>} : memref<80xf32, #tpu.memory_space<vmem>>, vector<16xf32>,
        %get3A_245 = arith.constant 64 : index
        %get3A_246 = tpu.vector_load %arg18[%get3A_245] {strides = array<i32>} : memref<80xi32, #tpu.memory_space<vmem>>, vector<16xi32>,
        %add3A_247 = arith.addf %get3A_242, %get3A_244 : vector<16xf32>
        %mul3A_248 = arith.constant 2.000000e-01 : f32
        %mul3A_249 = vector.broadcast %mul3A_248 : f32 to vector<16xf32>
        %mul3A_250 = arith.mulf %mul3A_249, %add3A_247 : vector<16xf32>
        %max3A_251 = arith.maximumf %add3A_247, %mul3A_250 : vector<16xf32>
        %sub3A_252 = arith.subf %max3A_251, %get3A_5 : vector<16xf32>
        %exp3A_253 = math.exp %sub3A_252 : vector<16xf32>
        %swap3A_254 = arith.constant 64 : index
        %swap3A_255 = tpu.vector_load %arg27[%swap3A_254] {strides = array<i32>} : memref<80xf32, #tpu.memory_space<vmem>>, vector<16xf32>,
        tpu.vector_store %arg27[%swap3A_254], %exp3A_253 {strides = array<i32>} : memref<80xf32, #tpu.memory_space<vmem>>, vector<16xf32>,
        %swap3A_256 = arith.constant 64 : index
        %swap3A_257 = tpu.vector_load %arg30[%swap3A_256] {strides = array<i32>} : memref<80xi32, #tpu.memory_space<vmem>>, vector<16xi32>,
        tpu.vector_store %arg30[%swap3A_256], %get3A_246 {strides = array<i32>} : memref<80xi32, #tpu.memory_space<vmem>>, vector<16xi32>,
        tpu.vector_store_idx %arg13[%get3A_246], %exp3A_253 {add = true} : memref<10000xf32, #tpu.memory_space<vmem>>[vector<16xi32>], vector<16xf32>,
        %scan3A_258 = arith.constant 0 : i32
        %scan3A_259 = arith.constant 0 : i32
        %scan3A_260 = arith.constant 80 : i32
        %scan3A_261 = arith.addi %scan3A_259, %scan3A_260 : i32
        %scan3A_262 = arith.constant 1 : i32
        scf.for %scan3A_267 = %scan3A_259 to %scan3A_261 step %scan3A_262  : i32 {
          %broadcast_in_dim3A = vector.broadcast %scan3A_267 : i32 to vector<16xi32>
          %gather3A = tpu.vector_load_idx %arg27[%broadcast_in_dim3A] : memref<80xf32, #tpu.memory_space<vmem>>[vector<16xi32>], vector<16xf32>,
          %get3A_268 = arith.index_cast %scan3A_267 : i32 to index
          %get3A_269 = arith.constant 0 : index
          %get3A_270 = tpu.vector_load %arg33[%get3A_268, %get3A_269] {strides = array<i32>} : memref<80x128xf32, #tpu.memory_space<vmem>>, vector<16xf32>,
          %mul3A_271 = arith.mulf %get3A_270, %gather3A : vector<16xf32>
          %swap3A_272 = arith.index_cast %scan3A_267 : i32 to index
          %swap3A_273 = arith.constant 0 : index
          %swap3A_274 = tpu.vector_load %arg33[%swap3A_272, %swap3A_273] {strides = array<i32>} : memref<80x128xf32, #tpu.memory_space<vmem>>, vector<16xf32>,
          tpu.vector_store %arg33[%swap3A_272, %swap3A_273], %mul3A_271 {strides = array<i32>} : memref<80x128xf32, #tpu.memory_space<vmem>>, vector<16xf32>,
          %get3A_275 = arith.index_cast %scan3A_267 : i32 to index
          %get3A_276 = arith.constant 16 : index
          %get3A_277 = tpu.vector_load %arg33[%get3A_275, %get3A_276] {strides = array<i32>} : memref<80x128xf32, #tpu.memory_space<vmem>>, vector<16xf32>,
          %mul3A_278 = arith.mulf %get3A_277, %gather3A : vector<16xf32>
          %swap3A_279 = arith.index_cast %scan3A_267 : i32 to index
          %swap3A_280 = arith.constant 16 : index
          %swap3A_281 = tpu.vector_load %arg33[%swap3A_279, %swap3A_280] {strides = array<i32>} : memref<80x128xf32, #tpu.memory_space<vmem>>, vector<16xf32>,
          tpu.vector_store %arg33[%swap3A_279, %swap3A_280], %mul3A_278 {strides = array<i32>} : memref<80x128xf32, #tpu.memory_space<vmem>>, vector<16xf32>,
          %get3A_282 = arith.index_cast %scan3A_267 : i32 to index
          %get3A_283 = arith.constant 32 : index
          %get3A_284 = tpu.vector_load %arg33[%get3A_282, %get3A_283] {strides = array<i32>} : memref<80x128xf32, #tpu.memory_space<vmem>>, vector<16xf32>,
          %mul3A_285 = arith.mulf %get3A_284, %gather3A : vector<16xf32>
          %swap3A_286 = arith.index_cast %scan3A_267 : i32 to index
          %swap3A_287 = arith.constant 32 : index
          %swap3A_288 = tpu.vector_load %arg33[%swap3A_286, %swap3A_287] {strides = array<i32>} : memref<80x128xf32, #tpu.memory_space<vmem>>, vector<16xf32>,
          tpu.vector_store %arg33[%swap3A_286, %swap3A_287], %mul3A_285 {strides = array<i32>} : memref<80x128xf32, #tpu.memory_space<vmem>>, vector<16xf32>,
          %get3A_289 = arith.index_cast %scan3A_267 : i32 to index
          %get3A_290 = arith.constant 48 : index
          %get3A_291 = tpu.vector_load %arg33[%get3A_289, %get3A_290] {strides = array<i32>} : memref<80x128xf32, #tpu.memory_space<vmem>>, vector<16xf32>,
          %mul3A_292 = arith.mulf %get3A_291, %gather3A : vector<16xf32>
          %swap3A_293 = arith.index_cast %scan3A_267 : i32 to index
          %swap3A_294 = arith.constant 48 : index
          %swap3A_295 = tpu.vector_load %arg33[%swap3A_293, %swap3A_294] {strides = array<i32>} : memref<80x128xf32, #tpu.memory_space<vmem>>, vector<16xf32>,
          tpu.vector_store %arg33[%swap3A_293, %swap3A_294], %mul3A_292 {strides = array<i32>} : memref<80x128xf32, #tpu.memory_space<vmem>>, vector<16xf32>,
          %get3A_296 = arith.index_cast %scan3A_267 : i32 to index
          %get3A_297 = arith.constant 64 : index
          %get3A_298 = tpu.vector_load %arg33[%get3A_296, %get3A_297] {strides = array<i32>} : memref<80x128xf32, #tpu.memory_space<vmem>>, vector<16xf32>,
          %mul3A_299 = arith.mulf %get3A_298, %gather3A : vector<16xf32>
          %swap3A_300 = arith.index_cast %scan3A_267 : i32 to index
          %swap3A_301 = arith.constant 64 : index
          %swap3A_302 = tpu.vector_load %arg33[%swap3A_300, %swap3A_301] {strides = array<i32>} : memref<80x128xf32, #tpu.memory_space<vmem>>, vector<16xf32>,
          tpu.vector_store %arg33[%swap3A_300, %swap3A_301], %mul3A_299 {strides = array<i32>} : memref<80x128xf32, #tpu.memory_space<vmem>>, vector<16xf32>,
          %get3A_303 = arith.index_cast %scan3A_267 : i32 to index
          %get3A_304 = arith.constant 80 : index
          %get3A_305 = tpu.vector_load %arg33[%get3A_303, %get3A_304] {strides = array<i32>} : memref<80x128xf32, #tpu.memory_space<vmem>>, vector<16xf32>,
          %mul3A_306 = arith.mulf %get3A_305, %gather3A : vector<16xf32>
          %swap3A_307 = arith.index_cast %scan3A_267 : i32 to index
          %swap3A_308 = arith.constant 80 : index
          %swap3A_309 = tpu.vector_load %arg33[%swap3A_307, %swap3A_308] {strides = array<i32>} : memref<80x128xf32, #tpu.memory_space<vmem>>, vector<16xf32>,
          tpu.vector_store %arg33[%swap3A_307, %swap3A_308], %mul3A_306 {strides = array<i32>} : memref<80x128xf32, #tpu.memory_space<vmem>>, vector<16xf32>,
          %get3A_310 = arith.index_cast %scan3A_267 : i32 to index
          %get3A_311 = arith.constant 96 : index
          %get3A_312 = tpu.vector_load %arg33[%get3A_310, %get3A_311] {strides = array<i32>} : memref<80x128xf32, #tpu.memory_space<vmem>>, vector<16xf32>,
          %mul3A_313 = arith.mulf %get3A_312, %gather3A : vector<16xf32>
          %swap3A_314 = arith.index_cast %scan3A_267 : i32 to index
          %swap3A_315 = arith.constant 96 : index
          %swap3A_316 = tpu.vector_load %arg33[%swap3A_314, %swap3A_315] {strides = array<i32>} : memref<80x128xf32, #tpu.memory_space<vmem>>, vector<16xf32>,
          tpu.vector_store %arg33[%swap3A_314, %swap3A_315], %mul3A_313 {strides = array<i32>} : memref<80x128xf32, #tpu.memory_space<vmem>>, vector<16xf32>,
          %get3A_317 = arith.index_cast %scan3A_267 : i32 to index
          %get3A_318 = arith.constant 112 : index
          %get3A_319 = tpu.vector_load %arg33[%get3A_317, %get3A_318] {strides = array<i32>} : memref<80x128xf32, #tpu.memory_space<vmem>>, vector<16xf32>,
          %mul3A_320 = arith.mulf %get3A_319, %gather3A : vector<16xf32>
          %swap3A_321 = arith.index_cast %scan3A_267 : i32 to index
          %swap3A_322 = arith.constant 112 : index
          %swap3A_323 = tpu.vector_load %arg33[%swap3A_321, %swap3A_322] {strides = array<i32>} : memref<80x128xf32, #tpu.memory_space<vmem>>, vector<16xf32>,
          tpu.vector_store %arg33[%swap3A_321, %swap3A_322], %mul3A_320 {strides = array<i32>} : memref<80x128xf32, #tpu.memory_space<vmem>>, vector<16xf32>,
        }
        %scan3A_263 = arith.constant 80 : i32
        %dma_start3A_264 = arith.constant 0 : i32
        %dma_start3A_265 = arith.constant 0 : i32
        %dma_start3A_266 = tpu.memref_slice %arg35[%dma_start3A_264, %dma_start3A_265] : memref<10112x128xf32, #tpu.memory_space<vmem_shared>> -> memref<10112x128xf32, #tpu.memory_space<vmem_shared>>
        tpu.enqueue_indirect_dma source(%arg33 : memref<80x128xf32, #tpu.memory_space<vmem>>) target(%dma_start3A_266 : memref<10112x128xf32, #tpu.memory_space<vmem_shared>>) offsets(%arg30 : memref<80xi32, #tpu.memory_space<vmem>>) semaphore(%arg43 : memref<!tpu.dma_semaphore, #tpu.memory_space<semaphore_mem>>) {add = true}
      } else {
      }
      %mul3A_130 = arith.constant 3 : i32
      %mul3A_131 = arith.muli %scan3A_54, %mul3A_130 : i32
      %add3A_132 = arith.constant 2 : i32
      %add3A_133 = arith.addi %mul3A_131, %add3A_132 : i32
      %add3A_134 = arith.constant 2 : i32
      %add3A_135 = arith.addi %add3A_133, %add3A_134 : i32
      %lt3A_136 = arith.constant 125 : i32
      %lt3A_137 = arith.cmpi slt, %add3A_135, %lt3A_136 : i32
      %convert_element_type3A_138 = arith.extui %lt3A_137 : i1 to i32
      %cond3A_139 = arith.constant 0 : i32
      %cond3A_140 = arith.cmpi ne, %convert_element_type3A_138, %cond3A_139 : i32
      scf.if %cond3A_140 {
        %add3A_170 = arith.constant 2 : i32
        %add3A_171 = arith.addi %add3A_133, %add3A_170 : i32
        %mul3A_172 = arith.constant 80 : i32
        %mul3A_173 = arith.muli %add3A_171, %mul3A_172 : i32
        %add3A_174 = arith.addi %mul3A_2, %mul3A_173 : i32
        %dma_start3A_175 = tpu.memref_slice %arg2[%add3A_174] : memref<320000xi32, #tpu.memory_space<hbm>> -> memref<80xi32, #tpu.memory_space<hbm>>
        %dma_start3A_176 = tpu.memref_slice %arg2[%add3A_174] : memref<320000xi32, #tpu.memory_space<hbm>> -> memref<80xi32, #tpu.memory_space<hbm>>
        tpu.enqueue_dma source(%dma_start3A_176 : memref<80xi32, #tpu.memory_space<hbm>>) target(%arg15 : memref<80xi32, #tpu.memory_space<vmem>>) target_semaphore(%arg37 : memref<!tpu.dma_semaphore, #tpu.memory_space<semaphore_mem>>)
        %mul3A_177 = arith.constant 80 : i32
        %mul3A_178 = arith.muli %add3A_171, %mul3A_177 : i32
        %add3A_179 = arith.addi %mul3A_2, %mul3A_178 : i32
        %dma_start3A_180 = tpu.memref_slice %arg3[%add3A_179] : memref<320000xi32, #tpu.memory_space<hbm>> -> memref<80xi32, #tpu.memory_space<hbm>>
        %dma_start3A_181 = tpu.memref_slice %arg3[%add3A_179] : memref<320000xi32, #tpu.memory_space<hbm>> -> memref<80xi32, #tpu.memory_space<hbm>>
        tpu.enqueue_dma source(%dma_start3A_181 : memref<80xi32, #tpu.memory_space<hbm>>) target(%arg18 : memref<80xi32, #tpu.memory_space<vmem>>) target_semaphore(%arg37 : memref<!tpu.dma_semaphore, #tpu.memory_space<semaphore_mem>>)
      } else {
      }
      %add3A_141 = arith.constant 1 : i32
      %add3A_142 = arith.addi %add3A_133, %add3A_141 : i32
      %lt3A_143 = arith.constant 125 : i32
      %lt3A_144 = arith.cmpi slt, %add3A_142, %lt3A_143 : i32
      %convert_element_type3A_145 = arith.extui %lt3A_144 : i1 to i32
      %cond3A_146 = arith.constant 0 : i32
      %cond3A_147 = arith.cmpi ne, %convert_element_type3A_145, %cond3A_146 : i32
      scf.if %cond3A_147 {
        %add3A_170 = arith.constant 1 : i32
        %add3A_171 = arith.addi %add3A_133, %add3A_170 : i32
        %mul3A_172 = arith.constant 80 : i32
        %mul3A_173 = arith.muli %add3A_171, %mul3A_172 : i32
        %add3A_174 = arith.addi %mul3A_2, %mul3A_173 : i32
        %dma_wait3A_175 = tpu.memref_slice %arg2[%add3A_174] : memref<320000xi32, #tpu.memory_space<hbm>> -> memref<80xi32, #tpu.memory_space<hbm>>
        %dma_wait3A_176 = tpu.memref_slice %arg2[%add3A_174] : memref<320000xi32, #tpu.memory_space<hbm>> -> memref<80xi32, #tpu.memory_space<hbm>>
        tpu.wait_dma2 semaphore(%arg36 : memref<!tpu.dma_semaphore, #tpu.memory_space<semaphore_mem>>) src(%dma_wait3A_176 : memref<80xi32, #tpu.memory_space<hbm>>) dst(%arg14 : memref<80xi32, #tpu.memory_space<vmem>>)
        %mul3A_177 = arith.constant 80 : i32
        %mul3A_178 = arith.muli %add3A_171, %mul3A_177 : i32
        %add3A_179 = arith.addi %mul3A_2, %mul3A_178 : i32
        %dma_wait3A_180 = tpu.memref_slice %arg3[%add3A_179] : memref<320000xi32, #tpu.memory_space<hbm>> -> memref<80xi32, #tpu.memory_space<hbm>>
        %dma_wait3A_181 = tpu.memref_slice %arg3[%add3A_179] : memref<320000xi32, #tpu.memory_space<hbm>> -> memref<80xi32, #tpu.memory_space<hbm>>
        tpu.wait_dma2 semaphore(%arg36 : memref<!tpu.dma_semaphore, #tpu.memory_space<semaphore_mem>>) src(%dma_wait3A_181 : memref<80xi32, #tpu.memory_space<hbm>>) dst(%arg17 : memref<80xi32, #tpu.memory_space<vmem>>)
      } else {
      }
      %ge3A_148 = arith.constant 2 : i32
      %ge3A_149 = arith.cmpi sge, %add3A_133, %ge3A_148 : i32
      %add3A_150 = arith.constant 1 : i32
      %add3A_151 = arith.addi %add3A_133, %add3A_150 : i32
      %lt3A_152 = arith.constant 125 : i32
      %lt3A_153 = arith.cmpi slt, %add3A_151, %lt3A_152 : i32
      %and3A_154 = arith.andi %ge3A_149, %lt3A_153 : i1
      %convert_element_type3A_155 = arith.extui %and3A_154 : i1 to i32
      %cond3A_156 = arith.constant 0 : i32
      %cond3A_157 = arith.cmpi ne, %convert_element_type3A_155, %cond3A_156 : i32
      scf.if %cond3A_157 {
        %dma_wait3A_170 = arith.constant 0 : i32
        %dma_wait3A_171 = arith.constant 0 : i32
        %dma_wait3A_172 = tpu.memref_slice %arg35[%dma_wait3A_170, %dma_wait3A_171] : memref<10112x128xf32, #tpu.memory_space<vmem_shared>> -> memref<10112x128xf32, #tpu.memory_space<vmem_shared>>
        tpu.wait_indirect_dma semaphore(%arg42 : memref<!tpu.dma_semaphore, #tpu.memory_space<semaphore_mem>>) src(%arg32 : memref<80x128xf32, #tpu.memory_space<vmem>>) dst(%dma_wait3A_172 : memref<10112x128xf32, #tpu.memory_space<vmem_shared>>)
      } else {
      }
      %add3A_158 = arith.constant 1 : i32
      %add3A_159 = arith.addi %add3A_133, %add3A_158 : i32
      %lt3A_160 = arith.constant 125 : i32
      %lt3A_161 = arith.cmpi slt, %add3A_159, %lt3A_160 : i32
      %convert_element_type3A_162 = arith.extui %lt3A_161 : i1 to i32
      %cond3A_163 = arith.constant 0 : i32
      %cond3A_164 = arith.cmpi ne, %convert_element_type3A_162, %cond3A_163 : i32
      scf.if %cond3A_164 {
        %dma_start3A_170 = arith.constant 0 : i32
        %dma_start3A_171 = arith.constant 0 : i32
        %dma_start3A_172 = tpu.memref_slice %arg7[%dma_start3A_170, %dma_start3A_171] : memref<10000x128xf32, #tpu.memory_space<hbm>> -> memref<10000x128xf32, #tpu.memory_space<hbm>>
        tpu.enqueue_indirect_dma source(%dma_start3A_172 : memref<10000x128xf32, #tpu.memory_space<hbm>>) target(%arg32 : memref<80x128xf32, #tpu.memory_space<vmem>>) offsets(%arg14 : memref<80xi32, #tpu.memory_space<vmem>>) semaphore(%arg39 : memref<!tpu.dma_semaphore, #tpu.memory_space<semaphore_mem>>)
        %dma_start3A_173 = arith.constant 0 : i32
        %dma_start3A_174 = tpu.memref_slice %arg4[%dma_start3A_173] : memref<10000xf32, #tpu.memory_space<hbm>> -> memref<10000xf32, #tpu.memory_space<hbm>>
        tpu.enqueue_indirect_dma source(%dma_start3A_174 : memref<10000xf32, #tpu.memory_space<hbm>>) target(%arg20 : memref<80xf32, #tpu.memory_space<vmem>>) offsets(%arg14 : memref<80xi32, #tpu.memory_space<vmem>>) semaphore(%arg39 : memref<!tpu.dma_semaphore, #tpu.memory_space<semaphore_mem>>)
        %dma_start3A_175 = arith.constant 0 : i32
        %dma_start3A_176 = tpu.memref_slice %arg5[%dma_start3A_175] : memref<10000xf32, #tpu.memory_space<hbm>> -> memref<10000xf32, #tpu.memory_space<hbm>>
        tpu.enqueue_indirect_dma source(%dma_start3A_176 : memref<10000xf32, #tpu.memory_space<hbm>>) target(%arg23 : memref<80xf32, #tpu.memory_space<vmem>>) offsets(%arg17 : memref<80xi32, #tpu.memory_space<vmem>>) semaphore(%arg39 : memref<!tpu.dma_semaphore, #tpu.memory_space<semaphore_mem>>)
      } else {
      }
      %lt3A_165 = arith.constant 125 : i32
      %lt3A_166 = arith.cmpi slt, %add3A_133, %lt3A_165 : i32
      %convert_element_type3A_167 = arith.extui %lt3A_166 : i1 to i32
      %cond3A_168 = arith.constant 0 : i32
      %cond3A_169 = arith.cmpi ne, %convert_element_type3A_167, %cond3A_168 : i32
      scf.if %cond3A_169 {
        %dma_wait3A_170 = arith.constant 0 : i32
        %dma_wait3A_171 = arith.constant 0 : i32
        %dma_wait3A_172 = tpu.memref_slice %arg7[%dma_wait3A_170, %dma_wait3A_171] : memref<10000x128xf32, #tpu.memory_space<hbm>> -> memref<10000x128xf32, #tpu.memory_space<hbm>>
        tpu.wait_indirect_dma semaphore(%arg41 : memref<!tpu.dma_semaphore, #tpu.memory_space<semaphore_mem>>) src(%dma_wait3A_172 : memref<10000x128xf32, #tpu.memory_space<hbm>>) dst(%arg34 : memref<80x128xf32, #tpu.memory_space<vmem>>)
        %dma_wait3A_173 = arith.constant 0 : i32
        %dma_wait3A_174 = tpu.memref_slice %arg4[%dma_wait3A_173] : memref<10000xf32, #tpu.memory_space<hbm>> -> memref<10000xf32, #tpu.memory_space<hbm>>
        tpu.wait_indirect_dma semaphore(%arg41 : memref<!tpu.dma_semaphore, #tpu.memory_space<semaphore_mem>>) src(%dma_wait3A_174 : memref<10000xf32, #tpu.memory_space<hbm>>) dst(%arg22 : memref<80xf32, #tpu.memory_space<vmem>>)
        %dma_wait3A_175 = arith.constant 0 : i32
        %dma_wait3A_176 = tpu.memref_slice %arg5[%dma_wait3A_175] : memref<10000xf32, #tpu.memory_space<hbm>> -> memref<10000xf32, #tpu.memory_space<hbm>>
        tpu.wait_indirect_dma semaphore(%arg41 : memref<!tpu.dma_semaphore, #tpu.memory_space<semaphore_mem>>) src(%dma_wait3A_176 : memref<10000xf32, #tpu.memory_space<hbm>>) dst(%arg25 : memref<80xf32, #tpu.memory_space<vmem>>)
        %get3A_177 = arith.constant 0 : index
        %get3A_178 = tpu.vector_load %arg22[%get3A_177] {strides = array<i32>} : memref<80xf32, #tpu.memory_space<vmem>>, vector<16xf32>,
        %get3A_179 = arith.constant 0 : index
        %get3A_180 = tpu.vector_load %arg25[%get3A_179] {strides = array<i32>} : memref<80xf32, #tpu.memory_space<vmem>>, vector<16xf32>,
        %get3A_181 = arith.constant 0 : index
        %get3A_182 = tpu.vector_load %arg19[%get3A_181] {strides = array<i32>} : memref<80xi32, #tpu.memory_space<vmem>>, vector<16xi32>,
        %add3A_183 = arith.addf %get3A_178, %get3A_180 : vector<16xf32>
        %mul3A_184 = arith.constant 2.000000e-01 : f32
        %mul3A_185 = vector.broadcast %mul3A_184 : f32 to vector<16xf32>
        %mul3A_186 = arith.mulf %mul3A_185, %add3A_183 : vector<16xf32>
        %max3A = arith.maximumf %add3A_183, %mul3A_186 : vector<16xf32>
        %sub3A = arith.subf %max3A, %get3A_5 : vector<16xf32>
        %exp3A = math.exp %sub3A : vector<16xf32>
        %swap3A = arith.constant 0 : index
        %swap3A_187 = tpu.vector_load %arg28[%swap3A] {strides = array<i32>} : memref<80xf32, #tpu.memory_space<vmem>>, vector<16xf32>,
        tpu.vector_store %arg28[%swap3A], %exp3A {strides = array<i32>} : memref<80xf32, #tpu.memory_space<vmem>>, vector<16xf32>,
        %swap3A_188 = arith.constant 0 : index
        %swap3A_189 = tpu.vector_load %arg31[%swap3A_188] {strides = array<i32>} : memref<80xi32, #tpu.memory_space<vmem>>, vector<16xi32>,
        tpu.vector_store %arg31[%swap3A_188], %get3A_182 {strides = array<i32>} : memref<80xi32, #tpu.memory_space<vmem>>, vector<16xi32>,
        tpu.vector_store_idx %arg13[%get3A_182], %exp3A {add = true} : memref<10000xf32, #tpu.memory_space<vmem>>[vector<16xi32>], vector<16xf32>,
        %get3A_190 = arith.constant 16 : index
        %get3A_191 = tpu.vector_load %arg22[%get3A_190] {strides = array<i32>} : memref<80xf32, #tpu.memory_space<vmem>>, vector<16xf32>,
        %get3A_192 = arith.constant 16 : index
        %get3A_193 = tpu.vector_load %arg25[%get3A_192] {strides = array<i32>} : memref<80xf32, #tpu.memory_space<vmem>>, vector<16xf32>,
        %get3A_194 = arith.constant 16 : index
        %get3A_195 = tpu.vector_load %arg19[%get3A_194] {strides = array<i32>} : memref<80xi32, #tpu.memory_space<vmem>>, vector<16xi32>,
        %add3A_196 = arith.addf %get3A_191, %get3A_193 : vector<16xf32>
        %mul3A_197 = arith.constant 2.000000e-01 : f32
        %mul3A_198 = vector.broadcast %mul3A_197 : f32 to vector<16xf32>
        %mul3A_199 = arith.mulf %mul3A_198, %add3A_196 : vector<16xf32>
        %max3A_200 = arith.maximumf %add3A_196, %mul3A_199 : vector<16xf32>
        %sub3A_201 = arith.subf %max3A_200, %get3A_5 : vector<16xf32>
        %exp3A_202 = math.exp %sub3A_201 : vector<16xf32>
        %swap3A_203 = arith.constant 16 : index
        %swap3A_204 = tpu.vector_load %arg28[%swap3A_203] {strides = array<i32>} : memref<80xf32, #tpu.memory_space<vmem>>, vector<16xf32>,
        tpu.vector_store %arg28[%swap3A_203], %exp3A_202 {strides = array<i32>} : memref<80xf32, #tpu.memory_space<vmem>>, vector<16xf32>,
        %swap3A_205 = arith.constant 16 : index
        %swap3A_206 = tpu.vector_load %arg31[%swap3A_205] {strides = array<i32>} : memref<80xi32, #tpu.memory_space<vmem>>, vector<16xi32>,
        tpu.vector_store %arg31[%swap3A_205], %get3A_195 {strides = array<i32>} : memref<80xi32, #tpu.memory_space<vmem>>, vector<16xi32>,
        tpu.vector_store_idx %arg13[%get3A_195], %exp3A_202 {add = true} : memref<10000xf32, #tpu.memory_space<vmem>>[vector<16xi32>], vector<16xf32>,
        %get3A_207 = arith.constant 32 : index
        %get3A_208 = tpu.vector_load %arg22[%get3A_207] {strides = array<i32>} : memref<80xf32, #tpu.memory_space<vmem>>, vector<16xf32>,
        %get3A_209 = arith.constant 32 : index
        %get3A_210 = tpu.vector_load %arg25[%get3A_209] {strides = array<i32>} : memref<80xf32, #tpu.memory_space<vmem>>, vector<16xf32>,
        %get3A_211 = arith.constant 32 : index
        %get3A_212 = tpu.vector_load %arg19[%get3A_211] {strides = array<i32>} : memref<80xi32, #tpu.memory_space<vmem>>, vector<16xi32>,
        %add3A_213 = arith.addf %get3A_208, %get3A_210 : vector<16xf32>
        %mul3A_214 = arith.constant 2.000000e-01 : f32
        %mul3A_215 = vector.broadcast %mul3A_214 : f32 to vector<16xf32>
        %mul3A_216 = arith.mulf %mul3A_215, %add3A_213 : vector<16xf32>
        %max3A_217 = arith.maximumf %add3A_213, %mul3A_216 : vector<16xf32>
        %sub3A_218 = arith.subf %max3A_217, %get3A_5 : vector<16xf32>
        %exp3A_219 = math.exp %sub3A_218 : vector<16xf32>
        %swap3A_220 = arith.constant 32 : index
        %swap3A_221 = tpu.vector_load %arg28[%swap3A_220] {strides = array<i32>} : memref<80xf32, #tpu.memory_space<vmem>>, vector<16xf32>,
        tpu.vector_store %arg28[%swap3A_220], %exp3A_219 {strides = array<i32>} : memref<80xf32, #tpu.memory_space<vmem>>, vector<16xf32>,
        %swap3A_222 = arith.constant 32 : index
        %swap3A_223 = tpu.vector_load %arg31[%swap3A_222] {strides = array<i32>} : memref<80xi32, #tpu.memory_space<vmem>>, vector<16xi32>,
        tpu.vector_store %arg31[%swap3A_222], %get3A_212 {strides = array<i32>} : memref<80xi32, #tpu.memory_space<vmem>>, vector<16xi32>,
        tpu.vector_store_idx %arg13[%get3A_212], %exp3A_219 {add = true} : memref<10000xf32, #tpu.memory_space<vmem>>[vector<16xi32>], vector<16xf32>,
        %get3A_224 = arith.constant 48 : index
        %get3A_225 = tpu.vector_load %arg22[%get3A_224] {strides = array<i32>} : memref<80xf32, #tpu.memory_space<vmem>>, vector<16xf32>,
        %get3A_226 = arith.constant 48 : index
        %get3A_227 = tpu.vector_load %arg25[%get3A_226] {strides = array<i32>} : memref<80xf32, #tpu.memory_space<vmem>>, vector<16xf32>,
        %get3A_228 = arith.constant 48 : index
        %get3A_229 = tpu.vector_load %arg19[%get3A_228] {strides = array<i32>} : memref<80xi32, #tpu.memory_space<vmem>>, vector<16xi32>,
        %add3A_230 = arith.addf %get3A_225, %get3A_227 : vector<16xf32>
        %mul3A_231 = arith.constant 2.000000e-01 : f32
        %mul3A_232 = vector.broadcast %mul3A_231 : f32 to vector<16xf32>
        %mul3A_233 = arith.mulf %mul3A_232, %add3A_230 : vector<16xf32>
        %max3A_234 = arith.maximumf %add3A_230, %mul3A_233 : vector<16xf32>
        %sub3A_235 = arith.subf %max3A_234, %get3A_5 : vector<16xf32>
        %exp3A_236 = math.exp %sub3A_235 : vector<16xf32>
        %swap3A_237 = arith.constant 48 : index
        %swap3A_238 = tpu.vector_load %arg28[%swap3A_237] {strides = array<i32>} : memref<80xf32, #tpu.memory_space<vmem>>, vector<16xf32>,
        tpu.vector_store %arg28[%swap3A_237], %exp3A_236 {strides = array<i32>} : memref<80xf32, #tpu.memory_space<vmem>>, vector<16xf32>,
        %swap3A_239 = arith.constant 48 : index
        %swap3A_240 = tpu.vector_load %arg31[%swap3A_239] {strides = array<i32>} : memref<80xi32, #tpu.memory_space<vmem>>, vector<16xi32>,
        tpu.vector_store %arg31[%swap3A_239], %get3A_229 {strides = array<i32>} : memref<80xi32, #tpu.memory_space<vmem>>, vector<16xi32>,
        tpu.vector_store_idx %arg13[%get3A_229], %exp3A_236 {add = true} : memref<10000xf32, #tpu.memory_space<vmem>>[vector<16xi32>], vector<16xf32>,
        %get3A_241 = arith.constant 64 : index
        %get3A_242 = tpu.vector_load %arg22[%get3A_241] {strides = array<i32>} : memref<80xf32, #tpu.memory_space<vmem>>, vector<16xf32>,
        %get3A_243 = arith.constant 64 : index
        %get3A_244 = tpu.vector_load %arg25[%get3A_243] {strides = array<i32>} : memref<80xf32, #tpu.memory_space<vmem>>, vector<16xf32>,
        %get3A_245 = arith.constant 64 : index
        %get3A_246 = tpu.vector_load %arg19[%get3A_245] {strides = array<i32>} : memref<80xi32, #tpu.memory_space<vmem>>, vector<16xi32>,
        %add3A_247 = arith.addf %get3A_242, %get3A_244 : vector<16xf32>
        %mul3A_248 = arith.constant 2.000000e-01 : f32
        %mul3A_249 = vector.broadcast %mul3A_248 : f32 to vector<16xf32>
        %mul3A_250 = arith.mulf %mul3A_249, %add3A_247 : vector<16xf32>
        %max3A_251 = arith.maximumf %add3A_247, %mul3A_250 : vector<16xf32>
        %sub3A_252 = arith.subf %max3A_251, %get3A_5 : vector<16xf32>
        %exp3A_253 = math.exp %sub3A_252 : vector<16xf32>
        %swap3A_254 = arith.constant 64 : index
        %swap3A_255 = tpu.vector_load %arg28[%swap3A_254] {strides = array<i32>} : memref<80xf32, #tpu.memory_space<vmem>>, vector<16xf32>,
        tpu.vector_store %arg28[%swap3A_254], %exp3A_253 {strides = array<i32>} : memref<80xf32, #tpu.memory_space<vmem>>, vector<16xf32>,
        %swap3A_256 = arith.constant 64 : index
        %swap3A_257 = tpu.vector_load %arg31[%swap3A_256] {strides = array<i32>} : memref<80xi32, #tpu.memory_space<vmem>>, vector<16xi32>,
        tpu.vector_store %arg31[%swap3A_256], %get3A_246 {strides = array<i32>} : memref<80xi32, #tpu.memory_space<vmem>>, vector<16xi32>,
        tpu.vector_store_idx %arg13[%get3A_246], %exp3A_253 {add = true} : memref<10000xf32, #tpu.memory_space<vmem>>[vector<16xi32>], vector<16xf32>,
        %scan3A_258 = arith.constant 0 : i32
        %scan3A_259 = arith.constant 0 : i32
        %scan3A_260 = arith.constant 80 : i32
        %scan3A_261 = arith.addi %scan3A_259, %scan3A_260 : i32
        %scan3A_262 = arith.constant 1 : i32
        scf.for %scan3A_267 = %scan3A_259 to %scan3A_261 step %scan3A_262  : i32 {
          %broadcast_in_dim3A = vector.broadcast %scan3A_267 : i32 to vector<16xi32>
          %gather3A = tpu.vector_load_idx %arg28[%broadcast_in_dim3A] : memref<80xf32, #tpu.memory_space<vmem>>[vector<16xi32>], vector<16xf32>,
          %get3A_268 = arith.index_cast %scan3A_267 : i32 to index
          %get3A_269 = arith.constant 0 : index
          %get3A_270 = tpu.vector_load %arg34[%get3A_268, %get3A_269] {strides = array<i32>} : memref<80x128xf32, #tpu.memory_space<vmem>>, vector<16xf32>,
          %mul3A_271 = arith.mulf %get3A_270, %gather3A : vector<16xf32>
          %swap3A_272 = arith.index_cast %scan3A_267 : i32 to index
          %swap3A_273 = arith.constant 0 : index
          %swap3A_274 = tpu.vector_load %arg34[%swap3A_272, %swap3A_273] {strides = array<i32>} : memref<80x128xf32, #tpu.memory_space<vmem>>, vector<16xf32>,
          tpu.vector_store %arg34[%swap3A_272, %swap3A_273], %mul3A_271 {strides = array<i32>} : memref<80x128xf32, #tpu.memory_space<vmem>>, vector<16xf32>,
          %get3A_275 = arith.index_cast %scan3A_267 : i32 to index
          %get3A_276 = arith.constant 16 : index
          %get3A_277 = tpu.vector_load %arg34[%get3A_275, %get3A_276] {strides = array<i32>} : memref<80x128xf32, #tpu.memory_space<vmem>>, vector<16xf32>,
          %mul3A_278 = arith.mulf %get3A_277, %gather3A : vector<16xf32>
          %swap3A_279 = arith.index_cast %scan3A_267 : i32 to index
          %swap3A_280 = arith.constant 16 : index
          %swap3A_281 = tpu.vector_load %arg34[%swap3A_279, %swap3A_280] {strides = array<i32>} : memref<80x128xf32, #tpu.memory_space<vmem>>, vector<16xf32>,
          tpu.vector_store %arg34[%swap3A_279, %swap3A_280], %mul3A_278 {strides = array<i32>} : memref<80x128xf32, #tpu.memory_space<vmem>>, vector<16xf32>,
          %get3A_282 = arith.index_cast %scan3A_267 : i32 to index
          %get3A_283 = arith.constant 32 : index
          %get3A_284 = tpu.vector_load %arg34[%get3A_282, %get3A_283] {strides = array<i32>} : memref<80x128xf32, #tpu.memory_space<vmem>>, vector<16xf32>,
          %mul3A_285 = arith.mulf %get3A_284, %gather3A : vector<16xf32>
          %swap3A_286 = arith.index_cast %scan3A_267 : i32 to index
          %swap3A_287 = arith.constant 32 : index
          %swap3A_288 = tpu.vector_load %arg34[%swap3A_286, %swap3A_287] {strides = array<i32>} : memref<80x128xf32, #tpu.memory_space<vmem>>, vector<16xf32>,
          tpu.vector_store %arg34[%swap3A_286, %swap3A_287], %mul3A_285 {strides = array<i32>} : memref<80x128xf32, #tpu.memory_space<vmem>>, vector<16xf32>,
          %get3A_289 = arith.index_cast %scan3A_267 : i32 to index
          %get3A_290 = arith.constant 48 : index
          %get3A_291 = tpu.vector_load %arg34[%get3A_289, %get3A_290] {strides = array<i32>} : memref<80x128xf32, #tpu.memory_space<vmem>>, vector<16xf32>,
          %mul3A_292 = arith.mulf %get3A_291, %gather3A : vector<16xf32>
          %swap3A_293 = arith.index_cast %scan3A_267 : i32 to index
          %swap3A_294 = arith.constant 48 : index
          %swap3A_295 = tpu.vector_load %arg34[%swap3A_293, %swap3A_294] {strides = array<i32>} : memref<80x128xf32, #tpu.memory_space<vmem>>, vector<16xf32>,
          tpu.vector_store %arg34[%swap3A_293, %swap3A_294], %mul3A_292 {strides = array<i32>} : memref<80x128xf32, #tpu.memory_space<vmem>>, vector<16xf32>,
          %get3A_296 = arith.index_cast %scan3A_267 : i32 to index
          %get3A_297 = arith.constant 64 : index
          %get3A_298 = tpu.vector_load %arg34[%get3A_296, %get3A_297] {strides = array<i32>} : memref<80x128xf32, #tpu.memory_space<vmem>>, vector<16xf32>,
          %mul3A_299 = arith.mulf %get3A_298, %gather3A : vector<16xf32>
          %swap3A_300 = arith.index_cast %scan3A_267 : i32 to index
          %swap3A_301 = arith.constant 64 : index
          %swap3A_302 = tpu.vector_load %arg34[%swap3A_300, %swap3A_301] {strides = array<i32>} : memref<80x128xf32, #tpu.memory_space<vmem>>, vector<16xf32>,
          tpu.vector_store %arg34[%swap3A_300, %swap3A_301], %mul3A_299 {strides = array<i32>} : memref<80x128xf32, #tpu.memory_space<vmem>>, vector<16xf32>,
          %get3A_303 = arith.index_cast %scan3A_267 : i32 to index
          %get3A_304 = arith.constant 80 : index
          %get3A_305 = tpu.vector_load %arg34[%get3A_303, %get3A_304] {strides = array<i32>} : memref<80x128xf32, #tpu.memory_space<vmem>>, vector<16xf32>,
          %mul3A_306 = arith.mulf %get3A_305, %gather3A : vector<16xf32>
          %swap3A_307 = arith.index_cast %scan3A_267 : i32 to index
          %swap3A_308 = arith.constant 80 : index
          %swap3A_309 = tpu.vector_load %arg34[%swap3A_307, %swap3A_308] {strides = array<i32>} : memref<80x128xf32, #tpu.memory_space<vmem>>, vector<16xf32>,
          tpu.vector_store %arg34[%swap3A_307, %swap3A_308], %mul3A_306 {strides = array<i32>} : memref<80x128xf32, #tpu.memory_space<vmem>>, vector<16xf32>,
          %get3A_310 = arith.index_cast %scan3A_267 : i32 to index
          %get3A_311 = arith.constant 96 : index
          %get3A_312 = tpu.vector_load %arg34[%get3A_310, %get3A_311] {strides = array<i32>} : memref<80x128xf32, #tpu.memory_space<vmem>>, vector<16xf32>,
          %mul3A_313 = arith.mulf %get3A_312, %gather3A : vector<16xf32>
          %swap3A_314 = arith.index_cast %scan3A_267 : i32 to index
          %swap3A_315 = arith.constant 96 : index
          %swap3A_316 = tpu.vector_load %arg34[%swap3A_314, %swap3A_315] {strides = array<i32>} : memref<80x128xf32, #tpu.memory_space<vmem>>, vector<16xf32>,
          tpu.vector_store %arg34[%swap3A_314, %swap3A_315], %mul3A_313 {strides = array<i32>} : memref<80x128xf32, #tpu.memory_space<vmem>>, vector<16xf32>,
          %get3A_317 = arith.index_cast %scan3A_267 : i32 to index
          %get3A_318 = arith.constant 112 : index
          %get3A_319 = tpu.vector_load %arg34[%get3A_317, %get3A_318] {strides = array<i32>} : memref<80x128xf32, #tpu.memory_space<vmem>>, vector<16xf32>,
          %mul3A_320 = arith.mulf %get3A_319, %gather3A : vector<16xf32>
          %swap3A_321 = arith.index_cast %scan3A_267 : i32 to index
          %swap3A_322 = arith.constant 112 : index
          %swap3A_323 = tpu.vector_load %arg34[%swap3A_321, %swap3A_322] {strides = array<i32>} : memref<80x128xf32, #tpu.memory_space<vmem>>, vector<16xf32>,
          tpu.vector_store %arg34[%swap3A_321, %swap3A_322], %mul3A_320 {strides = array<i32>} : memref<80x128xf32, #tpu.memory_space<vmem>>, vector<16xf32>,
        }
        %scan3A_263 = arith.constant 80 : i32
        %dma_start3A_264 = arith.constant 0 : i32
        %dma_start3A_265 = arith.constant 0 : i32
        %dma_start3A_266 = tpu.memref_slice %arg35[%dma_start3A_264, %dma_start3A_265] : memref<10112x128xf32, #tpu.memory_space<vmem_shared>> -> memref<10112x128xf32, #tpu.memory_space<vmem_shared>>
        tpu.enqueue_indirect_dma source(%arg34 : memref<80x128xf32, #tpu.memory_space<vmem>>) target(%dma_start3A_266 : memref<10112x128xf32, #tpu.memory_space<vmem_shared>>) offsets(%arg31 : memref<80xi32, #tpu.memory_space<vmem>>) semaphore(%arg44 : memref<!tpu.dma_semaphore, #tpu.memory_space<semaphore_mem>>) {add = true}
      } else {
      }
    }
    %scan3A_39 = arith.constant 42 : i32
    %dma_wait3A_40 = arith.constant 0 : i32
    %dma_wait3A_41 = arith.constant 0 : i32
    %dma_wait3A_42 = tpu.memref_slice %arg35[%dma_wait3A_40, %dma_wait3A_41] : memref<10112x128xf32, #tpu.memory_space<vmem_shared>> -> memref<10112x128xf32, #tpu.memory_space<vmem_shared>>
    tpu.wait_indirect_dma semaphore(%arg44 : memref<!tpu.dma_semaphore, #tpu.memory_space<semaphore_mem>>) src(%arg34 : memref<80x128xf32, #tpu.memory_space<vmem>>) dst(%dma_wait3A_42 : memref<10112x128xf32, #tpu.memory_space<vmem_shared>>)
    %dma_wait3A_43 = arith.constant 0 : i32
    %dma_wait3A_44 = arith.constant 0 : i32
    %dma_wait3A_45 = tpu.memref_slice %arg35[%dma_wait3A_43, %dma_wait3A_44] : memref<10112x128xf32, #tpu.memory_space<vmem_shared>> -> memref<10112x128xf32, #tpu.memory_space<vmem_shared>>
    tpu.wait_indirect_dma semaphore(%arg42 : memref<!tpu.dma_semaphore, #tpu.memory_space<semaphore_mem>>) src(%arg32 : memref<80x128xf32, #tpu.memory_space<vmem>>) dst(%dma_wait3A_45 : memref<10112x128xf32, #tpu.memory_space<vmem_shared>>)
    %dma_wait3A_46 = arith.constant 0 : i32
    %dma_wait3A_47 = arith.constant 0 : i32
    %dma_wait3A_48 = tpu.memref_slice %arg35[%dma_wait3A_46, %dma_wait3A_47] : memref<10112x128xf32, #tpu.memory_space<vmem_shared>> -> memref<10112x128xf32, #tpu.memory_space<vmem_shared>>
    tpu.wait_indirect_dma semaphore(%arg43 : memref<!tpu.dma_semaphore, #tpu.memory_space<semaphore_mem>>) src(%arg33 : memref<80x128xf32, #tpu.memory_space<vmem>>) dst(%dma_wait3A_48 : memref<10112x128xf32, #tpu.memory_space<vmem_shared>>)
    "tpu.region"() ({
      %run_scoped3A = tpu.sem_alloc : memref<!tpu.dma_semaphore, #tpu.memory_space<semaphore_mem>>
      %dma_start3A_54 = arith.constant 0 : i32
      %dma_start3A_55 = tpu.memref_slice %arg11[%add3A, %dma_start3A_54] : memref<32x10000xf32, #tpu.memory_space<hbm>> -> memref<1x10000xf32, #tpu.memory_space<hbm>>
      %dma_start3A_56 = tpu.memref_squeeze %dma_start3A_55 : memref<1x10000xf32, #tpu.memory_space<hbm>> -> memref<10000xf32, #tpu.memory_space<hbm>>
      %dma_start3A_57 = arith.constant 0 : i32
      %dma_start3A_58 = tpu.memref_slice %arg11[%add3A, %dma_start3A_57] : memref<32x10000xf32, #tpu.memory_space<hbm>> -> memref<1x10000xf32, #tpu.memory_space<hbm>>
      %dma_start3A_59 = tpu.memref_squeeze %dma_start3A_58 : memref<1x10000xf32, #tpu.memory_space<hbm>> -> memref<10000xf32, #tpu.memory_space<hbm>>
      tpu.enqueue_dma source(%arg13 : memref<10000xf32, #tpu.memory_space<vmem>>) target(%dma_start3A_59 : memref<10000xf32, #tpu.memory_space<hbm>>) target_semaphore(%run_scoped3A : memref<!tpu.dma_semaphore, #tpu.memory_space<semaphore_mem>>)
      %dma_wait3A_60 = arith.constant 0 : i32
      %dma_wait3A_61 = tpu.memref_slice %arg11[%add3A, %dma_wait3A_60] : memref<32x10000xf32, #tpu.memory_space<hbm>> -> memref<1x10000xf32, #tpu.memory_space<hbm>>
      %dma_wait3A_62 = tpu.memref_squeeze %dma_wait3A_61 : memref<1x10000xf32, #tpu.memory_space<hbm>> -> memref<10000xf32, #tpu.memory_space<hbm>>
      %dma_wait3A_63 = arith.constant 0 : i32
      %dma_wait3A_64 = tpu.memref_slice %arg11[%add3A, %dma_wait3A_63] : memref<32x10000xf32, #tpu.memory_space<hbm>> -> memref<1x10000xf32, #tpu.memory_space<hbm>>
      %dma_wait3A_65 = tpu.memref_squeeze %dma_wait3A_64 : memref<1x10000xf32, #tpu.memory_space<hbm>> -> memref<10000xf32, #tpu.memory_space<hbm>>
      tpu.wait_dma2 semaphore(%run_scoped3A : memref<!tpu.dma_semaphore, #tpu.memory_space<semaphore_mem>>) src(%arg13 : memref<10000xf32, #tpu.memory_space<vmem>>) dst(%dma_wait3A_65 : memref<10000xf32, #tpu.memory_space<hbm>>)
      tpu.yield
    }) : () -> ()
    %barrier3A_49 = arith.constant 0 : index
    tpu.barrier barrier_id(%barrier3A_49)
    %mul3A_50 = arith.constant 632 : i32
    %mul3A_51 = arith.muli %arg1, %mul3A_50 : i32
    %mul3A_52 = arith.constant 632 : i32
    %mul3A_53 = arith.muli %arg1, %mul3A_52 : i32
    "tpu.region"() ({
      %run_scoped3A = tpu.sem_alloc : memref<!tpu.dma_semaphore, #tpu.memory_space<semaphore_mem>>
      %dma_start3A_54 = arith.constant 0 : i32
      %dma_start3A_55 = tpu.memref_slice %arg10[%arg0, %mul3A_53, %dma_start3A_54] : memref<2x10112x128xf32, #tpu.memory_space<hbm>> -> memref<1x632x128xf32, #tpu.memory_space<hbm>>
      %dma_start3A_56 = tpu.memref_squeeze %dma_start3A_55 : memref<1x632x128xf32, #tpu.memory_space<hbm>> -> memref<632x128xf32, #tpu.memory_space<hbm>>
      %dma_start3A_57 = arith.constant 0 : i32
      %dma_start3A_58 = tpu.memref_slice %arg35[%mul3A_51, %dma_start3A_57] : memref<10112x128xf32, #tpu.memory_space<vmem_shared>> -> memref<632x128xf32, #tpu.memory_space<vmem_shared>>
      tpu.enqueue_dma source(%dma_start3A_58 : memref<632x128xf32, #tpu.memory_space<vmem_shared>>) target(%dma_start3A_56 : memref<632x128xf32, #tpu.memory_space<hbm>>) target_semaphore(%run_scoped3A : memref<!tpu.dma_semaphore, #tpu.memory_space<semaphore_mem>>)
      %dma_wait3A_59 = arith.constant 0 : i32
      %dma_wait3A_60 = tpu.memref_slice %arg10[%arg0, %mul3A_53, %dma_wait3A_59] : memref<2x10112x128xf32, #tpu.memory_space<hbm>> -> memref<1x632x128xf32, #tpu.memory_space<hbm>>
      %dma_wait3A_61 = tpu.memref_squeeze %dma_wait3A_60 : memref<1x632x128xf32, #tpu.memory_space<hbm>> -> memref<632x128xf32, #tpu.memory_space<hbm>>
      %dma_wait3A_62 = arith.constant 0 : i32
      %dma_wait3A_63 = tpu.memref_slice %arg35[%mul3A_51, %dma_wait3A_62] : memref<10112x128xf32, #tpu.memory_space<vmem_shared>> -> memref<632x128xf32, #tpu.memory_space<vmem_shared>>
      tpu.wait_dma2 semaphore(%run_scoped3A : memref<!tpu.dma_semaphore, #tpu.memory_space<semaphore_mem>>) src(%dma_wait3A_63 : memref<632x128xf32, #tpu.memory_space<vmem_shared>>) dst(%dma_wait3A_61 : memref<632x128xf32, #tpu.memory_space<hbm>>)
      tpu.yield
    }) : () -> ()
    return
  }
}

module attributes {stable_mosaic.version = 14 : i64} {
  func.func @_head_body(%arg0: memref<10000x128xf32, #tpu.memory_space<vmem>>, %arg1: memref<128x128xf32, #tpu.memory_space<vmem>>, %arg2: memref<1x128xf32, #tpu.memory_space<vmem>>, %arg3: memref<1x128xf32, #tpu.memory_space<vmem>>, %arg4: memref<10000x128xf32, #tpu.memory_space<vmem>>, %arg5: memref<10000x1xf32, #tpu.memory_space<vmem>>, %arg6: memref<10000x1xf32, #tpu.memory_space<vmem>>, %arg7: memref<1x16xf32, #tpu.memory_space<vmem>>, %arg8: memref<10000x1xf32, #tpu.memory_space<vmem>>) attributes {dimension_semantics = [], scalar_prefetch = 0 : i64, scratch_operands = 0 : i64, tpu.core_type = #tpu.core_type<tc>} {
    %get3A = arith.constant 0 : index
    %get3A_0 = arith.constant 0 : index
    %get3A_1 = vector.load %arg0[%get3A, %get3A_0] : memref<10000x128xf32, #tpu.memory_space<vmem>>, vector<10000x128xf32>
    %get3A_2 = arith.constant 0 : index
    %get3A_3 = arith.constant 0 : index
    %get3A_4 = vector.load %arg1[%get3A_2, %get3A_3] : memref<128x128xf32, #tpu.memory_space<vmem>>, vector<128x128xf32>
    %dot_general3A = arith.constant dense<0.000000e+00> : vector<10000x128xf32>
    %dot_general3A_5 = tpu.matmul %get3A_1, %get3A_4, %dot_general3A {dimension_numbers = #tpu.dot_dimension_numbers<[1], [0], [0], [1], [0, 0, 1, 1], [], []>, transpose_lhs_hint = false} : vector<10000x128xf32>, vector<128x128xf32>, vector<10000x128xf32> -> vector<10000x128xf32>
    %swap3A = arith.constant 0 : index
    %swap3A_6 = arith.constant 0 : index
    %swap3A_7 = vector.load %arg4[%swap3A, %swap3A_6] : memref<10000x128xf32, #tpu.memory_space<vmem>>, vector<10000x128xf32>
    tpu.vector_store %arg4[%swap3A, %swap3A_6], %dot_general3A_5 {strides = array<i32>} : memref<10000x128xf32, #tpu.memory_space<vmem>>, vector<10000x128xf32>,
    %get3A_8 = arith.constant 0 : index
    %get3A_9 = arith.constant 0 : index
    %get3A_10 = vector.load %arg2[%get3A_8, %get3A_9] : memref<1x128xf32, #tpu.memory_space<vmem>>, vector<1x128xf32>
    %mul3A = vector.broadcast %get3A_10 : vector<1x128xf32> to vector<10000x128xf32>
    %mul3A_11 = arith.mulf %dot_general3A_5, %mul3A : vector<10000x128xf32>
    %reduce_sum3A = arith.constant dense<0.000000e+00> : vector<10000xf32>
    %reduce_sum3A_12 = vector.multi_reduction <add>, %mul3A_11, %reduce_sum3A [1] : vector<10000x128xf32> to vector<10000xf32>
    %broadcast_in_dim3A = vector.shape_cast %reduce_sum3A_12 : vector<10000xf32> to vector<10000x1xf32>
    %get3A_13 = arith.constant 0 : index
    %get3A_14 = arith.constant 0 : index
    %get3A_15 = vector.load %arg3[%get3A_13, %get3A_14] : memref<1x128xf32, #tpu.memory_space<vmem>>, vector<1x128xf32>
    %mul3A_16 = vector.broadcast %get3A_15 : vector<1x128xf32> to vector<10000x128xf32>
    %mul3A_17 = arith.mulf %dot_general3A_5, %mul3A_16 : vector<10000x128xf32>
    %reduce_sum3A_18 = arith.constant dense<0.000000e+00> : vector<10000xf32>
    %reduce_sum3A_19 = vector.multi_reduction <add>, %mul3A_17, %reduce_sum3A_18 [1] : vector<10000x128xf32> to vector<10000xf32>
    %broadcast_in_dim3A_20 = vector.shape_cast %reduce_sum3A_19 : vector<10000xf32> to vector<10000x1xf32>
    %swap3A_21 = arith.constant 0 : index
    %swap3A_22 = arith.constant 0 : index
    %swap3A_23 = vector.load %arg5[%swap3A_21, %swap3A_22] : memref<10000x1xf32, #tpu.memory_space<vmem>>, vector<10000x1xf32>
    tpu.vector_store %arg5[%swap3A_21, %swap3A_22], %broadcast_in_dim3A {strides = array<i32>} : memref<10000x1xf32, #tpu.memory_space<vmem>>, vector<10000x1xf32>,
    %swap3A_24 = arith.constant 0 : index
    %swap3A_25 = arith.constant 0 : index
    %swap3A_26 = vector.load %arg6[%swap3A_24, %swap3A_25] : memref<10000x1xf32, #tpu.memory_space<vmem>>, vector<10000x1xf32>
    tpu.vector_store %arg6[%swap3A_24, %swap3A_25], %broadcast_in_dim3A_20 {strides = array<i32>} : memref<10000x1xf32, #tpu.memory_space<vmem>>, vector<10000x1xf32>,
    %reduce_max3A = vector.shape_cast %broadcast_in_dim3A : vector<10000x1xf32> to vector<1x10000x1xf32>
    %reduce_max3A_27 = arith.constant dense<0xFF800000> : vector<1xf32>
    %reduce_max3A_28 = vector.multi_reduction <maximumf>, %reduce_max3A, %reduce_max3A_27 [1, 2] : vector<1x10000x1xf32> to vector<1xf32>
    %reduce_max3A_29 = vector.shape_cast %reduce_max3A_28 : vector<1xf32> to vector<1x1x1xf32>
    %reduce_max3A_30 = vector.extract %reduce_max3A_29[0, 0, 0] : f32 from vector<1x1x1xf32>
    %reduce_max3A_31 = vector.shape_cast %broadcast_in_dim3A_20 : vector<10000x1xf32> to vector<1x10000x1xf32>
    %reduce_max3A_32 = arith.constant dense<0xFF800000> : vector<1xf32>
    %reduce_max3A_33 = vector.multi_reduction <maximumf>, %reduce_max3A_31, %reduce_max3A_32 [1, 2] : vector<1x10000x1xf32> to vector<1xf32>
    %reduce_max3A_34 = vector.shape_cast %reduce_max3A_33 : vector<1xf32> to vector<1x1x1xf32>
    %reduce_max3A_35 = vector.extract %reduce_max3A_34[0, 0, 0] : f32 from vector<1x1x1xf32>
    %add3A = arith.addf %reduce_max3A_30, %reduce_max3A_35 : f32
    %ge3A = arith.constant 0.000000e+00 : f32
    %ge3A_36 = arith.cmpf oge, %add3A, %ge3A : f32
    %mul3A_37 = arith.constant 2.000000e-01 : f32
    %mul3A_38 = arith.mulf %mul3A_37, %add3A : f32
    %select_n3A = arith.select %ge3A_36, %add3A, %mul3A_38 : f32
    %broadcast_in_dim3A_39 = vector.broadcast %select_n3A : f32 to vector<1x16xf32>
    %swap3A_40 = arith.constant 0 : index
    %swap3A_41 = arith.constant 0 : index
    %swap3A_42 = vector.load %arg7[%swap3A_40, %swap3A_41] : memref<1x16xf32, #tpu.memory_space<vmem>>, vector<1x16xf32>
    tpu.vector_store %arg7[%swap3A_40, %swap3A_41], %broadcast_in_dim3A_39 {strides = array<i32>} : memref<1x16xf32, #tpu.memory_space<vmem>>, vector<1x16xf32>,
    %add3A_43 = arith.addf %broadcast_in_dim3A, %broadcast_in_dim3A_20 : vector<10000x1xf32>
    %mul3A_44 = arith.constant 2.000000e-01 : f32
    %mul3A_45 = vector.broadcast %mul3A_44 : f32 to vector<10000x1xf32>
    %mul3A_46 = arith.mulf %mul3A_45, %add3A_43 : vector<10000x1xf32>
    %max3A = arith.maximumf %add3A_43, %mul3A_46 : vector<10000x1xf32>
    %sub3A = vector.broadcast %select_n3A : f32 to vector<10000x1xf32>
    %sub3A_47 = arith.subf %max3A, %sub3A : vector<10000x1xf32>
    %exp3A = math.exp %sub3A_47 : vector<10000x1xf32>
    %swap3A_48 = arith.constant 0 : index
    %swap3A_49 = arith.constant 0 : index
    %swap3A_50 = vector.load %arg8[%swap3A_48, %swap3A_49] : memref<10000x1xf32, #tpu.memory_space<vmem>>, vector<10000x1xf32>
    tpu.vector_store %arg8[%swap3A_48, %swap3A_49], %exp3A {strides = array<i32>} : memref<10000x1xf32, #tpu.memory_space<vmem>>, vector<10000x1xf32>,
    return
  }
}

module attributes {stable_mosaic.version = 14 : i64} {
  func.func @_combine_body(%arg0: memref<2x10112x128xf32, #tpu.memory_space<vmem>>, %arg1: memref<10000x32xf32, #tpu.memory_space<vmem>>, %arg2: memref<10000x128xf32, #tpu.memory_space<vmem>>, %arg3: memref<10000x1xf32, #tpu.memory_space<vmem>>, %arg4: memref<1x128xf32, #tpu.memory_space<vmem>>, %arg5: memref<10000x128xf32, #tpu.memory_space<vmem>>) attributes {dimension_semantics = [], scalar_prefetch = 0 : i64, scratch_operands = 0 : i64, tpu.core_type = #tpu.core_type<tc>} {
    %get3A = arith.constant 0 : index
    %get3A_0 = arith.constant 0 : index
    %get3A_1 = vector.load %arg3[%get3A, %get3A_0] : memref<10000x1xf32, #tpu.memory_space<vmem>>, vector<10000x1xf32>
    %get3A_2 = arith.constant 0 : index
    %get3A_3 = arith.constant 0 : index
    %get3A_4 = arith.constant 0 : index
    %get3A_5 = vector.load %arg0[%get3A_2, %get3A_3, %get3A_4] : memref<2x10112x128xf32, #tpu.memory_space<vmem>>, vector<1x10000x128xf32>
    %get3A_6 = vector.shape_cast %get3A_5 : vector<1x10000x128xf32> to vector<10000x128xf32>
    %get3A_7 = arith.constant 1 : index
    %get3A_8 = arith.constant 0 : index
    %get3A_9 = arith.constant 0 : index
    %get3A_10 = vector.load %arg0[%get3A_7, %get3A_8, %get3A_9] : memref<2x10112x128xf32, #tpu.memory_space<vmem>>, vector<1x10000x128xf32>
    %get3A_11 = vector.shape_cast %get3A_10 : vector<1x10000x128xf32> to vector<10000x128xf32>
    %add3A = arith.addf %get3A_6, %get3A_11 : vector<10000x128xf32>
    %get3A_12 = arith.constant 0 : index
    %get3A_13 = arith.constant 0 : index
    %get3A_14 = vector.load %arg2[%get3A_12, %get3A_13] : memref<10000x128xf32, #tpu.memory_space<vmem>>, vector<10000x128xf32>
    %mul3A = vector.broadcast %get3A_1 : vector<10000x1xf32> to vector<10000x128xf32>
    %mul3A_15 = arith.mulf %mul3A, %get3A_14 : vector<10000x128xf32>
    %add3A_16 = arith.addf %add3A, %mul3A_15 : vector<10000x128xf32>
    %get3A_17 = arith.constant 0 : index
    %get3A_18 = arith.constant 0 : index
    %get3A_19 = vector.load %arg1[%get3A_17, %get3A_18] : memref<10000x32xf32, #tpu.memory_space<vmem>>, vector<10000x32xf32>
    %reduce_sum3A = arith.constant dense<0.000000e+00> : vector<10000xf32>
    %reduce_sum3A_20 = vector.multi_reduction <add>, %get3A_19, %reduce_sum3A [1] : vector<10000x32xf32> to vector<10000xf32>
    %broadcast_in_dim3A = vector.shape_cast %reduce_sum3A_20 : vector<10000xf32> to vector<10000x1xf32>
    %add3A_21 = arith.addf %broadcast_in_dim3A, %get3A_1 : vector<10000x1xf32>
    %add3A_22 = arith.constant 1.000000e-16 : f32
    %add3A_23 = vector.broadcast %add3A_22 : f32 to vector<10000x1xf32>
    %add3A_24 = arith.addf %add3A_21, %add3A_23 : vector<10000x1xf32>
    %div3A = vector.broadcast %add3A_24 : vector<10000x1xf32> to vector<10000x128xf32>
    %div3A_25 = arith.divf %add3A_16, %div3A : vector<10000x128xf32>
    %get3A_26 = arith.constant 0 : index
    %get3A_27 = arith.constant 0 : index
    %get3A_28 = vector.load %arg4[%get3A_26, %get3A_27] : memref<1x128xf32, #tpu.memory_space<vmem>>, vector<1x128xf32>
    %add3A_29 = vector.broadcast %get3A_28 : vector<1x128xf32> to vector<10000x128xf32>
    %add3A_30 = arith.addf %div3A_25, %add3A_29 : vector<10000x128xf32>
    %max3A = arith.constant 0.000000e+00 : f32
    %max3A_31 = vector.broadcast %max3A : f32 to vector<10000x128xf32>
    %max3A_32 = arith.maximumf %add3A_30, %max3A_31 : vector<10000x128xf32>
    %swap3A = arith.constant 0 : index
    %swap3A_33 = arith.constant 0 : index
    %swap3A_34 = vector.load %arg5[%swap3A, %swap3A_33] : memref<10000x128xf32, #tpu.memory_space<vmem>>, vector<10000x128xf32>
    tpu.vector_store %arg5[%swap3A, %swap3A_33], %max3A_32 {strides = array<i32>} : memref<10000x128xf32, #tpu.memory_space<vmem>>, vector<10000x128xf32>,
    return
  }
}

module attributes {stable_mosaic.version = 14 : i64} {
  func.func @_combine_body(%arg0: memref<2x10112x128xf32, #tpu.memory_space<vmem>>, %arg1: memref<10000x32xf32, #tpu.memory_space<vmem>>, %arg2: memref<10000x128xf32, #tpu.memory_space<vmem>>, %arg3: memref<10000x1xf32, #tpu.memory_space<vmem>>, %arg4: memref<1x128xf32, #tpu.memory_space<vmem>>, %arg5: memref<10000x128xf32, #tpu.memory_space<vmem>>) attributes {dimension_semantics = [], scalar_prefetch = 0 : i64, scratch_operands = 0 : i64, tpu.core_type = #tpu.core_type<tc>} {
    %get3A = arith.constant 0 : index
    %get3A_0 = arith.constant 0 : index
    %get3A_1 = vector.load %arg3[%get3A, %get3A_0] : memref<10000x1xf32, #tpu.memory_space<vmem>>, vector<10000x1xf32>
    %get3A_2 = arith.constant 0 : index
    %get3A_3 = arith.constant 0 : index
    %get3A_4 = arith.constant 0 : index
    %get3A_5 = vector.load %arg0[%get3A_2, %get3A_3, %get3A_4] : memref<2x10112x128xf32, #tpu.memory_space<vmem>>, vector<1x10000x128xf32>
    %get3A_6 = vector.shape_cast %get3A_5 : vector<1x10000x128xf32> to vector<10000x128xf32>
    %get3A_7 = arith.constant 1 : index
    %get3A_8 = arith.constant 0 : index
    %get3A_9 = arith.constant 0 : index
    %get3A_10 = vector.load %arg0[%get3A_7, %get3A_8, %get3A_9] : memref<2x10112x128xf32, #tpu.memory_space<vmem>>, vector<1x10000x128xf32>
    %get3A_11 = vector.shape_cast %get3A_10 : vector<1x10000x128xf32> to vector<10000x128xf32>
    %add3A = arith.addf %get3A_6, %get3A_11 : vector<10000x128xf32>
    %get3A_12 = arith.constant 0 : index
    %get3A_13 = arith.constant 0 : index
    %get3A_14 = vector.load %arg2[%get3A_12, %get3A_13] : memref<10000x128xf32, #tpu.memory_space<vmem>>, vector<10000x128xf32>
    %mul3A = vector.broadcast %get3A_1 : vector<10000x1xf32> to vector<10000x128xf32>
    %mul3A_15 = arith.mulf %mul3A, %get3A_14 : vector<10000x128xf32>
    %add3A_16 = arith.addf %add3A, %mul3A_15 : vector<10000x128xf32>
    %get3A_17 = arith.constant 0 : index
    %get3A_18 = arith.constant 0 : index
    %get3A_19 = vector.load %arg1[%get3A_17, %get3A_18] : memref<10000x32xf32, #tpu.memory_space<vmem>>, vector<10000x32xf32>
    %reduce_sum3A = arith.constant dense<0.000000e+00> : vector<10000xf32>
    %reduce_sum3A_20 = vector.multi_reduction <add>, %get3A_19, %reduce_sum3A [1] : vector<10000x32xf32> to vector<10000xf32>
    %broadcast_in_dim3A = vector.shape_cast %reduce_sum3A_20 : vector<10000xf32> to vector<10000x1xf32>
    %add3A_21 = arith.addf %broadcast_in_dim3A, %get3A_1 : vector<10000x1xf32>
    %add3A_22 = arith.constant 1.000000e-16 : f32
    %add3A_23 = vector.broadcast %add3A_22 : f32 to vector<10000x1xf32>
    %add3A_24 = arith.addf %add3A_21, %add3A_23 : vector<10000x1xf32>
    %div3A = vector.broadcast %add3A_24 : vector<10000x1xf32> to vector<10000x128xf32>
    %div3A_25 = arith.divf %add3A_16, %div3A : vector<10000x128xf32>
    %get3A_26 = arith.constant 0 : index
    %get3A_27 = arith.constant 0 : index
    %get3A_28 = vector.load %arg4[%get3A_26, %get3A_27] : memref<1x128xf32, #tpu.memory_space<vmem>>, vector<1x128xf32>
    %add3A_29 = vector.broadcast %get3A_28 : vector<1x128xf32> to vector<10000x128xf32>
    %add3A_30 = arith.addf %div3A_25, %add3A_29 : vector<10000x128xf32>
    %reduce_max3A = arith.constant dense<0xFF800000> : vector<10000xf32>
    %reduce_max3A_31 = vector.multi_reduction <maximumf>, %add3A_30, %reduce_max3A [1] : vector<10000x128xf32> to vector<10000xf32>
    %broadcast_in_dim3A_32 = vector.shape_cast %reduce_max3A_31 : vector<10000xf32> to vector<10000x1xf32>
    %sub3A = vector.broadcast %broadcast_in_dim3A_32 : vector<10000x1xf32> to vector<10000x128xf32>
    %sub3A_33 = arith.subf %add3A_30, %sub3A : vector<10000x128xf32>
    %exp3A = math.exp %sub3A_33 : vector<10000x128xf32>
    %reduce_sum3A_34 = arith.constant dense<0.000000e+00> : vector<10000xf32>
    %reduce_sum3A_35 = vector.multi_reduction <add>, %exp3A, %reduce_sum3A_34 [1] : vector<10000x128xf32> to vector<10000xf32>
    %broadcast_in_dim3A_36 = vector.shape_cast %reduce_sum3A_35 : vector<10000xf32> to vector<10000x1xf32>
    %log3A = math.log %broadcast_in_dim3A_36 : vector<10000x1xf32>
    %sub3A_37 = vector.broadcast %log3A : vector<10000x1xf32> to vector<10000x128xf32>
    %sub3A_38 = arith.subf %sub3A_33, %sub3A_37 : vector<10000x128xf32>
    %swap3A = arith.constant 0 : index
    %swap3A_39 = arith.constant 0 : index
    %swap3A_40 = vector.load %arg5[%swap3A, %swap3A_39] : memref<10000x128xf32, #tpu.memory_space<vmem>>, vector<10000x128xf32>
    tpu.vector_store %arg5[%swap3A, %swap3A_39], %sub3A_38 {strides = array<i32>} : memref<10000x128xf32, #tpu.memory_space<vmem>>, vector<10000x128xf32>,
    return
  }
}

</mosaic_0001>

<sc_bundles>
// kernel: kernel.11.cloned.1.call-start
scs
__scs_entry_jumppad:
0x0: {  	(pc) =	sbr.rel $0x88, $3  }
0x1: {  	(tag) =	ssettag $0x0;
	lr =	simm.s32 $0x1  }
0x2: {  	[smem:$0x3F97] =	sst lr;
	_ =	strace $0xD0000000  }
0x3: {  	_ = 	snop  }
0x4: {  	_ = 	snop  }
0x5: {  	_ = 	snop  }
0x6: {  	_ = 	snop  }
0x7: {  	_ = 	snop  }
__scs_overlays_trampoline_lowered:
0x8: {  	[smem:$0x3FA6] =	sst s0  }
0x9: {  	[smem:$0x3FA7] =	sst s1  }
0xa: {  	[smem:$0x3FA8] =	sst s2  }
0xb: {  	[smem:$0x3FA9] =	sst s3  }
0xc: {  	[smem:$0x3FAA] =	sst s4  }
0xd: {  	[smem:$0x3FAB] =	sst s5  }
0xe: {  	[smem:$0x3FAC] =	sst s6  }
0xf: {  	[smem:$0x3FAD] =	sst s7  }
0x10: {  	[smem:$0x3FAE] =	sst s8  }
0x11: {  	[smem:$0x3FAF] =	sst s9;
	s0 =	simm.s32 @!p0 $0x0  }
0x12: {  	s1 =	sld [smem:$0x3F95];
	s0 =	simm.s32 @p0 $0x1  }
0x13: {  	[smem:$0x3FB0] =	sst s0;
	s0 =	simm.s32 @!p1 $0x0  }
0x14: {  	s2 =	sld [smem:$0x3F94];
	s0 =	simm.s32 @p1 $0x1  }
0x15: {  	[smem:$0x3FB1] =	sst s0;
	s0 =	simm.s32 @!p2 $0x0  }
0x16: {  	s3 =	sld [smem:$0x3FDB];
	s0 =	simm.s32 @p2 $0x1  }
0x17: {  	s4 =	simm.s32 $0x1BF5;
	[smem:$0x3FB3] =	sst s0  }
0x18: {  	s0 =	sld [smem:$0x3F96];
	_ =	swait.ge [sflag:s4], $0x0  }
0x19: {  	s7 =	sld [smem:$0x3F97]  }
0x1a: {  	s8 =	sadd.s32 $0xFFFFE003, lr  }
0x1b: {  	s9 =	sadd.s32 $0xFFFFFEF7, lr;
	s5 =	simm.s32 $0xFFFFFFFF;
	p2 =	slt.u32 s8, $0xFFFFF086  }
0x1c: {  	p1 =	slt.u32 s9, $0xF7A;
	s5 =	simm.s32 @!p2 $0x0  }
0x1d: {  	s5 =	simm.s32 @p1 $0x1;
	p0 =	seq.s32 s7, s2  }
0x1e: {  	s7 =	smul.u32 @!p0 $0xF7A, s2;
	p2 =	seq.s32 @!p0 s5, $0x0  }
0x1f: {  	s9 =	smul.u32 $0xF7A, s1;
	s8 =	simm.s32 @!p0 $0x1BF5;
	p2 =	por !p2, p0  }
0x20: {  	[sflag:s8] =	ssyncset.s32 @!p0 $0xFFFFF086;
	s6 =	sadd.s32 @!p0 s3, s7;
	s7 =	simm.s32 @!p0 $0x108  }
0x21: {  	s3 =	sadd.s32 s3, s9;
	s6 =	sadd.s32 @!p0 $0x88, s6;
	s7 =	simm.s32 @p2 $0x1082  }
0x22: {  	[simem:s7], [sflag:s8] =	dma.local @!p0 [hbm:s6], $0xF7A  }
0x23: {  	s9 =	sor.u32 $0xD0000000, s2;
	s6 =	simm.s32 $0x108;
	_ =	swait.ge @!p0 [sflag:s8], $0x0  }
0x24: {  	s3 =	sadd.s32 $0x88, s3;
	s6 =	simm.s32 @!p1 $0x1082;
	[sflag:s4] =	ssyncset.s32 $0xFFFFF086  }
0x25: {  	[simem:s6], [sflag:s4] =	dma.local [hbm:s3], $0xF7A  }
0x26: {  	[smem:$0x3F97] =	sst s1;
	(tag) =	ssettag s2;
	_ =	strace s9  }
0x27: {  	s1 =	sld [smem:$0x3FA7]  }
0x28: {  	s2 =	sld [smem:$0x3FA8]  }
0x29: {  	s4 =	sld [smem:$0x3FAA]  }
0x2a: {  	p0 =	seq.s32 s5, $0x0;
	s5 =	sld [smem:$0x3FAB]  }
0x2b: {  	s6 =	sld [smem:$0x3FAC]  }
0x2c: {  	s7 =	sld [smem:$0x3FAD]  }
0x2d: {  	s3 =	simm.s32 $0x108;
	s8 =	sld [smem:$0x3FAE]  }
0x2e: {  	s3 =	simm.s32 @!p0 $0x1082;
	s9 =	sld [smem:$0x3FAF]  }
0x2f: {  	lr =	sadd.s32 s0, s3;
	s0 =	sld [smem:$0x3FA6]  }
0x30: {  	s3 =	sld [smem:$0x3FA9]  }
0x31: {  	[smem:$0x3FB2] =	sst s10  }
0x32: {  	s10 =	sld [smem:$0x3FB0];
	_ =	sdelay $0x3  }
0x33: {  	p0 =	seq.s32 s10, $0x1;
	s10 =	sld [smem:$0x3FB2];
	_ =	sdelay $0x3  }
0x34: {  	[smem:$0x3FB2] =	sst s10  }
0x35: {  	s10 =	sld [smem:$0x3FB1];
	_ =	sdelay $0x3  }
0x36: {  	p1 =	seq.s32 s10, $0x1;
	s10 =	sld [smem:$0x3FB2];
	_ =	sdelay $0x3  }
0x37: {  	[smem:$0x3FB2] =	sst s10  }
0x38: {  	s10 =	sld [smem:$0x3FB3]  }
0x39: {  	_ = 	snop;
	(pc) =	sbr.ind lr, $3  }
0x3a: {  	_ = 	snop  }
0x3b: {  	_ = 	snop  }
0x3c: {  	p2 =	seq.s32 s10, $0x1;
	s10 =	sld [smem:$0x3FB2]  }
0x3d: {  	_ =	shalt  }
0x3e: {  	_ =	shalt  }
0x3f: {  	_ =	shalt  }
0x40: {  	_ =	shalt  }
0x41: {  	_ =	shalt  }
0x42: {  	_ =	shalt  }
0x43: {  	_ =	shalt  }
0x44: {  	_ =	shalt  }
0x45: {  	_ =	shalt  }
0x46: {  	_ =	shalt  }
0x47: {  	_ =	shalt  }
0x48: {  	_ =	shalt  }
0x49: {  	_ =	shalt  }
0x4a: {  	_ =	shalt  }
0x4b: {  	_ =	shalt  }
0x4c: {  	_ =	shalt  }
0x4d: {  	_ =	shalt  }
0x4e: {  	_ =	shalt  }
0x4f: {  	_ =	shalt  }
0x50: {  	_ =	shalt  }
0x51: {  	_ =	shalt  }
0x52: {  	_ =	shalt  }
0x53: {  	_ =	shalt  }
0x54: {  	_ =	shalt  }
0x55: {  	_ =	shalt  }
0x56: {  	_ =	shalt  }
0x57: {  	_ =	shalt  }
0x58: {  	_ =	shalt  }
0x59: {  	_ =	shalt  }
0x5a: {  	_ =	shalt  }
0x5b: {  	_ =	shalt  }
0x5c: {  	_ =	shalt  }
0x5d: {  	_ =	shalt  }
0x5e: {  	_ =	shalt  }
0x5f: {  	_ =	shalt  }
0x60: {  	_ =	shalt  }
0x61: {  	_ =	shalt  }
0x62: {  	_ =	shalt  }
0x63: {  	_ =	shalt  }
0x64: {  	_ =	shalt  }
0x65: {  	_ =	shalt  }
0x66: {  	_ =	shalt  }
0x67: {  	_ =	shalt  }
0x68: {  	_ =	shalt  }
0x69: {  	_ =	shalt  }
0x6a: {  	_ =	shalt  }
0x6b: {  	_ =	shalt  }
0x6c: {  	_ =	shalt  }
0x6d: {  	_ =	shalt  }
0x6e: {  	_ =	shalt  }
0x6f: {  	_ =	shalt  }
0x70: {  	_ =	shalt  }
0x71: {  	_ =	shalt  }
0x72: {  	_ =	shalt  }
0x73: {  	_ =	shalt  }
0x74: {  	_ =	shalt  }
0x75: {  	_ =	shalt  }
0x76: {  	_ =	shalt  }
0x77: {  	_ =	shalt  }
0x78: {  	_ =	shalt  }
0x79: {  	_ =	shalt  }
0x7a: {  	_ =	shalt  }
0x7b: {  	_ =	shalt  }
0x7c: {  	_ =	shalt  }
0x7d: {  	_ =	shalt  }
0x7e: {  	_ =	shalt  }
0x7f: {  	_ =	shalt  }
0x80: {  	_ =	shalt  }
0x81: {  	_ =	shalt  }
0x82: {  	_ =	shalt  }
0x83: {  	_ =	shalt  }
0x84: {  	_ =	shalt  }
0x85: {  	_ =	shalt  }
0x86: {  	_ =	shalt  }
0x87: {  	_ =	shalt  }
.Lfunc_end0:
.L_simem_size_0:
called_computation.1_lowered:
.L_overlay_start_0:
0x88: {  	s2 =	sld [smem:$0x3FD9]  }
0x89: {  	s3 =	sld [smem:$0x3FFE];
	_ =	sdelay $0x1  }
0x8a: {  	s1 =	srdreg.scid  }
0x8b: {  	s0 =	sand.u32 $0x1, s1  }
0x8c: {  	s17 =	sshll.u32 s0, $0xA;
	s2 =	sadd.s32 s3, s2  }
0x8d: {  	s2 =	sadd.s32 s2, s17  }
0x8e: {  	[smem:$0x3FBE] =	sst s2  }
0x8f: {  	_ = 	snop  }
0x90: {  	s2 =	sld [smem:$0x3FD0];
	(tm) =	ssettm $0x1  }
0x91: {  	s18 =	sld [smem:$0x3FFB];
	_ =	sdelay $0x3  }
0x92: {  	_ =	strace s18  }
0x93: {  	s3 =	sld [smem:$0x3FFC];
	_ =	sdelay $0x3  }
0x94: {  	_ =	strace s3  }
0x95: {  	s3 =	sld [smem:$0x3FFD];
	_ =	sdelay $0x3  }
0x96: {  	_ =	strace s3  }
0x97: {  	_ =	strace $0x8FFFFFFF  }
0x98: {  	s19 =	sld [smem:$0x3FDB];
	_ =	sdelay $0x1  }
0x99: {  	s4 =	simm.s32 $_scs_section_size  }
0x9a: {  	s5 =	simm.s32 $_size__tile_overlayer_lowered;
	s6 =	simm.s32 $_tile_overlayer_lowered  }
0x9b: {  	s22 =	simm.s32 $0x1BFF;
	s21 =	sshll.u32 s6, $0x1;
	s3 =	sadd.s32 s4, s19  }
0x9c: {  	s7 =	simm.s32 $0x0;
	s20 =	sshll.u32 s5, $0x1;
	s5 =	sadd.s32 s21, s3  }
0x9d: {  	[timem:s7], [sflag:s22] =	dma.local [hbm:s5], s20  }
0x9e: {  	_ =	swait.ge [sflag:s22], s20  }
0x9f: {  	s4 =	ssub.s32 $0x0, s20;
	[sflag:s22] =	ssyncset.done $0x0  }
0xa0: {  	[sflag:s22] =	ssyncadd.s32 s4;
	_ =	sdelay $0x1  }
0xa1: {  	s23 =	simm.s32 $0x1B8B  }
0xa2: {  	_ =	swait.ge [sflag:s23], $0x1  }
0xa3: {  	[sflag:s23] =	ssyncset.done $0x0  }
0xa4: {  	s25 =	simm.s32 $0x1B8E;
	s24 =	sld [smem:$0x3FFE];
	[sflag:s23] =	ssyncadd.s32 $0xFFFFFFFF  }
0xa5: {  	s26 =	simm.s32 $execute0_lowered;
	[smem:$0x3FD2] =	sst s25  }
0xa6: {  	s5 =	sshll.u32 s26, $0x1;
	_ =	strace $0x80000049;
	[dreg:$0x1] =	wrdreg $0xFFFFFFFF  }
0xa7: {  	s28 =	simm.s32 $_size_execute0_lowered;
	s3 =	sadd.s32 s3, s5;
	[dreg:$0x0] =	wrdreg $0x0  }
0xa8: {  	s5 =	sshll.u32 s28, $0x1;
	[dreg:$0x2] =	wrdreg s3  }
0xa9: {  	[dreg:$0x3] =	wrdreg s5  }
0xaa: {  	[dreg:$0x4] =	wrdreg $0xC0  }
0xab: {  	_ =	task [dreg:s7], $0x5FFFF  }
0xac: {  	[dreg:$0x1] =	wrdreg $0xFFFFFFFF  }
0xad: {  	[dreg:$0x0] =	wrdreg $0x60  }
0xae: {  	[dreg:$0x2] =	wrdreg s24  }
0xaf: {  	[dreg:$0x3] =	wrdreg s2  }
0xb0: {  	[dreg:$0x4] =	wrdreg $0xA9000  }
0xb1: {  	[dreg:$0x5] =	wrdreg $0x9  }
0xb2: {  	_ =	task.clear_ibuf [dreg:s7], $0x6FFFF;
	_ =	strace $0x90000049  }
0xb3: {  	s29 =	simm.s32 $0x9;
	_ =	strace $0x8000004B  }
0xb4: {  	_ =	swait.ge [sflag:s29], $0x1  }
0xb5: {  	[sflag:s29] =	ssyncadd.s32 $0xFFFFFFFF  }
0xb6: {  	_ =	strace $0x9000004B  }
0xb7: {  	_ =	sfence  }
0xb8: {  	s30 =	sld [smem:$0x0];
	_ =	sdelay $0x2  }
0xb9: {  	s31 =	sshll.u32 s1, $0xD;
	s1 =	sshrl.u32 s1, $0x2  }
0xba: {  	s3 =	sand.u32 $0x4000, s31;
	s1 =	sadd.s32 s1, s30  }
0xbb: {  	s0 =	sor.u32 s3, s0;
	s1 =	sshll.u32 s1, $0x11  }
0xbc: {  	s0 =	sor.u32 s1, s0  }
0xbd: {  	s0 =	sadd.s32 $0x8F2B, s0  }
0xbe: {  	[sflag:s0] =	ssyncadd.remote.s32 $0x1  }
0xbf: {  	_ =	sfence.sel $0xFFFF  }
0xc0: {  	[dreg:$0x0] =	wrdreg $0xFFFFFFFF;
	(pc) =	sbr.abs _section_cstart, $3  }
0xc1: {  	[dreg:$0x1] =	wrdreg $0xFFFFFFFF  }
0xc2: {  	_ =	task.clear_ibuf [dreg:s7], $0x2FFFF;
	_ =	strace $0x9FFFFFFF  }
0xc3: {  	(tm) =	ssettm $0x7FFFFFFF  }
tec
execute0_lowered:
.L_overlay_start_1:
0x0: {  	(tag) =	ssettag $0x1  }
0x1: {  	s0 =	rddreg [dreg:$0x0]  }
0x2: {  	s1 =	rddreg [dreg:$0x1]  }
0x3: {  	s2 =	rddreg [dreg:$0x2];
	s3 =	simm.s32 $0x0  }
0x4: {  	s14 =	srdreg.scid;
	s13 =	stileid.u32;
	s28 =	simm.s32 $0x2880  }
0x5: {  	s29 =	simm.s32 $0x2A00;
	s30 =	simm.s32 $0x1;
	s31 =	simm.s32 $0x50  }
0x6: {  	[smem:$0x7FF] =	sst s3;
	s4 =	sadd.s32 $0xBC00, s0;
	s6 =	sadd.s32 $0x1E00, s0  }
0x7: {  	s7 =	sadd.s32 $0x15C00, s0;
	s8 =	sadd.s32 $0x16200, s0;
	s3 =	sand.u32 $0x1, s14  }
0x8: {  	s5 =	sadd.s32 $0x15A00, s0;
	s9 =	sshll.u32 s13, $0x1;
	s10 =	smul.u32 $0x13C00, s13  }
0x9: {  	s11 =	sshrl.u32 s13, $0x2;
	s12 =	sadd.s32 $0x16E00, s0;
	s14 =	sadd.s32 $0x16800, s0  }
0xa: {  	s18 =	smul.u32 $0x4F000, s13;
	_ =	strace $0x8000004A;
	[dreg:$0x4] =	wrdreg s5  }
0xb: {  	s13 =	simm.s32 $0xA;
	s15 =	smul.u32 $0x13C000, s3;
	[dreg:$0x5] =	wrdreg s12  }
0xc: {  	s9 =	sor.u32 s3, s9;
	s11 =	smul.u32 $0x13C00, s11;
	[dreg:$0x6] =	wrdreg s14  }
0xd: {  	s3 =	ssub.s32 $0x2, s3;
	s14 =	simm.s32 $0x4;
	s12 =	simm.s32 $0x0  }
0xe: {  	s16 =	sshll.u32 s9, $0x7;
	s9 =	smul.u32 $0x2710, s9;
	s19 =	sshrl.u32 s3, $0x1  }
0xf: {  	s20 =	sshrl.u32 s18, $0x2;
	s5 =	sadd.s32 s10, s15;
	s17 =	sand.u32 $0x380, s16  }
0x10: {  	s3 =	ssub.s32 s3, s19;
	s15 =	simm.s32 $0x2E00;
	s5 =	sshrl.u32 s5, $0x3  }
0x11: {  	s10 =	sor.u32 s11, s17;
	s21 =	sshrl.u32 s9, $0x3;
	s17 =	sadd.s32 $0xA0, s9  }
0x12: {  	s18 =	sadd.s32 $0xF0, s9;
	s19 =	sadd.s32 $0x140, s9;
	s26 =	smax.u32 s3, $0x1  }
0x13: {  	s3 =	simm.s32 $0x7;
	s10 =	sshrl.u32 s10, $0x3;
	s5 =	sadd.s32 s5, s0  }
0x14: {  	s22 =	sadd.s32 s4, s21;
	s23 =	sadd.s32 $0xA, s21;
	[dreg:$0xe] =	wrdreg s26  }
0x15: {  	s11 =	sadd.s32 s6, s21;
	s21 =	simm.s32 $0x2E80;
	[dreg:$0x8] =	wrdreg s22  }
0x16: {  	s0 =	sadd.s32 s10, s0;
	s10 =	sadd.s32 s20, s2;
	[dreg:$0x9] =	wrdreg s11  }
0x17: {  	s24 =	sadd.s32 s4, s23;
	s25 =	sadd.s32 $0x23400, s5;
	s11 =	simm.s32 $0x5900  }
.Ltmp0:
0x18: {  	s20 =	simm.s32 $0x5;
	[dreg:$0x7] =	wrdreg s10;
	(pc) =	sbr.rel .LBB2_1-.Ltmp0, $4  }
0x19: {  	s5 =	simm.s32 $0x2F00;
	[dreg:$0xa] =	wrdreg s24;
	s10 =	sadd.s32 s6, s23  }
0x1a: {  	s0 =	sadd.s32 $0x19600, s0;
	[dreg:$0xd] =	wrdreg s25;
	s24 =	simm.s32 $0x80  }
0x1b: {  	s25 =	simm.s32 $0x2800;
	s23 =	simm.s32 $0x6;
	[dreg:$0xb] =	wrdreg s10  }
0x1c: {  	[dreg:$0xc] =	wrdreg s0;
	s0 =	simm.s32 $0x3100;
	s10 =	simm.s32 $0x2  }
.LBB2_10:
0x1d: {  	s9 =	simm.s32 $0x9  }
0x1e: {  	_ =	swait.ge [sflag:s9], $0x2800  }
0x1f: {  	[sflag:s9] =	ssyncset.done $0x0  }
0x20: {  	[sflag:s9] =	ssyncadd.s32 $0xFFFFD800  }
0x21: {  	_ =	swait.ge [sflag:s3], $0x2800  }
0x22: {  	[sflag:s3] =	ssyncset.done $0x0  }
0x23: {  	s13 =	simm.s32 $0x8;
	[sflag:s3] =	ssyncadd.s32 $0xFFFFD800  }
0x24: {  	_ =	swait.ge [sflag:s13], $0x2800  }
0x25: {  	s12 =	simm.s32 $0x400;
	[sflag:s13] =	ssyncset.done $0x0  }
0x26: {  	s16 =	rddreg [dreg:$0xc];
	[sflag:s13] =	ssyncadd.s32 $0xFFFFD800;
	s13 =	simm.s32 $0xA  }
0x27: {  	[hbm4b:s16+s24] =	stream.strided.scatter [tilespmem:s24], [sflag:$0xA], $0x2780, s12, s24, $0x38;
	[tilespmem:$0x1E500] =	vst v63  }
0x28: {  	_ =	swait.ge [sflag:s13], $0x2780  }
0x29: {  	[sflag:s13] =	ssyncset.done $0x0  }
0x2a: {  	[sflag:s13] =	ssyncadd.s32 $0xFFFFD880  }
0x2b: {  	[bflag:$0x0] =	sbarrier.arrive $0xFFFF  }
0x2c: {  	s22 =	rddreg [dreg:$0xd]  }
0x2d: {  	s26 =	rddreg [dreg:$0x10]  }
0x2e: {  	s16 =	rddreg [dreg:$0x11]  }
0x2f: {  	[hbm:s22], [sflag:s26] =	dma.local [spmem:s16], $0x2780  }
0x30: {  	_ =	swait.ge [sflag:s13], $0x2780  }
0x31: {  	s22 =	rddreg [dreg:$0xf]  }
0x32: {  	s26 =	rddreg [dreg:$0xe];
	s12 =	sadd.s32 $0x1, s22  }
0x33: {  	p0 =	sne.s32 s12, s26  }
.Ltmp1:
0x34: {  	_ = 	snop;
	(pc) =	sbr.rel @!p0 .LBB2_11-.Ltmp1, $3  }
0x35: {  	_ =	sdelay $0x1  }
0x36: {  	[sflag:s13] =	ssyncset.done $0x0  }
0x37: {  	[sflag:s13] =	ssyncadd.s32 $0xFFFFD880  }
.LBB2_1:
0x38: {  	[dreg:$0xf] =	wrdreg s12  }
0x39: {  	s12 =	simm.s32 $0x0;
	s9 =	rddreg [dreg:$0x4]  }
0x3a: {  	[tilespmem:s12], [sflag:$0xA] =	stream.linear.gather [hbm4b:s9+s12], $0x80, $0x38;
	[tilespmem:$0x1E500] =	vst v63  }
0x3b: {  	s16 =	stileid.u32;
	_ =	swait.ge [sflag:s13], $0x80  }
0x3c: {  	s9 =	sshll.u32 s16, $0x6;
	[sflag:s13] =	ssyncset.done $0x0  }
0x3d: {  	s16 =	sor.u32 $0x1C0A, s9;
	s26 =	rddreg [dreg:$0x6];
	[sflag:s13] =	ssyncadd.s32 $0xFFFFFF80  }
0x3e: {  	[tilespmem:s24], [sflag:$0xA] =	stream.linear.gather [hbm4b:s26+s12], $0x2780, $0x38;
	[tilespmem:$0x1E500] =	vst v63  }
0x3f: {  	_ =	swait.ge [sflag:s13], $0x2780;
	[dreg:$0x10] =	wrdreg s16  }
0x40: {  	s22 =	rddreg [dreg:$0x7]  }
0x41: {  	[sflag:s13] =	ssyncset.done $0x0;
	s26 =	rddreg [dreg:$0x5];
	s22 =	sshrl.u32 s22, $0x3  }
0x42: {  	[sflag:s13] =	ssyncadd.s32 $0xFFFFD880;
	[dreg:$0x11] =	wrdreg s22  }
0x43: {  	[spmem:s22], [sflag:s16] =	dma.local [hbm:s26], $0x2780  }
0x44: {  	_ =	swait.ge [sflag:s13], $0x2780  }
0x45: {  	[sflag:s13] =	ssyncset.done $0x0  }
0x46: {  	[sflag:s13] =	ssyncadd.s32 $0xFFFFD880  }
0x47: {  	[bflag:$0x0] =	sbarrier.arrive $0xFFFF  }
0x48: {  	s16 =	rddreg [dreg:$0x8]  }
0x49: {  	v0 =	vld [tilespmem:$0x0];
	[tilespmem:s25], [sflag:$0x1] =	stream.linear.gather [hbm4b:s16+s12], $0x50, $0x38  }
0x4a: {  	s13 =	simm.s32 $0x2980;
	s22 =	rddreg [dreg:$0x9]  }
0x4b: {  	[tilespmem:s13], [sflag:$0x1] =	stream.linear.gather [hbm4b:s22+s12], $0x50, $0x38;
	[tilespmem:$0x1E500] =	vst v63  }
0x4c: {  	s26 =	rddreg [dreg:$0xa]  }
0x4d: {  	[tilespmem:s28], [sflag:$0x2] =	stream.linear.gather [hbm4b:s26+s12], $0x50, $0x38;
	[tilespmem:$0x1E500] =	vst v63  }
0x4e: {  	s16 =	rddreg [dreg:$0xb]  }
0x4f: {  	[tilespmem:s29], [sflag:$0x2] =	stream.linear.gather [hbm4b:s16+s12], $0x50, $0x38;
	[tilespmem:$0x1E500] =	vst v63  }
0x50: {  	_ =	swait.ge [sflag:s30], $0x50  }
0x51: {  	[sflag:s30] =	ssyncset.done $0x0  }
0x52: {  	[sflag:s30] =	ssyncadd.s32 $0xFFFFFFB0  }
0x53: {  	_ =	swait.ge [sflag:s30], $0x50  }
0x54: {  	[sflag:s30] =	ssyncset.done $0x0  }
0x55: {  	[sflag:s30] =	ssyncadd.s32 $0xFFFFFFB0  }
0x56: {  	[tilespmem:s0], [sflag:$0x4] =	stream.indirect.gather [hbm4b:s1+s31], $0x80, s25, s31, $0xb8;
	[tilespmem:$0x1E500] =	vst v63  }
0x57: {  	s22 =	simm.s32 $0x2B00  }
0x58: {  	[tilespmem:s22], [sflag:$0x4] =	stream.indirect.gather [hbm4b:s7+s31], $0x1, s25, s31, $0xb8;
	[tilespmem:$0x1E500] =	vst v63  }
0x59: {  	s9 =	simm.s32 $0x0;
	s26 =	simm.s32 $0x2C80  }
0x5a: {  	[tilespmem:s26], [sflag:$0x4] =	stream.indirect.gather [hbm4b:s8+s31], $0x1, s13, s31, $0xb8;
	[tilespmem:$0x1E500] =	vst v63  }
.LBB2_2:
0x5b: {  	p0 =	seq.s32 s9, $0x29  }
0x5c: {  	s12 =	smul.u32 @!p0 $0xF0, s9;
	_ =	sdelay $0x1  }
0x5d: {  	s13 =	sadd.s32 @!p0 s12, s17  }
0x5e: {  	s13 =	sshrl.u32 @!p0 s13, $0x3  }
0x5f: {  	s22 =	simm.s32 @!p0 $0x0;
	s26 =	simm.s32 @!p0 $0x2900;
	s16 =	sadd.s32 @!p0 s4, s13  }
0x60: {  	[tilespmem:s26], [sflag:$0x3] =	stream.linear.gather @!p0 [hbm4b:s16+s22], $0x50, $0x38;
	[tilespmem:$0x1E500] =	vst v63  }
0x61: {  	s13 =	sadd.s32 @!p0 s6, s13;
	s16 =	simm.s32 @!p0 $0x2A80  }
0x62: {  	[tilespmem:s16], [sflag:$0x3] =	stream.linear.gather @!p0 [hbm4b:s13+s22], $0x50, $0x38;
	[tilespmem:$0x1E500] =	vst v63  }
0x63: {  	_ =	swait.ge [sflag:s10], $0x50  }
0x64: {  	[sflag:s10] =	ssyncset.done $0x0  }
0x65: {  	[sflag:s10] =	ssyncadd.s32 $0xFFFFFFB0  }
0x66: {  	_ =	swait.ge [sflag:s10], $0x50  }
0x67: {  	p1 =	seq.s32 s9, $0x0;
	[sflag:s10] =	ssyncset.done $0x0  }
0x68: {  	s13 =	simm.s32 @!p1 $0x8;
	[sflag:s10] =	ssyncadd.s32 $0xFFFFFFB0  }
0x69: {  	_ =	swait.ge @!p1 [sflag:s13], $0x2800  }
0x6a: {  	[sflag:s13] =	ssyncset.done @!p1 $0x0  }
0x6b: {  	[sflag:s13] =	ssyncadd.s32 @!p1 $0xFFFFD800  }
0x6c: {  	[tilespmem:s11], [sflag:$0x5] =	stream.indirect.gather [hbm4b:s1+s31], $0x80, s28, s31, $0xb8;
	[tilespmem:$0x1E500] =	vst v63  }
0x6d: {  	s16 =	simm.s32 $0x2B80  }
0x6e: {  	[tilespmem:s16], [sflag:$0x5] =	stream.indirect.gather [hbm4b:s7+s31], $0x1, s28, s31, $0xb8;
	[tilespmem:$0x1E500] =	vst v63  }
0x6f: {  	s22 =	simm.s32 $0x2D00  }
0x70: {  	[tilespmem:s22], [sflag:$0x5] =	stream.indirect.gather [hbm4b:s8+s31], $0x1, s29, s31, $0xb8;
	[tilespmem:$0x1E500] =	vst v63  }
0x71: {  	_ =	swait.ge [sflag:s14], $0x2800  }
0x72: {  	[sflag:s14] =	ssyncset.done $0x0  }
0x73: {  	[sflag:s14] =	ssyncadd.s32 $0xFFFFD800  }
0x74: {  	_ =	swait.ge [sflag:s14], $0x50  }
0x75: {  	[sflag:s14] =	ssyncset.done $0x0  }
0x76: {  	[sflag:s14] =	ssyncadd.s32 $0xFFFFFFB0  }
0x77: {  	_ =	swait.ge [sflag:s14], $0x50  }
0x78: {  	[sflag:s14] =	ssyncset.done $0x0  }
0x79: {  	[sflag:s14] =	ssyncadd.s32 $0xFFFFFFB0  }
0x7a: {  	v1 =	vld [tilespmem:$0x2B00]  }
0x7b: {  	v2 =	vld [tilespmem:$0x2C80];
	_ =	sdelay $0x4  }
0x7c: {  	v1 =	vadd.f32 v2, v1;
	_ =	sdelay $0x1  }
0x7d: {  	v2 =	vmul.f32 $2.000000030e-01, v1;
	_ =	sdelay $0x1  }
0x7e: {  	v1 =	vmax.f32 v1, v2  }
0x7f: {  	v1 =	vsub.f32 v1, v0;
	_ =	sdelay $0x1  }
0x80: {  	v1 =	vmul.f32 $1.442695020e+00, v1;
	_ =	sdelay $0x1  }
0x81: {  	(erf) = vpow2.f32 v1;
	_ =	sdelay $0x2  }
0x82: {  	v1 =	vld [tilespmem:$0x2980];
	_ =	sdelay $0x5  }
0x83: {  	[tilespmem:$0x2F80] =	vst v1;
	v2 =	vpop (erf)  }
0x84: {  	[tilespmem:$0x2E00] =	vst v2  }
0x85: {  	[tilespmem:v1+s24+$0x0] =	vst.idx.add.f32.msk $0xffff, v2  }
0x86: {  	v1 =	vld [tilespmem:$0x2B10]  }
0x87: {  	v2 =	vld [tilespmem:$0x2C90];
	_ =	sdelay $0x4  }
0x88: {  	v1 =	vadd.f32 v2, v1;
	_ =	sdelay $0x1  }
0x89: {  	v2 =	vmul.f32 $2.000000030e-01, v1;
	_ =	sdelay $0x1  }
0x8a: {  	v1 =	vmax.f32 v1, v2  }
0x8b: {  	v1 =	vsub.f32 v1, v0;
	_ =	sdelay $0x1  }
0x8c: {  	v1 =	vmul.f32 $1.442695020e+00, v1;
	_ =	sdelay $0x1  }
0x8d: {  	(erf) = vpow2.f32 v1;
	_ =	sdelay $0x2  }
0x8e: {  	v1 =	vld [tilespmem:$0x2990];
	_ =	sdelay $0x5  }
0x8f: {  	[tilespmem:$0x2F90] =	vst v1;
	v2 =	vpop (erf)  }
0x90: {  	[tilespmem:$0x2E10] =	vst v2  }
0x91: {  	[tilespmem:v1+s24+$0x0] =	vst.idx.add.f32.msk $0xffff, v2  }
0x92: {  	v1 =	vld [tilespmem:$0x2B20]  }
0x93: {  	v2 =	vld [tilespmem:$0x2CA0];
	_ =	sdelay $0x4  }
0x94: {  	v1 =	vadd.f32 v2, v1;
	_ =	sdelay $0x1  }
0x95: {  	v2 =	vmul.f32 $2.000000030e-01, v1;
	_ =	sdelay $0x1  }
0x96: {  	v1 =	vmax.f32 v1, v2  }
0x97: {  	v1 =	vsub.f32 v1, v0;
	_ =	sdelay $0x1  }
0x98: {  	v1 =	vmul.f32 $1.442695020e+00, v1;
	_ =	sdelay $0x1  }
0x99: {  	(erf) = vpow2.f32 v1;
	_ =	sdelay $0x2  }
0x9a: {  	v1 =	vld [tilespmem:$0x29A0];
	_ =	sdelay $0x5  }
0x9b: {  	[tilespmem:$0x2FA0] =	vst v1;
	v2 =	vpop (erf)  }
0x9c: {  	[tilespmem:$0x2E20] =	vst v2  }
0x9d: {  	[tilespmem:v1+s24+$0x0] =	vst.idx.add.f32.msk $0xffff, v2  }
0x9e: {  	v1 =	vld [tilespmem:$0x2B30]  }
0x9f: {  	v2 =	vld [tilespmem:$0x2CB0];
	_ =	sdelay $0x4  }
0xa0: {  	v1 =	vadd.f32 v2, v1;
	_ =	sdelay $0x1  }
0xa1: {  	v2 =	vmul.f32 $2.000000030e-01, v1;
	_ =	sdelay $0x1  }
0xa2: {  	v1 =	vmax.f32 v1, v2  }
0xa3: {  	v1 =	vsub.f32 v1, v0;
	_ =	sdelay $0x1  }
0xa4: {  	v1 =	vmul.f32 $1.442695020e+00, v1;
	_ =	sdelay $0x1  }
0xa5: {  	(erf) = vpow2.f32 v1;
	_ =	sdelay $0x2  }
0xa6: {  	v1 =	vld [tilespmem:$0x29B0];
	_ =	sdelay $0x5  }
0xa7: {  	[tilespmem:$0x2FB0] =	vst v1;
	v2 =	vpop (erf)  }
0xa8: {  	[tilespmem:$0x2E30] =	vst v2  }
0xa9: {  	[tilespmem:v1+s24+$0x0] =	vst.idx.add.f32.msk $0xffff, v2  }
0xaa: {  	v1 =	vld [tilespmem:$0x2B40]  }
0xab: {  	v2 =	vld [tilespmem:$0x2CC0];
	_ =	sdelay $0x4  }
0xac: {  	v1 =	vadd.f32 v2, v1;
	_ =	sdelay $0x1  }
0xad: {  	v2 =	vmul.f32 $2.000000030e-01, v1;
	_ =	sdelay $0x1  }
0xae: {  	v1 =	vmax.f32 v1, v2  }
0xaf: {  	v1 =	vsub.f32 v1, v0;
	_ =	sdelay $0x1  }
0xb0: {  	v1 =	vmul.f32 $1.442695020e+00, v1;
	_ =	sdelay $0x1  }
0xb1: {  	(erf) = vpow2.f32 v1;
	_ =	sdelay $0x2  }
0xb2: {  	v1 =	vld [tilespmem:$0x29C0];
	_ =	sdelay $0x5  }
0xb3: {  	s26 =	simm.s32 $0x0;
	[tilespmem:$0x2FC0] =	vst v1;
	v2 =	vpop (erf)  }
0xb4: {  	v3 =	vmov s26;
	[tilespmem:$0x2E40] =	vst v2  }
0xb5: {  	s13 =	simm.s32 $0x3140;
	[tilespmem:v1+s24+$0x0] =	vst.idx.add.f32.msk $0xffff, v2  }
0xb6: {  	v5 =	vld [tilespmem:s13+$0x30]  }
0xb7: {  	v8 =	vld [tilespmem:s13+$0x10]  }
0xb8: {  	v6 =	vld [tilespmem:s13+$0xFFFFFFC0]  }
0xb9: {  	v2 =	vld.idx.msk [tilespmem:v3+s15+$0x0], $0xffff  }
0xba: {  	v10 =	vld [tilespmem:s13+$0xFFFFFFE0]  }
0xbb: {  	v1 =	vld [tilespmem:s13+$0xFFFFFFF0]  }
0xbc: {  	v3 =	vld [tilespmem:s13+$0x20]  }
0xbd: {  	v4 =	vld [tilespmem:s13+$0xFFFFFFD0]  }
0xbe: {  	v9 =	vmul.f32 v5, v2;
	v5 =	vld [tilespmem:s13+$0x0]  }
0xbf: {  	v7 =	vmul.f32 v6, v2  }
0xc0: {  	s16 =	simm.s32 $0x1;
	s22 =	simm.s32 $0x3140;
	v6 =	vmul.f32 v10, v2;
	v8 =	vmul.f32 v8, v2  }
.LBB2_3:
0xc1: {  	p1 =	sne.s32 s16, $0x4F  }
0xc2: {  	v4 =	vmul.f32 v4, v2;
	v3 =	vmul.f32 v3, v2;
	[tilespmem:s13+$0x30] =	vst v9;
	s22 =	sadd.s32 $0x80, s22;
	s26 =	smov.u32 s16;
	s16 =	sadd.s32 $0x1, s16  }
0xc3: {  	[tilespmem:s13+$0xFFFFFFC0] =	vst v7;
	v7 =	vmul.f32 v1, v2;
	v2 =	vmul.f32 v5, v2  }
0xc4: {  	[tilespmem:s13+$0x10] =	vst v8  }
0xc5: {  	v5 =	vmov s26;
	[tilespmem:s13+$0xFFFFFFE0] =	vst v6  }
0xc6: {  	v1 =	vld [tilespmem:s22+$0xFFFFFFF0];
	[tilespmem:s13+$0xFFFFFFF0] =	vst v7  }
0xc7: {  	v6 =	vld [tilespmem:s22+$0x30];
	[tilespmem:s13+$0x0] =	vst v2  }
0xc8: {  	v8 =	vld [tilespmem:s22+$0x10];
	[tilespmem:s13+$0x20] =	vst v3  }
0xc9: {  	v7 =	vld [tilespmem:s22+$0xFFFFFFC0];
	[tilespmem:s13+$0xFFFFFFD0] =	vst v4;
	s13 =	smov.u32 s22  }
0xca: {  	v2 =	vld.idx.msk [tilespmem:v5+s15+$0x0], $0xffff  }
0xcb: {  	v10 =	vld [tilespmem:s22+$0xFFFFFFE0]  }
0xcc: {  	v3 =	vld [tilespmem:s22+$0x20]  }
.Ltmp2:
0xcd: {  	v4 =	vld [tilespmem:s22+$0xFFFFFFD0];
	(pc) =	sbr.rel @p1 .LBB2_3-.Ltmp2, $3  }
0xce: {  	v5 =	vld [tilespmem:s22+$0x0];
	_ =	sdelay $0x1  }
0xcf: {  	v7 =	vmul.f32 v7, v2;
	v9 =	vmul.f32 v6, v2  }
0xd0: {  	v8 =	vmul.f32 v8, v2;
	v6 =	vmul.f32 v10, v2  }
0xd1: {  	[tilespmem:s13+$0x30] =	vst v9  }
0xd2: {  	[tilespmem:s13+$0xFFFFFFC0] =	vst v7  }
0xd3: {  	v1 =	vmul.f32 v1, v2;
	[tilespmem:s13+$0x10] =	vst v8  }
0xd4: {  	v3 =	vmul.f32 v3, v2;
	[tilespmem:s13+$0xFFFFFFE0] =	vst v6  }
0xd5: {  	v5 =	vmul.f32 v5, v2;
	[tilespmem:s13+$0xFFFFFFF0] =	vst v1  }
0xd6: {  	v1 =	vmul.f32 v4, v2;
	[tilespmem:s13+$0x20] =	vst v3  }
0xd7: {  	s12 =	sadd.s32 @!p0 s12, s18;
	[tilespmem:s13+$0x0] =	vst v5  }
0xd8: {  	s22 =	simm.s32 $0x2F80;
	s12 =	sshrl.u32 @!p0 s12, $0x3;
	[tilespmem:s13+$0xFFFFFFD0] =	vst v1  }
0xd9: {  	[spmem:s2] =	stream.indirect.scatter.add.f32 [tilespmem:s0], [sflag:$0x7], $0x80, s22, s31, $0xb8;
	[tilespmem:$0x1E500] =	vst v63  }
0xda: {  	s16 =	simm.s32 @!p0 $0x0;
	s13 =	sadd.s32 @!p0 s4, s12;
	s22 =	simm.s32 @!p0 $0x2800  }
0xdb: {  	[tilespmem:s22], [sflag:$0x1] =	stream.linear.gather @!p0 [hbm4b:s13+s16], $0x50, $0x38;
	[tilespmem:$0x1E500] =	vst v63  }
0xdc: {  	s12 =	sadd.s32 @!p0 s6, s12;
	s13 =	simm.s32 @!p0 $0x2980  }
0xdd: {  	[tilespmem:s13], [sflag:$0x1] =	stream.linear.gather @!p0 [hbm4b:s12+s16], $0x50, $0x38;
	[tilespmem:$0x1E500] =	vst v63  }
0xde: {  	s12 =	simm.s32 @!p0 $0x3  }
0xdf: {  	_ =	swait.ge @!p0 [sflag:s12], $0x50  }
0xe0: {  	[sflag:s12] =	ssyncset.done @!p0 $0x0  }
0xe1: {  	[sflag:s12] =	ssyncadd.s32 @!p0 $0xFFFFFFB0  }
0xe2: {  	p1 =	seq.s32 @!p0 s9, $0x0;
	_ =	swait.ge @!p0 [sflag:s12], $0x50  }
0xe3: {  	p1 =	por p1, p0;
	[sflag:s12] =	ssyncset.done @!p0 $0x0  }
0xe4: {  	[sflag:s12] =	ssyncadd.s32 @!p0 $0xFFFFFFB0;
	s12 =	simm.s32 @!p1 $0x9  }
0xe5: {  	_ =	swait.ge @!p1 [sflag:s12], $0x2800  }
0xe6: {  	s13 =	simm.s32 @!p0 $0x2900;
	[sflag:s12] =	ssyncset.done @!p1 $0x0  }
0xe7: {  	s16 =	simm.s32 @!p0 $0x8100;
	[sflag:s12] =	ssyncadd.s32 @!p1 $0xFFFFD800;
	s12 =	simm.s32 @!p0 $0x50  }
0xe8: {  	[tilespmem:s16], [sflag:$0x6] =	stream.indirect.gather @!p0 [hbm4b:s1+s12], $0x80, s13, s12, $0xb8;
	[tilespmem:$0x1E500] =	vst v63  }
0xe9: {  	s16 =	simm.s32 @!p0 $0x2C00  }
0xea: {  	[tilespmem:s16], [sflag:$0x6] =	stream.indirect.gather @!p0 [hbm4b:s7+s12], $0x1, s13, s12, $0xb8;
	[tilespmem:$0x1E500] =	vst v63  }
0xeb: {  	s13 =	simm.s32 @!p0 $0x2A80;
	s16 =	simm.s32 @!p0 $0x2D80  }
0xec: {  	[tilespmem:s16], [sflag:$0x6] =	stream.indirect.gather @!p0 [hbm4b:s8+s12], $0x1, s13, s12, $0xb8;
	[tilespmem:$0x1E500] =	vst v63  }
0xed: {  	_ =	swait.ge [sflag:s20], $0x2800  }
0xee: {  	[sflag:s20] =	ssyncset.done $0x0  }
0xef: {  	[sflag:s20] =	ssyncadd.s32 $0xFFFFD800  }
0xf0: {  	_ =	swait.ge [sflag:s20], $0x50  }
0xf1: {  	[sflag:s20] =	ssyncset.done $0x0  }
0xf2: {  	[sflag:s20] =	ssyncadd.s32 $0xFFFFFFB0  }
0xf3: {  	_ =	swait.ge [sflag:s20], $0x50  }
0xf4: {  	[sflag:s20] =	ssyncset.done $0x0  }
0xf5: {  	[sflag:s20] =	ssyncadd.s32 $0xFFFFFFB0  }
0xf6: {  	v1 =	vld [tilespmem:$0x2B80]  }
0xf7: {  	v2 =	vld [tilespmem:$0x2D00];
	_ =	sdelay $0x4  }
0xf8: {  	v1 =	vadd.f32 v2, v1;
	_ =	sdelay $0x1  }
0xf9: {  	v2 =	vmul.f32 $2.000000030e-01, v1;
	_ =	sdelay $0x1  }
0xfa: {  	v1 =	vmax.f32 v1, v2  }
0xfb: {  	v1 =	vsub.f32 v1, v0;
	_ =	sdelay $0x1  }
0xfc: {  	v1 =	vmul.f32 $1.442695020e+00, v1;
	_ =	sdelay $0x1  }
0xfd: {  	(erf) = vpow2.f32 v1;
	_ =	sdelay $0x2  }
0xfe: {  	v1 =	vld [tilespmem:$0x2A00];
	_ =	sdelay $0x5  }
0xff: {  	[tilespmem:$0x3000] =	vst v1;
	v2 =	vpop (erf)  }
0x100: {  	[tilespmem:$0x2E80] =	vst v2  }
0x101: {  	[tilespmem:v1+s24+$0x0] =	vst.idx.add.f32.msk $0xffff, v2  }
0x102: {  	v1 =	vld [tilespmem:$0x2B90]  }
0x103: {  	v2 =	vld [tilespmem:$0x2D10];
	_ =	sdelay $0x4  }
0x104: {  	v1 =	vadd.f32 v2, v1;
	_ =	sdelay $0x1  }
0x105: {  	v2 =	vmul.f32 $2.000000030e-01, v1;
	_ =	sdelay $0x1  }
0x106: {  	v1 =	vmax.f32 v1, v2  }
0x107: {  	v1 =	vsub.f32 v1, v0;
	_ =	sdelay $0x1  }
0x108: {  	v1 =	vmul.f32 $1.442695020e+00, v1;
	_ =	sdelay $0x1  }
0x109: {  	(erf) = vpow2.f32 v1;
	_ =	sdelay $0x2  }
0x10a: {  	v1 =	vld [tilespmem:$0x2A10];
	_ =	sdelay $0x5  }
0x10b: {  	[tilespmem:$0x3010] =	vst v1;
	v2 =	vpop (erf)  }
0x10c: {  	[tilespmem:$0x2E90] =	vst v2  }
0x10d: {  	[tilespmem:v1+s24+$0x0] =	vst.idx.add.f32.msk $0xffff, v2  }
0x10e: {  	v1 =	vld [tilespmem:$0x2BA0]  }
0x10f: {  	v2 =	vld [tilespmem:$0x2D20];
	_ =	sdelay $0x4  }
0x110: {  	v1 =	vadd.f32 v2, v1;
	_ =	sdelay $0x1  }
0x111: {  	v2 =	vmul.f32 $2.000000030e-01, v1;
	_ =	sdelay $0x1  }
0x112: {  	v1 =	vmax.f32 v1, v2  }
0x113: {  	v1 =	vsub.f32 v1, v0;
	_ =	sdelay $0x1  }
0x114: {  	v1 =	vmul.f32 $1.442695020e+00, v1;
	_ =	sdelay $0x1  }
0x115: {  	(erf) = vpow2.f32 v1;
	_ =	sdelay $0x2  }
0x116: {  	v1 =	vld [tilespmem:$0x2A20];
	_ =	sdelay $0x5  }
0x117: {  	[tilespmem:$0x3020] =	vst v1;
	v2 =	vpop (erf)  }
0x118: {  	[tilespmem:$0x2EA0] =	vst v2  }
0x119: {  	[tilespmem:v1+s24+$0x0] =	vst.idx.add.f32.msk $0xffff, v2  }
0x11a: {  	v1 =	vld [tilespmem:$0x2BB0]  }
0x11b: {  	v2 =	vld [tilespmem:$0x2D30];
	_ =	sdelay $0x4  }
0x11c: {  	v1 =	vadd.f32 v2, v1;
	_ =	sdelay $0x1  }
0x11d: {  	v2 =	vmul.f32 $2.000000030e-01, v1;
	_ =	sdelay $0x1  }
0x11e: {  	v1 =	vmax.f32 v1, v2  }
0x11f: {  	v1 =	vsub.f32 v1, v0;
	_ =	sdelay $0x1  }
0x120: {  	v1 =	vmul.f32 $1.442695020e+00, v1;
	_ =	sdelay $0x1  }
0x121: {  	(erf) = vpow2.f32 v1;
	_ =	sdelay $0x2  }
0x122: {  	v1 =	vld [tilespmem:$0x2A30];
	_ =	sdelay $0x5  }
0x123: {  	[tilespmem:$0x3030] =	vst v1;
	v2 =	vpop (erf)  }
0x124: {  	[tilespmem:$0x2EB0] =	vst v2  }
0x125: {  	[tilespmem:v1+s24+$0x0] =	vst.idx.add.f32.msk $0xffff, v2  }
0x126: {  	v1 =	vld [tilespmem:$0x2BC0]  }
0x127: {  	v2 =	vld [tilespmem:$0x2D40];
	_ =	sdelay $0x4  }
0x128: {  	v1 =	vadd.f32 v2, v1;
	_ =	sdelay $0x1  }
0x129: {  	v2 =	vmul.f32 $2.000000030e-01, v1;
	_ =	sdelay $0x1  }
0x12a: {  	v1 =	vmax.f32 v1, v2  }
0x12b: {  	v1 =	vsub.f32 v1, v0;
	_ =	sdelay $0x1  }
0x12c: {  	v1 =	vmul.f32 $1.442695020e+00, v1;
	_ =	sdelay $0x1  }
0x12d: {  	(erf) = vpow2.f32 v1;
	_ =	sdelay $0x2  }
0x12e: {  	v1 =	vld [tilespmem:$0x2A40];
	_ =	sdelay $0x5  }
0x12f: {  	s26 =	simm.s32 $0x0;
	[tilespmem:$0x3040] =	vst v1;
	v2 =	vpop (erf)  }
0x130: {  	v3 =	vmov s26;
	[tilespmem:$0x2EC0] =	vst v2  }
0x131: {  	s12 =	simm.s32 $0x5940;
	[tilespmem:v1+s24+$0x0] =	vst.idx.add.f32.msk $0xffff, v2  }
0x132: {  	v5 =	vld [tilespmem:s12+$0x30]  }
0x133: {  	v8 =	vld [tilespmem:s12+$0x10]  }
0x134: {  	v6 =	vld [tilespmem:s12+$0xFFFFFFC0]  }
0x135: {  	v2 =	vld.idx.msk [tilespmem:v3+s21+$0x0], $0xffff  }
0x136: {  	v10 =	vld [tilespmem:s12+$0xFFFFFFE0]  }
0x137: {  	v1 =	vld [tilespmem:s12+$0xFFFFFFF0]  }
0x138: {  	v3 =	vld [tilespmem:s12+$0x20]  }
0x139: {  	v4 =	vld [tilespmem:s12+$0xFFFFFFD0]  }
0x13a: {  	v9 =	vmul.f32 v5, v2;
	v5 =	vld [tilespmem:s12+$0x0]  }
0x13b: {  	v7 =	vmul.f32 v6, v2  }
0x13c: {  	s13 =	simm.s32 $0x1;
	s16 =	simm.s32 $0x5940;
	v6 =	vmul.f32 v10, v2;
	v8 =	vmul.f32 v8, v2  }
.LBB2_5:
0x13d: {  	p1 =	sne.s32 s13, $0x4F  }
0x13e: {  	v4 =	vmul.f32 v4, v2;
	v3 =	vmul.f32 v3, v2;
	[tilespmem:s12+$0x30] =	vst v9;
	s16 =	sadd.s32 $0x80, s16;
	s22 =	smov.u32 s13;
	s13 =	sadd.s32 $0x1, s13  }
0x13f: {  	[tilespmem:s12+$0xFFFFFFC0] =	vst v7;
	v7 =	vmul.f32 v1, v2;
	v2 =	vmul.f32 v5, v2  }
0x140: {  	[tilespmem:s12+$0x10] =	vst v8  }
0x141: {  	v5 =	vmov s22;
	[tilespmem:s12+$0xFFFFFFE0] =	vst v6  }
0x142: {  	v1 =	vld [tilespmem:s16+$0xFFFFFFF0];
	[tilespmem:s12+$0xFFFFFFF0] =	vst v7  }
0x143: {  	v6 =	vld [tilespmem:s16+$0x30];
	[tilespmem:s12+$0x0] =	vst v2  }
0x144: {  	v8 =	vld [tilespmem:s16+$0x10];
	[tilespmem:s12+$0x20] =	vst v3  }
0x145: {  	v7 =	vld [tilespmem:s16+$0xFFFFFFC0];
	[tilespmem:s12+$0xFFFFFFD0] =	vst v4;
	s12 =	smov.u32 s16  }
0x146: {  	v2 =	vld.idx.msk [tilespmem:v5+s21+$0x0], $0xffff  }
0x147: {  	v10 =	vld [tilespmem:s16+$0xFFFFFFE0]  }
0x148: {  	v3 =	vld [tilespmem:s16+$0x20]  }
.Ltmp3:
0x149: {  	v4 =	vld [tilespmem:s16+$0xFFFFFFD0];
	(pc) =	sbr.rel @p1 .LBB2_5-.Ltmp3, $3  }
0x14a: {  	v5 =	vld [tilespmem:s16+$0x0];
	_ =	sdelay $0x1  }
0x14b: {  	v7 =	vmul.f32 v7, v2;
	v9 =	vmul.f32 v6, v2  }
0x14c: {  	v8 =	vmul.f32 v8, v2;
	v6 =	vmul.f32 v10, v2  }
0x14d: {  	[tilespmem:s12+$0x30] =	vst v9  }
0x14e: {  	[tilespmem:s12+$0xFFFFFFC0] =	vst v7  }
0x14f: {  	v1 =	vmul.f32 v1, v2;
	[tilespmem:s12+$0x10] =	vst v8  }
0x150: {  	v3 =	vmul.f32 v3, v2;
	[tilespmem:s12+$0xFFFFFFE0] =	vst v6  }
.Ltmp4:
0x151: {  	v5 =	vmul.f32 v5, v2;
	[tilespmem:s12+$0xFFFFFFF0] =	vst v1;
	(pc) =	sbr.rel @p0 .LBB2_10-.Ltmp4, $4  }
0x152: {  	v1 =	vmul.f32 v4, v2;
	[tilespmem:s12+$0x20] =	vst v3  }
0x153: {  	[tilespmem:s12+$0x0] =	vst v5  }
0x154: {  	s26 =	simm.s32 $0x3000;
	[tilespmem:s12+$0xFFFFFFD0] =	vst v1  }
0x155: {  	[spmem:s2] =	stream.indirect.scatter.add.f32 [tilespmem:s11], [sflag:$0x8], $0x80, s26, s31, $0xb8;
	[tilespmem:$0x1E500] =	vst v63  }
0x156: {  	s12 =	smul.u32 $0xF0, s9;
	_ =	sdelay $0x1  }
0x157: {  	s12 =	sadd.s32 s12, s19  }
0x158: {  	s13 =	sshrl.u32 s12, $0x3  }
0x159: {  	s12 =	simm.s32 $0x0;
	s16 =	sadd.s32 s4, s13  }
0x15a: {  	[tilespmem:s28], [sflag:$0x2] =	stream.linear.gather [hbm4b:s16+s12], $0x50, $0x38;
	[tilespmem:$0x1E500] =	vst v63  }
0x15b: {  	s13 =	sadd.s32 s6, s13  }
0x15c: {  	[tilespmem:s29], [sflag:$0x2] =	stream.linear.gather [hbm4b:s13+s12], $0x50, $0x38;
	[tilespmem:$0x1E500] =	vst v63  }
0x15d: {  	_ =	swait.ge [sflag:s30], $0x50  }
0x15e: {  	[sflag:s30] =	ssyncset.done $0x0  }
0x15f: {  	[sflag:s30] =	ssyncadd.s32 $0xFFFFFFB0  }
0x160: {  	_ =	swait.ge [sflag:s30], $0x50  }
0x161: {  	[sflag:s30] =	ssyncset.done $0x0  }
0x162: {  	[sflag:s30] =	ssyncadd.s32 $0xFFFFFFB0  }
0x163: {  	_ =	swait.ge [sflag:s3], $0x2800  }
0x164: {  	[sflag:s3] =	ssyncset.done $0x0  }
0x165: {  	[sflag:s3] =	ssyncadd.s32 $0xFFFFD800  }
0x166: {  	[tilespmem:s0], [sflag:$0x4] =	stream.indirect.gather [hbm4b:s1+s31], $0x80, s25, s31, $0xb8;
	[tilespmem:$0x1E500] =	vst v63  }
0x167: {  	s16 =	simm.s32 $0x2B00  }
0x168: {  	[tilespmem:s16], [sflag:$0x4] =	stream.indirect.gather [hbm4b:s7+s31], $0x1, s25, s31, $0xb8;
	[tilespmem:$0x1E500] =	vst v63  }
0x169: {  	s22 =	simm.s32 $0x2980;
	s26 =	simm.s32 $0x2C80  }
0x16a: {  	[tilespmem:s26], [sflag:$0x4] =	stream.indirect.gather [hbm4b:s8+s31], $0x1, s22, s31, $0xb8;
	[tilespmem:$0x1E500] =	vst v63  }
0x16b: {  	_ =	swait.ge [sflag:s23], $0x2800  }
0x16c: {  	[sflag:s23] =	ssyncset.done $0x0  }
0x16d: {  	[sflag:s23] =	ssyncadd.s32 $0xFFFFD800  }
0x16e: {  	_ =	swait.ge [sflag:s23], $0x50  }
0x16f: {  	[sflag:s23] =	ssyncset.done $0x0  }
0x170: {  	[sflag:s23] =	ssyncadd.s32 $0xFFFFFFB0  }
0x171: {  	_ =	swait.ge [sflag:s23], $0x50  }
0x172: {  	[sflag:s23] =	ssyncset.done $0x0  }
0x173: {  	[sflag:s23] =	ssyncadd.s32 $0xFFFFFFB0  }
0x174: {  	v1 =	vld [tilespmem:$0x2C00]  }
0x175: {  	v2 =	vld [tilespmem:$0x2D80];
	_ =	sdelay $0x4  }
0x176: {  	v1 =	vadd.f32 v2, v1;
	_ =	sdelay $0x1  }
0x177: {  	v2 =	vmul.f32 $2.000000030e-01, v1;
	_ =	sdelay $0x1  }
0x178: {  	v1 =	vmax.f32 v1, v2  }
0x179: {  	v1 =	vsub.f32 v1, v0;
	_ =	sdelay $0x1  }
0x17a: {  	v1 =	vmul.f32 $1.442695020e+00, v1;
	_ =	sdelay $0x1  }
0x17b: {  	(erf) = vpow2.f32 v1;
	_ =	sdelay $0x2  }
0x17c: {  	v1 =	vld [tilespmem:$0x2A80];
	_ =	sdelay $0x5  }
0x17d: {  	[tilespmem:$0x3080] =	vst v1;
	v2 =	vpop (erf)  }
0x17e: {  	[tilespmem:$0x2F00] =	vst v2  }
0x17f: {  	[tilespmem:v1+s24+$0x0] =	vst.idx.add.f32.msk $0xffff, v2  }
0x180: {  	v1 =	vld [tilespmem:$0x2C10]  }
0x181: {  	v2 =	vld [tilespmem:$0x2D90];
	_ =	sdelay $0x4  }
0x182: {  	v1 =	vadd.f32 v2, v1;
	_ =	sdelay $0x1  }
0x183: {  	v2 =	vmul.f32 $2.000000030e-01, v1;
	_ =	sdelay $0x1  }
0x184: {  	v1 =	vmax.f32 v1, v2  }
0x185: {  	v1 =	vsub.f32 v1, v0;
	_ =	sdelay $0x1  }
0x186: {  	v1 =	vmul.f32 $1.442695020e+00, v1;
	_ =	sdelay $0x1  }
0x187: {  	(erf) = vpow2.f32 v1;
	_ =	sdelay $0x2  }
0x188: {  	v1 =	vld [tilespmem:$0x2A90];
	_ =	sdelay $0x5  }
0x189: {  	[tilespmem:$0x3090] =	vst v1;
	v2 =	vpop (erf)  }
0x18a: {  	[tilespmem:$0x2F10] =	vst v2  }
0x18b: {  	[tilespmem:v1+s24+$0x0] =	vst.idx.add.f32.msk $0xffff, v2  }
0x18c: {  	v1 =	vld [tilespmem:$0x2C20]  }
0x18d: {  	v2 =	vld [tilespmem:$0x2DA0];
	_ =	sdelay $0x4  }
0x18e: {  	v1 =	vadd.f32 v2, v1;
	_ =	sdelay $0x1  }
0x18f: {  	v2 =	vmul.f32 $2.000000030e-01, v1;
	_ =	sdelay $0x1  }
0x190: {  	v1 =	vmax.f32 v1, v2  }
0x191: {  	v1 =	vsub.f32 v1, v0;
	_ =	sdelay $0x1  }
0x192: {  	v1 =	vmul.f32 $1.442695020e+00, v1;
	_ =	sdelay $0x1  }
0x193: {  	(erf) = vpow2.f32 v1;
	_ =	sdelay $0x2  }
0x194: {  	v1 =	vld [tilespmem:$0x2AA0];
	_ =	sdelay $0x5  }
0x195: {  	[tilespmem:$0x30A0] =	vst v1;
	v2 =	vpop (erf)  }
0x196: {  	[tilespmem:$0x2F20] =	vst v2  }
0x197: {  	[tilespmem:v1+s24+$0x0] =	vst.idx.add.f32.msk $0xffff, v2  }
0x198: {  	v1 =	vld [tilespmem:$0x2C30]  }
0x199: {  	v2 =	vld [tilespmem:$0x2DB0];
	_ =	sdelay $0x4  }
0x19a: {  	v1 =	vadd.f32 v2, v1;
	_ =	sdelay $0x1  }
0x19b: {  	v2 =	vmul.f32 $2.000000030e-01, v1;
	_ =	sdelay $0x1  }
0x19c: {  	v1 =	vmax.f32 v1, v2  }
0x19d: {  	v1 =	vsub.f32 v1, v0;
	_ =	sdelay $0x1  }
0x19e: {  	v1 =	vmul.f32 $1.442695020e+00, v1;
	_ =	sdelay $0x1  }
0x19f: {  	(erf) = vpow2.f32 v1;
	_ =	sdelay $0x2  }
0x1a0: {  	v1 =	vld [tilespmem:$0x2AB0];
	_ =	sdelay $0x5  }
0x1a1: {  	[tilespmem:$0x30B0] =	vst v1;
	v2 =	vpop (erf)  }
0x1a2: {  	[tilespmem:$0x2F30] =	vst v2  }
0x1a3: {  	[tilespmem:v1+s24+$0x0] =	vst.idx.add.f32.msk $0xffff, v2  }
0x1a4: {  	v1 =	vld [tilespmem:$0x2C40]  }
0x1a5: {  	v2 =	vld [tilespmem:$0x2DC0];
	_ =	sdelay $0x4  }
0x1a6: {  	v1 =	vadd.f32 v2, v1;
	_ =	sdelay $0x1  }
0x1a7: {  	v2 =	vmul.f32 $2.000000030e-01, v1;
	_ =	sdelay $0x1  }
0x1a8: {  	v1 =	vmax.f32 v1, v2  }
0x1a9: {  	v1 =	vsub.f32 v1, v0;
	_ =	sdelay $0x1  }
0x1aa: {  	v1 =	vmul.f32 $1.442695020e+00, v1;
	_ =	sdelay $0x1  }
0x1ab: {  	(erf) = vpow2.f32 v1;
	_ =	sdelay $0x2  }
0x1ac: {  	v1 =	vld [tilespmem:$0x2AC0];
	_ =	sdelay $0x5  }
0x1ad: {  	[tilespmem:$0x30C0] =	vst v1;
	v2 =	vpop (erf)  }
0x1ae: {  	v3 =	vmov s12;
	[tilespmem:$0x2F40] =	vst v2  }
0x1af: {  	s12 =	simm.s32 $0x8140;
	[tilespmem:v1+s24+$0x0] =	vst.idx.add.f32.msk $0xffff, v2  }
0x1b0: {  	v5 =	vld [tilespmem:s12+$0x30]  }
0x1b1: {  	v8 =	vld [tilespmem:s12+$0x10]  }
0x1b2: {  	v6 =	vld [tilespmem:s12+$0xFFFFFFC0]  }
0x1b3: {  	v2 =	vld.idx.msk [tilespmem:v3+s5+$0x0], $0xffff  }
0x1b4: {  	v10 =	vld [tilespmem:s12+$0xFFFFFFE0]  }
0x1b5: {  	v1 =	vld [tilespmem:s12+$0xFFFFFFF0]  }
0x1b6: {  	v3 =	vld [tilespmem:s12+$0x20]  }
0x1b7: {  	v4 =	vld [tilespmem:s12+$0xFFFFFFD0]  }
0x1b8: {  	v9 =	vmul.f32 v5, v2;
	v5 =	vld [tilespmem:s12+$0x0]  }
0x1b9: {  	v7 =	vmul.f32 v6, v2  }
0x1ba: {  	s13 =	simm.s32 $0x1;
	s16 =	simm.s32 $0x8140;
	v6 =	vmul.f32 v10, v2;
	v8 =	vmul.f32 v8, v2  }
.LBB2_8:
0x1bb: {  	p0 =	sne.s32 s13, $0x4F  }
0x1bc: {  	v4 =	vmul.f32 v4, v2;
	v3 =	vmul.f32 v3, v2;
	[tilespmem:s12+$0x30] =	vst v9;
	s16 =	sadd.s32 $0x80, s16;
	s22 =	smov.u32 s13;
	s13 =	sadd.s32 $0x1, s13  }
0x1bd: {  	[tilespmem:s12+$0xFFFFFFC0] =	vst v7;
	v7 =	vmul.f32 v1, v2;
	v2 =	vmul.f32 v5, v2  }
0x1be: {  	[tilespmem:s12+$0x10] =	vst v8  }
0x1bf: {  	v5 =	vmov s22;
	[tilespmem:s12+$0xFFFFFFE0] =	vst v6  }
0x1c0: {  	v1 =	vld [tilespmem:s16+$0xFFFFFFF0];
	[tilespmem:s12+$0xFFFFFFF0] =	vst v7  }
0x1c1: {  	v6 =	vld [tilespmem:s16+$0x30];
	[tilespmem:s12+$0x0] =	vst v2  }
0x1c2: {  	v8 =	vld [tilespmem:s16+$0x10];
	[tilespmem:s12+$0x20] =	vst v3  }
0x1c3: {  	v7 =	vld [tilespmem:s16+$0xFFFFFFC0];
	[tilespmem:s12+$0xFFFFFFD0] =	vst v4;
	s12 =	smov.u32 s16  }
0x1c4: {  	v2 =	vld.idx.msk [tilespmem:v5+s5+$0x0], $0xffff  }
0x1c5: {  	v10 =	vld [tilespmem:s16+$0xFFFFFFE0]  }
0x1c6: {  	v3 =	vld [tilespmem:s16+$0x20]  }
.Ltmp5:
0x1c7: {  	v4 =	vld [tilespmem:s16+$0xFFFFFFD0];
	(pc) =	sbr.rel @p0 .LBB2_8-.Ltmp5, $3  }
0x1c8: {  	v5 =	vld [tilespmem:s16+$0x0];
	_ =	sdelay $0x1  }
0x1c9: {  	v7 =	vmul.f32 v7, v2;
	v9 =	vmul.f32 v6, v2  }
0x1ca: {  	v8 =	vmul.f32 v8, v2;
	v6 =	vmul.f32 v10, v2  }
0x1cb: {  	[tilespmem:s12+$0x30] =	vst v9  }
0x1cc: {  	[tilespmem:s12+$0xFFFFFFC0] =	vst v7  }
0x1cd: {  	v1 =	vmul.f32 v1, v2;
	[tilespmem:s12+$0x10] =	vst v8  }
0x1ce: {  	v3 =	vmul.f32 v3, v2;
	[tilespmem:s12+$0xFFFFFFE0] =	vst v6  }
.Ltmp6:
0x1cf: {  	v5 =	vmul.f32 v5, v2;
	[tilespmem:s12+$0xFFFFFFF0] =	vst v1;
	(pc) =	sbr.rel .LBB2_2-.Ltmp6, $4  }
0x1d0: {  	v1 =	vmul.f32 v4, v2;
	[tilespmem:s12+$0x20] =	vst v3  }
0x1d1: {  	[tilespmem:s12+$0x0] =	vst v5  }
0x1d2: {  	s26 =	simm.s32 $0x3080;
	s13 =	simm.s32 $0x8100;
	s9 =	sadd.s32 $0x1, s9;
	[tilespmem:s12+$0xFFFFFFD0] =	vst v1  }
0x1d3: {  	[spmem:s2] =	stream.indirect.scatter.add.f32 [tilespmem:s13], [sflag:$0x9], $0x80, s26, s31, $0xb8;
	[tilespmem:$0x1E500] =	vst v63  }
.LBB2_11:
0x1d4: {  	_ =	sfence.sel $0x180000  }
0x1d5: {  	[bflag:$0x0] =	sbarrier.arrive $0xFFFF  }
0x1d6: {  	_ =	strace $0x9000004A  }
0x1d7: {  	s0 =	stileid.u32;
	[bflag:$0x2] =	sbarrier.arrive $0xFFFF  }
0x1d8: {  	p0 =	sne.s32 s0, $0x0;
	s0 =	rddreg [dreg:$0x3]  }
0x1d9: {  	s0 =	sadd.s32 @!p0 $0x100000, s0  }
0x1da: {  	[sflag:s0] =	ssyncadd.tile.s32 @!p0 $0x1;
	_ =	shalt  }
.Lfunc_end2:
_tile_overlayer_lowered:
.L_overlay_start_2:
0x1db: {  	(tag) =	ssettag $0x2  }
0x1dc: {  	s0 =	rddreg [dreg:$0x0];
	s2 =	stileid.u32  }
0x1dd: {  	s1 =	rddreg [dreg:$0x1];
	p0 =	sne.s32 s2, $0x0  }
0x1de: {  	s3 =	rddreg [dreg:$0x2];
	[bflag:$0x3] =	sbarrier.arrive $0xFFFF;
	s2 =	simm.s32 @!p0 $0x1C0A  }
0x1df: {  	[timem:s3], [sflag:s2] =	dma.local @!p0 [hbm:s0], s1  }
0x1e0: {  	s0 =	simm.s32 @!p0 $0xA  }
0x1e1: {  	_ =	swait.ge @!p0 [sflag:s0], s1  }
0x1e2: {  	s1 =	ssub.s32 @!p0 $0x0, s1;
	[sflag:s0] =	ssyncset.done @!p0 $0x0  }
0x1e3: {  	[sflag:s0] =	ssyncadd.s32 @!p0 s1  }
0x1e4: {  	[bflag:$0x3] =	sbarrier.arrive $0xFFFF  }
0x1e5: {  	_ =	shalt  }

// kernel: kernel.8.cloned.1.call-start
scs
__scs_entry_jumppad:
0x0: {  	(pc) =	sbr.rel $0x88, $3  }
0x1: {  	(tag) =	ssettag $0x0;
	lr =	simm.s32 $0x1  }
0x2: {  	[smem:$0x3F97] =	sst lr;
	_ =	strace $0xD0000000  }
0x3: {  	_ = 	snop  }
0x4: {  	_ = 	snop  }
0x5: {  	_ = 	snop  }
0x6: {  	_ = 	snop  }
0x7: {  	_ = 	snop  }
__scs_overlays_trampoline_lowered:
0x8: {  	[smem:$0x3FA6] =	sst s0  }
0x9: {  	[smem:$0x3FA7] =	sst s1  }
0xa: {  	[smem:$0x3FA8] =	sst s2  }
0xb: {  	[smem:$0x3FA9] =	sst s3  }
0xc: {  	[smem:$0x3FAA] =	sst s4  }
0xd: {  	[smem:$0x3FAB] =	sst s5  }
0xe: {  	[smem:$0x3FAC] =	sst s6  }
0xf: {  	[smem:$0x3FAD] =	sst s7  }
0x10: {  	[smem:$0x3FAE] =	sst s8  }
0x11: {  	[smem:$0x3FAF] =	sst s9;
	s0 =	simm.s32 @!p0 $0x0  }
0x12: {  	s1 =	sld [smem:$0x3F95];
	s0 =	simm.s32 @p0 $0x1  }
0x13: {  	[smem:$0x3FB0] =	sst s0;
	s0 =	simm.s32 @!p1 $0x0  }
0x14: {  	s2 =	sld [smem:$0x3F94];
	s0 =	simm.s32 @p1 $0x1  }
0x15: {  	[smem:$0x3FB1] =	sst s0;
	s0 =	simm.s32 @!p2 $0x0  }
0x16: {  	s3 =	sld [smem:$0x3FDB];
	s0 =	simm.s32 @p2 $0x1  }
0x17: {  	s4 =	simm.s32 $0x1BF5;
	[smem:$0x3FB3] =	sst s0  }
0x18: {  	s0 =	sld [smem:$0x3F96];
	_ =	swait.ge [sflag:s4], $0x0  }
0x19: {  	s7 =	sld [smem:$0x3F97]  }
0x1a: {  	s8 =	sadd.s32 $0xFFFFE003, lr  }
0x1b: {  	s9 =	sadd.s32 $0xFFFFFEF7, lr;
	s5 =	simm.s32 $0xFFFFFFFF;
	p2 =	slt.u32 s8, $0xFFFFF086  }
0x1c: {  	p1 =	slt.u32 s9, $0xF7A;
	s5 =	simm.s32 @!p2 $0x0  }
0x1d: {  	s5 =	simm.s32 @p1 $0x1;
	p0 =	seq.s32 s7, s2  }
0x1e: {  	s7 =	smul.u32 @!p0 $0xF7A, s2;
	p2 =	seq.s32 @!p0 s5, $0x0  }
0x1f: {  	s9 =	smul.u32 $0xF7A, s1;
	s8 =	simm.s32 @!p0 $0x1BF5;
	p2 =	por !p2, p0  }
0x20: {  	[sflag:s8] =	ssyncset.s32 @!p0 $0xFFFFF086;
	s6 =	sadd.s32 @!p0 s3, s7;
	s7 =	simm.s32 @!p0 $0x108  }
0x21: {  	s3 =	sadd.s32 s3, s9;
	s6 =	sadd.s32 @!p0 $0x88, s6;
	s7 =	simm.s32 @p2 $0x1082  }
0x22: {  	[simem:s7], [sflag:s8] =	dma.local @!p0 [hbm:s6], $0xF7A  }
0x23: {  	s9 =	sor.u32 $0xD0000000, s2;
	s6 =	simm.s32 $0x108;
	_ =	swait.ge @!p0 [sflag:s8], $0x0  }
0x24: {  	s3 =	sadd.s32 $0x88, s3;
	s6 =	simm.s32 @!p1 $0x1082;
	[sflag:s4] =	ssyncset.s32 $0xFFFFF086  }
0x25: {  	[simem:s6], [sflag:s4] =	dma.local [hbm:s3], $0xF7A  }
0x26: {  	[smem:$0x3F97] =	sst s1;
	(tag) =	ssettag s2;
	_ =	strace s9  }
0x27: {  	s1 =	sld [smem:$0x3FA7]  }
0x28: {  	s2 =	sld [smem:$0x3FA8]  }
0x29: {  	s4 =	sld [smem:$0x3FAA]  }
0x2a: {  	p0 =	seq.s32 s5, $0x0;
	s5 =	sld [smem:$0x3FAB]  }
0x2b: {  	s6 =	sld [smem:$0x3FAC]  }
0x2c: {  	s7 =	sld [smem:$0x3FAD]  }
0x2d: {  	s3 =	simm.s32 $0x108;
	s8 =	sld [smem:$0x3FAE]  }
0x2e: {  	s3 =	simm.s32 @!p0 $0x1082;
	s9 =	sld [smem:$0x3FAF]  }
0x2f: {  	lr =	sadd.s32 s0, s3;
	s0 =	sld [smem:$0x3FA6]  }
0x30: {  	s3 =	sld [smem:$0x3FA9]  }
0x31: {  	[smem:$0x3FB2] =	sst s10  }
0x32: {  	s10 =	sld [smem:$0x3FB0];
	_ =	sdelay $0x3  }
0x33: {  	p0 =	seq.s32 s10, $0x1;
	s10 =	sld [smem:$0x3FB2];
	_ =	sdelay $0x3  }
0x34: {  	[smem:$0x3FB2] =	sst s10  }
0x35: {  	s10 =	sld [smem:$0x3FB1];
	_ =	sdelay $0x3  }
0x36: {  	p1 =	seq.s32 s10, $0x1;
	s10 =	sld [smem:$0x3FB2];
	_ =	sdelay $0x3  }
0x37: {  	[smem:$0x3FB2] =	sst s10  }
0x38: {  	s10 =	sld [smem:$0x3FB3]  }
0x39: {  	_ = 	snop;
	(pc) =	sbr.ind lr, $3  }
0x3a: {  	_ = 	snop  }
0x3b: {  	_ = 	snop  }
0x3c: {  	p2 =	seq.s32 s10, $0x1;
	s10 =	sld [smem:$0x3FB2]  }
0x3d: {  	_ =	shalt  }
0x3e: {  	_ =	shalt  }
0x3f: {  	_ =	shalt  }
0x40: {  	_ =	shalt  }
0x41: {  	_ =	shalt  }
0x42: {  	_ =	shalt  }
0x43: {  	_ =	shalt  }
0x44: {  	_ =	shalt  }
0x45: {  	_ =	shalt  }
0x46: {  	_ =	shalt  }
0x47: {  	_ =	shalt  }
0x48: {  	_ =	shalt  }
0x49: {  	_ =	shalt  }
0x4a: {  	_ =	shalt  }
0x4b: {  	_ =	shalt  }
0x4c: {  	_ =	shalt  }
0x4d: {  	_ =	shalt  }
0x4e: {  	_ =	shalt  }
0x4f: {  	_ =	shalt  }
0x50: {  	_ =	shalt  }
0x51: {  	_ =	shalt  }
0x52: {  	_ =	shalt  }
0x53: {  	_ =	shalt  }
0x54: {  	_ =	shalt  }
0x55: {  	_ =	shalt  }
0x56: {  	_ =	shalt  }
0x57: {  	_ =	shalt  }
0x58: {  	_ =	shalt  }
0x59: {  	_ =	shalt  }
0x5a: {  	_ =	shalt  }
0x5b: {  	_ =	shalt  }
0x5c: {  	_ =	shalt  }
0x5d: {  	_ =	shalt  }
0x5e: {  	_ =	shalt  }
0x5f: {  	_ =	shalt  }
0x60: {  	_ =	shalt  }
0x61: {  	_ =	shalt  }
0x62: {  	_ =	shalt  }
0x63: {  	_ =	shalt  }
0x64: {  	_ =	shalt  }
0x65: {  	_ =	shalt  }
0x66: {  	_ =	shalt  }
0x67: {  	_ =	shalt  }
0x68: {  	_ =	shalt  }
0x69: {  	_ =	shalt  }
0x6a: {  	_ =	shalt  }
0x6b: {  	_ =	shalt  }
0x6c: {  	_ =	shalt  }
0x6d: {  	_ =	shalt  }
0x6e: {  	_ =	shalt  }
0x6f: {  	_ =	shalt  }
0x70: {  	_ =	shalt  }
0x71: {  	_ =	shalt  }
0x72: {  	_ =	shalt  }
0x73: {  	_ =	shalt  }
0x74: {  	_ =	shalt  }
0x75: {  	_ =	shalt  }
0x76: {  	_ =	shalt  }
0x77: {  	_ =	shalt  }
0x78: {  	_ =	shalt  }
0x79: {  	_ =	shalt  }
0x7a: {  	_ =	shalt  }
0x7b: {  	_ =	shalt  }
0x7c: {  	_ =	shalt  }
0x7d: {  	_ =	shalt  }
0x7e: {  	_ =	shalt  }
0x7f: {  	_ =	shalt  }
0x80: {  	_ =	shalt  }
0x81: {  	_ =	shalt  }
0x82: {  	_ =	shalt  }
0x83: {  	_ =	shalt  }
0x84: {  	_ =	shalt  }
0x85: {  	_ =	shalt  }
0x86: {  	_ =	shalt  }
0x87: {  	_ =	shalt  }
.Lfunc_end0:
.L_simem_size_0:
called_computation_lowered:
.L_overlay_start_0:
0x88: {  	s2 =	sld [smem:$0x3FD9]  }
0x89: {  	s3 =	sld [smem:$0x3FFE];
	_ =	sdelay $0x1  }
0x8a: {  	s1 =	srdreg.scid  }
0x8b: {  	s0 =	sand.u32 $0x1, s1  }
0x8c: {  	s17 =	sshll.u32 s0, $0xA;
	s2 =	sadd.s32 s3, s2  }
0x8d: {  	s2 =	sadd.s32 s2, s17  }
0x8e: {  	[smem:$0x3FBE] =	sst s2  }
0x8f: {  	_ = 	snop  }
0x90: {  	s2 =	sld [smem:$0x3FD0];
	(tm) =	ssettm $0x1  }
0x91: {  	s18 =	sld [smem:$0x3FFB];
	_ =	sdelay $0x3  }
0x92: {  	_ =	strace s18  }
0x93: {  	s3 =	sld [smem:$0x3FFC];
	_ =	sdelay $0x3  }
0x94: {  	_ =	strace s3  }
0x95: {  	s3 =	sld [smem:$0x3FFD];
	_ =	sdelay $0x3  }
0x96: {  	_ =	strace s3  }
0x97: {  	_ =	strace $0x8FFFFFFF  }
0x98: {  	s19 =	sld [smem:$0x3FDB];
	_ =	sdelay $0x1  }
0x99: {  	s4 =	simm.s32 $_scs_section_size  }
0x9a: {  	s5 =	simm.s32 $_size__tile_overlayer_lowered;
	s6 =	simm.s32 $_tile_overlayer_lowered  }
0x9b: {  	s22 =	simm.s32 $0x1BFF;
	s21 =	sshll.u32 s6, $0x1;
	s3 =	sadd.s32 s4, s19  }
0x9c: {  	s7 =	simm.s32 $0x0;
	s20 =	sshll.u32 s5, $0x1;
	s5 =	sadd.s32 s21, s3  }
0x9d: {  	[timem:s7], [sflag:s22] =	dma.local [hbm:s5], s20  }
0x9e: {  	_ =	swait.ge [sflag:s22], s20  }
0x9f: {  	s4 =	ssub.s32 $0x0, s20;
	[sflag:s22] =	ssyncset.done $0x0  }
0xa0: {  	[sflag:s22] =	ssyncadd.s32 s4;
	_ =	sdelay $0x1  }
0xa1: {  	s23 =	simm.s32 $0x1B8B  }
0xa2: {  	_ =	swait.ge [sflag:s23], $0x1  }
0xa3: {  	[sflag:s23] =	ssyncset.done $0x0  }
0xa4: {  	s25 =	simm.s32 $0x1B8E;
	s24 =	sld [smem:$0x3FFE];
	[sflag:s23] =	ssyncadd.s32 $0xFFFFFFFF  }
0xa5: {  	s26 =	simm.s32 $execute0_lowered;
	[smem:$0x3FD2] =	sst s25  }
0xa6: {  	s5 =	sshll.u32 s26, $0x1;
	_ =	strace $0x80000046;
	[dreg:$0x1] =	wrdreg $0xFFFFFFFF  }
0xa7: {  	s28 =	simm.s32 $_size_execute0_lowered;
	s3 =	sadd.s32 s3, s5;
	[dreg:$0x0] =	wrdreg $0x0  }
0xa8: {  	s5 =	sshll.u32 s28, $0x1;
	[dreg:$0x2] =	wrdreg s3  }
0xa9: {  	[dreg:$0x3] =	wrdreg s5  }
0xaa: {  	[dreg:$0x4] =	wrdreg $0xC0  }
0xab: {  	_ =	task [dreg:s7], $0x5FFFF  }
0xac: {  	[dreg:$0x1] =	wrdreg $0xFFFFFFFF  }
0xad: {  	[dreg:$0x0] =	wrdreg $0x60  }
0xae: {  	[dreg:$0x2] =	wrdreg s24  }
0xaf: {  	[dreg:$0x3] =	wrdreg s2  }
0xb0: {  	[dreg:$0x4] =	wrdreg $0xA9000  }
0xb1: {  	[dreg:$0x5] =	wrdreg $0x9  }
0xb2: {  	_ =	task.clear_ibuf [dreg:s7], $0x6FFFF;
	_ =	strace $0x90000046  }
0xb3: {  	s29 =	simm.s32 $0x9;
	_ =	strace $0x80000048  }
0xb4: {  	_ =	swait.ge [sflag:s29], $0x1  }
0xb5: {  	[sflag:s29] =	ssyncadd.s32 $0xFFFFFFFF  }
0xb6: {  	_ =	strace $0x90000048  }
0xb7: {  	_ =	sfence  }
0xb8: {  	s30 =	sld [smem:$0x0];
	_ =	sdelay $0x2  }
0xb9: {  	s31 =	sshll.u32 s1, $0xD;
	s1 =	sshrl.u32 s1, $0x2  }
0xba: {  	s3 =	sand.u32 $0x4000, s31;
	s1 =	sadd.s32 s1, s30  }
0xbb: {  	s0 =	sor.u32 s3, s0;
	s1 =	sshll.u32 s1, $0x11  }
0xbc: {  	s0 =	sor.u32 s1, s0  }
0xbd: {  	s0 =	sadd.s32 $0x8F2B, s0  }
0xbe: {  	[sflag:s0] =	ssyncadd.remote.s32 $0x1  }
0xbf: {  	_ =	sfence.sel $0xFFFF  }
0xc0: {  	[dreg:$0x0] =	wrdreg $0xFFFFFFFF;
	(pc) =	sbr.abs _section_cstart, $3  }
0xc1: {  	[dreg:$0x1] =	wrdreg $0xFFFFFFFF  }
0xc2: {  	_ =	task.clear_ibuf [dreg:s7], $0x2FFFF;
	_ =	strace $0x9FFFFFFF  }
0xc3: {  	(tm) =	ssettm $0x7FFFFFFF  }
tec
execute0_lowered:
.L_overlay_start_1:
0x0: {  	(tag) =	ssettag $0x1  }
0x1: {  	s0 =	rddreg [dreg:$0x0]  }
0x2: {  	s1 =	rddreg [dreg:$0x1]  }
0x3: {  	s2 =	rddreg [dreg:$0x2];
	s3 =	simm.s32 $0x0  }
0x4: {  	s14 =	srdreg.scid;
	s13 =	stileid.u32;
	s28 =	simm.s32 $0x2880  }
0x5: {  	s29 =	simm.s32 $0x2A00;
	s30 =	simm.s32 $0x1;
	s31 =	simm.s32 $0x50  }
0x6: {  	[smem:$0x7FF] =	sst s3;
	s4 =	sadd.s32 $0xBC00, s0;
	s6 =	sadd.s32 $0x1E00, s0  }
0x7: {  	s7 =	sadd.s32 $0x15C00, s0;
	s8 =	sadd.s32 $0x16200, s0;
	s3 =	sand.u32 $0x1, s14  }
0x8: {  	s5 =	sadd.s32 $0x15A00, s0;
	s9 =	sshll.u32 s13, $0x1;
	s10 =	smul.u32 $0x13C00, s13  }
0x9: {  	s11 =	sshrl.u32 s13, $0x2;
	s12 =	sadd.s32 $0x16E00, s0;
	s14 =	sadd.s32 $0x16800, s0  }
0xa: {  	s18 =	smul.u32 $0x4F000, s13;
	_ =	strace $0x80000047;
	[dreg:$0x4] =	wrdreg s5  }
0xb: {  	s13 =	simm.s32 $0xA;
	s15 =	smul.u32 $0x13C000, s3;
	[dreg:$0x5] =	wrdreg s12  }
0xc: {  	s9 =	sor.u32 s3, s9;
	s11 =	smul.u32 $0x13C00, s11;
	[dreg:$0x6] =	wrdreg s14  }
0xd: {  	s3 =	ssub.s32 $0x2, s3;
	s14 =	simm.s32 $0x4;
	s12 =	simm.s32 $0x0  }
0xe: {  	s16 =	sshll.u32 s9, $0x7;
	s9 =	smul.u32 $0x2710, s9;
	s19 =	sshrl.u32 s3, $0x1  }
0xf: {  	s20 =	sshrl.u32 s18, $0x2;
	s5 =	sadd.s32 s10, s15;
	s17 =	sand.u32 $0x380, s16  }
0x10: {  	s3 =	ssub.s32 s3, s19;
	s15 =	simm.s32 $0x2E00;
	s5 =	sshrl.u32 s5, $0x3  }
0x11: {  	s10 =	sor.u32 s11, s17;
	s21 =	sshrl.u32 s9, $0x3;
	s17 =	sadd.s32 $0xA0, s9  }
0x12: {  	s18 =	sadd.s32 $0xF0, s9;
	s19 =	sadd.s32 $0x140, s9;
	s26 =	smax.u32 s3, $0x1  }
0x13: {  	s3 =	simm.s32 $0x7;
	s10 =	sshrl.u32 s10, $0x3;
	s5 =	sadd.s32 s5, s0  }
0x14: {  	s22 =	sadd.s32 s4, s21;
	s23 =	sadd.s32 $0xA, s21;
	[dreg:$0xe] =	wrdreg s26  }
0x15: {  	s11 =	sadd.s32 s6, s21;
	s21 =	simm.s32 $0x2E80;
	[dreg:$0x8] =	wrdreg s22  }
0x16: {  	s0 =	sadd.s32 s10, s0;
	s10 =	sadd.s32 s20, s2;
	[dreg:$0x9] =	wrdreg s11  }
0x17: {  	s24 =	sadd.s32 s4, s23;
	s25 =	sadd.s32 $0x23400, s5;
	s11 =	simm.s32 $0x5900  }
.Ltmp0:
0x18: {  	s20 =	simm.s32 $0x5;
	[dreg:$0x7] =	wrdreg s10;
	(pc) =	sbr.rel .LBB2_1-.Ltmp0, $4  }
0x19: {  	s5 =	simm.s32 $0x2F00;
	[dreg:$0xa] =	wrdreg s24;
	s10 =	sadd.s32 s6, s23  }
0x1a: {  	s0 =	sadd.s32 $0x19600, s0;
	[dreg:$0xd] =	wrdreg s25;
	s24 =	simm.s32 $0x80  }
0x1b: {  	s25 =	simm.s32 $0x2800;
	s23 =	simm.s32 $0x6;
	[dreg:$0xb] =	wrdreg s10  }
0x1c: {  	[dreg:$0xc] =	wrdreg s0;
	s0 =	simm.s32 $0x3100;
	s10 =	simm.s32 $0x2  }
.LBB2_10:
0x1d: {  	s9 =	simm.s32 $0x9  }
0x1e: {  	_ =	swait.ge [sflag:s9], $0x2800  }
0x1f: {  	[sflag:s9] =	ssyncset.done $0x0  }
0x20: {  	[sflag:s9] =	ssyncadd.s32 $0xFFFFD800  }
0x21: {  	_ =	swait.ge [sflag:s3], $0x2800  }
0x22: {  	[sflag:s3] =	ssyncset.done $0x0  }
0x23: {  	s13 =	simm.s32 $0x8;
	[sflag:s3] =	ssyncadd.s32 $0xFFFFD800  }
0x24: {  	_ =	swait.ge [sflag:s13], $0x2800  }
0x25: {  	s12 =	simm.s32 $0x400;
	[sflag:s13] =	ssyncset.done $0x0  }
0x26: {  	s16 =	rddreg [dreg:$0xc];
	[sflag:s13] =	ssyncadd.s32 $0xFFFFD800;
	s13 =	simm.s32 $0xA  }
0x27: {  	[hbm4b:s16+s24] =	stream.strided.scatter [tilespmem:s24], [sflag:$0xA], $0x2780, s12, s24, $0x38;
	[tilespmem:$0x1E500] =	vst v63  }
0x28: {  	_ =	swait.ge [sflag:s13], $0x2780  }
0x29: {  	[sflag:s13] =	ssyncset.done $0x0  }
0x2a: {  	[sflag:s13] =	ssyncadd.s32 $0xFFFFD880  }
0x2b: {  	[bflag:$0x0] =	sbarrier.arrive $0xFFFF  }
0x2c: {  	s22 =	rddreg [dreg:$0xd]  }
0x2d: {  	s26 =	rddreg [dreg:$0x10]  }
0x2e: {  	s16 =	rddreg [dreg:$0x11]  }
0x2f: {  	[hbm:s22], [sflag:s26] =	dma.local [spmem:s16], $0x2780  }
0x30: {  	_ =	swait.ge [sflag:s13], $0x2780  }
0x31: {  	s22 =	rddreg [dreg:$0xf]  }
0x32: {  	s26 =	rddreg [dreg:$0xe];
	s12 =	sadd.s32 $0x1, s22  }
0x33: {  	p0 =	sne.s32 s12, s26  }
.Ltmp1:
0x34: {  	_ = 	snop;
	(pc) =	sbr.rel @!p0 .LBB2_11-.Ltmp1, $3  }
0x35: {  	_ =	sdelay $0x1  }
0x36: {  	[sflag:s13] =	ssyncset.done $0x0  }
0x37: {  	[sflag:s13] =	ssyncadd.s32 $0xFFFFD880  }
.LBB2_1:
0x38: {  	[dreg:$0xf] =	wrdreg s12  }
0x39: {  	s12 =	simm.s32 $0x0;
	s9 =	rddreg [dreg:$0x4]  }
0x3a: {  	[tilespmem:s12], [sflag:$0xA] =	stream.linear.gather [hbm4b:s9+s12], $0x80, $0x38;
	[tilespmem:$0x1E500] =	vst v63  }
0x3b: {  	s16 =	stileid.u32;
	_ =	swait.ge [sflag:s13], $0x80  }
0x3c: {  	s9 =	sshll.u32 s16, $0x6;
	[sflag:s13] =	ssyncset.done $0x0  }
0x3d: {  	s16 =	sor.u32 $0x1C0A, s9;
	s26 =	rddreg [dreg:$0x6];
	[sflag:s13] =	ssyncadd.s32 $0xFFFFFF80  }
0x3e: {  	[tilespmem:s24], [sflag:$0xA] =	stream.linear.gather [hbm4b:s26+s12], $0x2780, $0x38;
	[tilespmem:$0x1E500] =	vst v63  }
0x3f: {  	_ =	swait.ge [sflag:s13], $0x2780;
	[dreg:$0x10] =	wrdreg s16  }
0x40: {  	s22 =	rddreg [dreg:$0x7]  }
0x41: {  	[sflag:s13] =	ssyncset.done $0x0;
	s26 =	rddreg [dreg:$0x5];
	s22 =	sshrl.u32 s22, $0x3  }
0x42: {  	[sflag:s13] =	ssyncadd.s32 $0xFFFFD880;
	[dreg:$0x11] =	wrdreg s22  }
0x43: {  	[spmem:s22], [sflag:s16] =	dma.local [hbm:s26], $0x2780  }
0x44: {  	_ =	swait.ge [sflag:s13], $0x2780  }
0x45: {  	[sflag:s13] =	ssyncset.done $0x0  }
0x46: {  	[sflag:s13] =	ssyncadd.s32 $0xFFFFD880  }
0x47: {  	[bflag:$0x0] =	sbarrier.arrive $0xFFFF  }
0x48: {  	s16 =	rddreg [dreg:$0x8]  }
0x49: {  	v0 =	vld [tilespmem:$0x0];
	[tilespmem:s25], [sflag:$0x1] =	stream.linear.gather [hbm4b:s16+s12], $0x50, $0x38  }
0x4a: {  	s13 =	simm.s32 $0x2980;
	s22 =	rddreg [dreg:$0x9]  }
0x4b: {  	[tilespmem:s13], [sflag:$0x1] =	stream.linear.gather [hbm4b:s22+s12], $0x50, $0x38;
	[tilespmem:$0x1E500] =	vst v63  }
0x4c: {  	s26 =	rddreg [dreg:$0xa]  }
0x4d: {  	[tilespmem:s28], [sflag:$0x2] =	stream.linear.gather [hbm4b:s26+s12], $0x50, $0x38;
	[tilespmem:$0x1E500] =	vst v63  }
0x4e: {  	s16 =	rddreg [dreg:$0xb]  }
0x4f: {  	[tilespmem:s29], [sflag:$0x2] =	stream.linear.gather [hbm4b:s16+s12], $0x50, $0x38;
	[tilespmem:$0x1E500] =	vst v63  }
0x50: {  	_ =	swait.ge [sflag:s30], $0x50  }
0x51: {  	[sflag:s30] =	ssyncset.done $0x0  }
0x52: {  	[sflag:s30] =	ssyncadd.s32 $0xFFFFFFB0  }
0x53: {  	_ =	swait.ge [sflag:s30], $0x50  }
0x54: {  	[sflag:s30] =	ssyncset.done $0x0  }
0x55: {  	[sflag:s30] =	ssyncadd.s32 $0xFFFFFFB0  }
0x56: {  	[tilespmem:s0], [sflag:$0x4] =	stream.indirect.gather [hbm4b:s1+s31], $0x80, s25, s31, $0xb8;
	[tilespmem:$0x1E500] =	vst v63  }
0x57: {  	s22 =	simm.s32 $0x2B00  }
0x58: {  	[tilespmem:s22], [sflag:$0x4] =	stream.indirect.gather [hbm4b:s7+s31], $0x1, s25, s31, $0xb8;
	[tilespmem:$0x1E500] =	vst v63  }
0x59: {  	s9 =	simm.s32 $0x0;
	s26 =	simm.s32 $0x2C80  }
0x5a: {  	[tilespmem:s26], [sflag:$0x4] =	stream.indirect.gather [hbm4b:s8+s31], $0x1, s13, s31, $0xb8;
	[tilespmem:$0x1E500] =	vst v63  }
.LBB2_2:
0x5b: {  	p0 =	seq.s32 s9, $0x29  }
0x5c: {  	s12 =	smul.u32 @!p0 $0xF0, s9;
	_ =	sdelay $0x1  }
0x5d: {  	s13 =	sadd.s32 @!p0 s12, s17  }
0x5e: {  	s13 =	sshrl.u32 @!p0 s13, $0x3  }
0x5f: {  	s22 =	simm.s32 @!p0 $0x0;
	s26 =	simm.s32 @!p0 $0x2900;
	s16 =	sadd.s32 @!p0 s4, s13  }
0x60: {  	[tilespmem:s26], [sflag:$0x3] =	stream.linear.gather @!p0 [hbm4b:s16+s22], $0x50, $0x38;
	[tilespmem:$0x1E500] =	vst v63  }
0x61: {  	s13 =	sadd.s32 @!p0 s6, s13;
	s16 =	simm.s32 @!p0 $0x2A80  }
0x62: {  	[tilespmem:s16], [sflag:$0x3] =	stream.linear.gather @!p0 [hbm4b:s13+s22], $0x50, $0x38;
	[tilespmem:$0x1E500] =	vst v63  }
0x63: {  	_ =	swait.ge [sflag:s10], $0x50  }
0x64: {  	[sflag:s10] =	ssyncset.done $0x0  }
0x65: {  	[sflag:s10] =	ssyncadd.s32 $0xFFFFFFB0  }
0x66: {  	_ =	swait.ge [sflag:s10], $0x50  }
0x67: {  	p1 =	seq.s32 s9, $0x0;
	[sflag:s10] =	ssyncset.done $0x0  }
0x68: {  	s13 =	simm.s32 @!p1 $0x8;
	[sflag:s10] =	ssyncadd.s32 $0xFFFFFFB0  }
0x69: {  	_ =	swait.ge @!p1 [sflag:s13], $0x2800  }
0x6a: {  	[sflag:s13] =	ssyncset.done @!p1 $0x0  }
0x6b: {  	[sflag:s13] =	ssyncadd.s32 @!p1 $0xFFFFD800  }
0x6c: {  	[tilespmem:s11], [sflag:$0x5] =	stream.indirect.gather [hbm4b:s1+s31], $0x80, s28, s31, $0xb8;
	[tilespmem:$0x1E500] =	vst v63  }
0x6d: {  	s16 =	simm.s32 $0x2B80  }
0x6e: {  	[tilespmem:s16], [sflag:$0x5] =	stream.indirect.gather [hbm4b:s7+s31], $0x1, s28, s31, $0xb8;
	[tilespmem:$0x1E500] =	vst v63  }
0x6f: {  	s22 =	simm.s32 $0x2D00  }
0x70: {  	[tilespmem:s22], [sflag:$0x5] =	stream.indirect.gather [hbm4b:s8+s31], $0x1, s29, s31, $0xb8;
	[tilespmem:$0x1E500] =	vst v63  }
0x71: {  	_ =	swait.ge [sflag:s14], $0x2800  }
0x72: {  	[sflag:s14] =	ssyncset.done $0x0  }
0x73: {  	[sflag:s14] =	ssyncadd.s32 $0xFFFFD800  }
0x74: {  	_ =	swait.ge [sflag:s14], $0x50  }
0x75: {  	[sflag:s14] =	ssyncset.done $0x0  }
0x76: {  	[sflag:s14] =	ssyncadd.s32 $0xFFFFFFB0  }
0x77: {  	_ =	swait.ge [sflag:s14], $0x50  }
0x78: {  	[sflag:s14] =	ssyncset.done $0x0  }
0x79: {  	[sflag:s14] =	ssyncadd.s32 $0xFFFFFFB0  }
0x7a: {  	v1 =	vld [tilespmem:$0x2B00]  }
0x7b: {  	v2 =	vld [tilespmem:$0x2C80];
	_ =	sdelay $0x4  }
0x7c: {  	v1 =	vadd.f32 v2, v1;
	_ =	sdelay $0x1  }
0x7d: {  	v2 =	vmul.f32 $2.000000030e-01, v1;
	_ =	sdelay $0x1  }
0x7e: {  	v1 =	vmax.f32 v1, v2  }
0x7f: {  	v1 =	vsub.f32 v1, v0;
	_ =	sdelay $0x1  }
0x80: {  	v1 =	vmul.f32 $1.442695020e+00, v1;
	_ =	sdelay $0x1  }
0x81: {  	(erf) = vpow2.f32 v1;
	_ =	sdelay $0x2  }
0x82: {  	v1 =	vld [tilespmem:$0x2980];
	_ =	sdelay $0x5  }
0x83: {  	[tilespmem:$0x2F80] =	vst v1;
	v2 =	vpop (erf)  }
0x84: {  	[tilespmem:$0x2E00] =	vst v2  }
0x85: {  	[tilespmem:v1+s24+$0x0] =	vst.idx.add.f32.msk $0xffff, v2  }
0x86: {  	v1 =	vld [tilespmem:$0x2B10]  }
0x87: {  	v2 =	vld [tilespmem:$0x2C90];
	_ =	sdelay $0x4  }
0x88: {  	v1 =	vadd.f32 v2, v1;
	_ =	sdelay $0x1  }
0x89: {  	v2 =	vmul.f32 $2.000000030e-01, v1;
	_ =	sdelay $0x1  }
0x8a: {  	v1 =	vmax.f32 v1, v2  }
0x8b: {  	v1 =	vsub.f32 v1, v0;
	_ =	sdelay $0x1  }
0x8c: {  	v1 =	vmul.f32 $1.442695020e+00, v1;
	_ =	sdelay $0x1  }
0x8d: {  	(erf) = vpow2.f32 v1;
	_ =	sdelay $0x2  }
0x8e: {  	v1 =	vld [tilespmem:$0x2990];
	_ =	sdelay $0x5  }
0x8f: {  	[tilespmem:$0x2F90] =	vst v1;
	v2 =	vpop (erf)  }
0x90: {  	[tilespmem:$0x2E10] =	vst v2  }
0x91: {  	[tilespmem:v1+s24+$0x0] =	vst.idx.add.f32.msk $0xffff, v2  }
0x92: {  	v1 =	vld [tilespmem:$0x2B20]  }
0x93: {  	v2 =	vld [tilespmem:$0x2CA0];
	_ =	sdelay $0x4  }
0x94: {  	v1 =	vadd.f32 v2, v1;
	_ =	sdelay $0x1  }
0x95: {  	v2 =	vmul.f32 $2.000000030e-01, v1;
	_ =	sdelay $0x1  }
0x96: {  	v1 =	vmax.f32 v1, v2  }
0x97: {  	v1 =	vsub.f32 v1, v0;
	_ =	sdelay $0x1  }
0x98: {  	v1 =	vmul.f32 $1.442695020e+00, v1;
	_ =	sdelay $0x1  }
0x99: {  	(erf) = vpow2.f32 v1;
	_ =	sdelay $0x2  }
0x9a: {  	v1 =	vld [tilespmem:$0x29A0];
	_ =	sdelay $0x5  }
0x9b: {  	[tilespmem:$0x2FA0] =	vst v1;
	v2 =	vpop (erf)  }
0x9c: {  	[tilespmem:$0x2E20] =	vst v2  }
0x9d: {  	[tilespmem:v1+s24+$0x0] =	vst.idx.add.f32.msk $0xffff, v2  }
0x9e: {  	v1 =	vld [tilespmem:$0x2B30]  }
0x9f: {  	v2 =	vld [tilespmem:$0x2CB0];
	_ =	sdelay $0x4  }
0xa0: {  	v1 =	vadd.f32 v2, v1;
	_ =	sdelay $0x1  }
0xa1: {  	v2 =	vmul.f32 $2.000000030e-01, v1;
	_ =	sdelay $0x1  }
0xa2: {  	v1 =	vmax.f32 v1, v2  }
0xa3: {  	v1 =	vsub.f32 v1, v0;
	_ =	sdelay $0x1  }
0xa4: {  	v1 =	vmul.f32 $1.442695020e+00, v1;
	_ =	sdelay $0x1  }
0xa5: {  	(erf) = vpow2.f32 v1;
	_ =	sdelay $0x2  }
0xa6: {  	v1 =	vld [tilespmem:$0x29B0];
	_ =	sdelay $0x5  }
0xa7: {  	[tilespmem:$0x2FB0] =	vst v1;
	v2 =	vpop (erf)  }
0xa8: {  	[tilespmem:$0x2E30] =	vst v2  }
0xa9: {  	[tilespmem:v1+s24+$0x0] =	vst.idx.add.f32.msk $0xffff, v2  }
0xaa: {  	v1 =	vld [tilespmem:$0x2B40]  }
0xab: {  	v2 =	vld [tilespmem:$0x2CC0];
	_ =	sdelay $0x4  }
0xac: {  	v1 =	vadd.f32 v2, v1;
	_ =	sdelay $0x1  }
0xad: {  	v2 =	vmul.f32 $2.000000030e-01, v1;
	_ =	sdelay $0x1  }
0xae: {  	v1 =	vmax.f32 v1, v2  }
0xaf: {  	v1 =	vsub.f32 v1, v0;
	_ =	sdelay $0x1  }
0xb0: {  	v1 =	vmul.f32 $1.442695020e+00, v1;
	_ =	sdelay $0x1  }
0xb1: {  	(erf) = vpow2.f32 v1;
	_ =	sdelay $0x2  }
0xb2: {  	v1 =	vld [tilespmem:$0x29C0];
	_ =	sdelay $0x5  }
0xb3: {  	s26 =	simm.s32 $0x0;
	[tilespmem:$0x2FC0] =	vst v1;
	v2 =	vpop (erf)  }
0xb4: {  	v3 =	vmov s26;
	[tilespmem:$0x2E40] =	vst v2  }
0xb5: {  	s13 =	simm.s32 $0x3140;
	[tilespmem:v1+s24+$0x0] =	vst.idx.add.f32.msk $0xffff, v2  }
0xb6: {  	v5 =	vld [tilespmem:s13+$0x30]  }
0xb7: {  	v8 =	vld [tilespmem:s13+$0x10]  }
0xb8: {  	v6 =	vld [tilespmem:s13+$0xFFFFFFC0]  }
0xb9: {  	v2 =	vld.idx.msk [tilespmem:v3+s15+$0x0], $0xffff  }
0xba: {  	v10 =	vld [tilespmem:s13+$0xFFFFFFE0]  }
0xbb: {  	v1 =	vld [tilespmem:s13+$0xFFFFFFF0]  }
0xbc: {  	v3 =	vld [tilespmem:s13+$0x20]  }
0xbd: {  	v4 =	vld [tilespmem:s13+$0xFFFFFFD0]  }
0xbe: {  	v9 =	vmul.f32 v5, v2;
	v5 =	vld [tilespmem:s13+$0x0]  }
0xbf: {  	v7 =	vmul.f32 v6, v2  }
0xc0: {  	s16 =	simm.s32 $0x1;
	s22 =	simm.s32 $0x3140;
	v6 =	vmul.f32 v10, v2;
	v8 =	vmul.f32 v8, v2  }
.LBB2_3:
0xc1: {  	p1 =	sne.s32 s16, $0x4F  }
0xc2: {  	v4 =	vmul.f32 v4, v2;
	v3 =	vmul.f32 v3, v2;
	[tilespmem:s13+$0x30] =	vst v9;
	s22 =	sadd.s32 $0x80, s22;
	s26 =	smov.u32 s16;
	s16 =	sadd.s32 $0x1, s16  }
0xc3: {  	[tilespmem:s13+$0xFFFFFFC0] =	vst v7;
	v7 =	vmul.f32 v1, v2;
	v2 =	vmul.f32 v5, v2  }
0xc4: {  	[tilespmem:s13+$0x10] =	vst v8  }
0xc5: {  	v5 =	vmov s26;
	[tilespmem:s13+$0xFFFFFFE0] =	vst v6  }
0xc6: {  	v1 =	vld [tilespmem:s22+$0xFFFFFFF0];
	[tilespmem:s13+$0xFFFFFFF0] =	vst v7  }
0xc7: {  	v6 =	vld [tilespmem:s22+$0x30];
	[tilespmem:s13+$0x0] =	vst v2  }
0xc8: {  	v8 =	vld [tilespmem:s22+$0x10];
	[tilespmem:s13+$0x20] =	vst v3  }
0xc9: {  	v7 =	vld [tilespmem:s22+$0xFFFFFFC0];
	[tilespmem:s13+$0xFFFFFFD0] =	vst v4;
	s13 =	smov.u32 s22  }
0xca: {  	v2 =	vld.idx.msk [tilespmem:v5+s15+$0x0], $0xffff  }
0xcb: {  	v10 =	vld [tilespmem:s22+$0xFFFFFFE0]  }
0xcc: {  	v3 =	vld [tilespmem:s22+$0x20]  }
.Ltmp2:
0xcd: {  	v4 =	vld [tilespmem:s22+$0xFFFFFFD0];
	(pc) =	sbr.rel @p1 .LBB2_3-.Ltmp2, $3  }
0xce: {  	v5 =	vld [tilespmem:s22+$0x0];
	_ =	sdelay $0x1  }
0xcf: {  	v7 =	vmul.f32 v7, v2;
	v9 =	vmul.f32 v6, v2  }
0xd0: {  	v8 =	vmul.f32 v8, v2;
	v6 =	vmul.f32 v10, v2  }
0xd1: {  	[tilespmem:s13+$0x30] =	vst v9  }
0xd2: {  	[tilespmem:s13+$0xFFFFFFC0] =	vst v7  }
0xd3: {  	v1 =	vmul.f32 v1, v2;
	[tilespmem:s13+$0x10] =	vst v8  }
0xd4: {  	v3 =	vmul.f32 v3, v2;
	[tilespmem:s13+$0xFFFFFFE0] =	vst v6  }
0xd5: {  	v5 =	vmul.f32 v5, v2;
	[tilespmem:s13+$0xFFFFFFF0] =	vst v1  }
0xd6: {  	v1 =	vmul.f32 v4, v2;
	[tilespmem:s13+$0x20] =	vst v3  }
0xd7: {  	s12 =	sadd.s32 @!p0 s12, s18;
	[tilespmem:s13+$0x0] =	vst v5  }
0xd8: {  	s22 =	simm.s32 $0x2F80;
	s12 =	sshrl.u32 @!p0 s12, $0x3;
	[tilespmem:s13+$0xFFFFFFD0] =	vst v1  }
0xd9: {  	[spmem:s2] =	stream.indirect.scatter.add.f32 [tilespmem:s0], [sflag:$0x7], $0x80, s22, s31, $0xb8;
	[tilespmem:$0x1E500] =	vst v63  }
0xda: {  	s16 =	simm.s32 @!p0 $0x0;
	s13 =	sadd.s32 @!p0 s4, s12;
	s22 =	simm.s32 @!p0 $0x2800  }
0xdb: {  	[tilespmem:s22], [sflag:$0x1] =	stream.linear.gather @!p0 [hbm4b:s13+s16], $0x50, $0x38;
	[tilespmem:$0x1E500] =	vst v63  }
0xdc: {  	s12 =	sadd.s32 @!p0 s6, s12;
	s13 =	simm.s32 @!p0 $0x2980  }
0xdd: {  	[tilespmem:s13], [sflag:$0x1] =	stream.linear.gather @!p0 [hbm4b:s12+s16], $0x50, $0x38;
	[tilespmem:$0x1E500] =	vst v63  }
0xde: {  	s12 =	simm.s32 @!p0 $0x3  }
0xdf: {  	_ =	swait.ge @!p0 [sflag:s12], $0x50  }
0xe0: {  	[sflag:s12] =	ssyncset.done @!p0 $0x0  }
0xe1: {  	[sflag:s12] =	ssyncadd.s32 @!p0 $0xFFFFFFB0  }
0xe2: {  	p1 =	seq.s32 @!p0 s9, $0x0;
	_ =	swait.ge @!p0 [sflag:s12], $0x50  }
0xe3: {  	p1 =	por p1, p0;
	[sflag:s12] =	ssyncset.done @!p0 $0x0  }
0xe4: {  	[sflag:s12] =	ssyncadd.s32 @!p0 $0xFFFFFFB0;
	s12 =	simm.s32 @!p1 $0x9  }
0xe5: {  	_ =	swait.ge @!p1 [sflag:s12], $0x2800  }
0xe6: {  	s13 =	simm.s32 @!p0 $0x2900;
	[sflag:s12] =	ssyncset.done @!p1 $0x0  }
0xe7: {  	s16 =	simm.s32 @!p0 $0x8100;
	[sflag:s12] =	ssyncadd.s32 @!p1 $0xFFFFD800;
	s12 =	simm.s32 @!p0 $0x50  }
0xe8: {  	[tilespmem:s16], [sflag:$0x6] =	stream.indirect.gather @!p0 [hbm4b:s1+s12], $0x80, s13, s12, $0xb8;
	[tilespmem:$0x1E500] =	vst v63  }
0xe9: {  	s16 =	simm.s32 @!p0 $0x2C00  }
0xea: {  	[tilespmem:s16], [sflag:$0x6] =	stream.indirect.gather @!p0 [hbm4b:s7+s12], $0x1, s13, s12, $0xb8;
	[tilespmem:$0x1E500] =	vst v63  }
0xeb: {  	s13 =	simm.s32 @!p0 $0x2A80;
	s16 =	simm.s32 @!p0 $0x2D80  }
0xec: {  	[tilespmem:s16], [sflag:$0x6] =	stream.indirect.gather @!p0 [hbm4b:s8+s12], $0x1, s13, s12, $0xb8;
	[tilespmem:$0x1E500] =	vst v63  }
0xed: {  	_ =	swait.ge [sflag:s20], $0x2800  }
0xee: {  	[sflag:s20] =	ssyncset.done $0x0  }
0xef: {  	[sflag:s20] =	ssyncadd.s32 $0xFFFFD800  }
0xf0: {  	_ =	swait.ge [sflag:s20], $0x50  }
0xf1: {  	[sflag:s20] =	ssyncset.done $0x0  }
0xf2: {  	[sflag:s20] =	ssyncadd.s32 $0xFFFFFFB0  }
0xf3: {  	_ =	swait.ge [sflag:s20], $0x50  }
0xf4: {  	[sflag:s20] =	ssyncset.done $0x0  }
0xf5: {  	[sflag:s20] =	ssyncadd.s32 $0xFFFFFFB0  }
0xf6: {  	v1 =	vld [tilespmem:$0x2B80]  }
0xf7: {  	v2 =	vld [tilespmem:$0x2D00];
	_ =	sdelay $0x4  }
0xf8: {  	v1 =	vadd.f32 v2, v1;
	_ =	sdelay $0x1  }
0xf9: {  	v2 =	vmul.f32 $2.000000030e-01, v1;
	_ =	sdelay $0x1  }
0xfa: {  	v1 =	vmax.f32 v1, v2  }
0xfb: {  	v1 =	vsub.f32 v1, v0;
	_ =	sdelay $0x1  }
0xfc: {  	v1 =	vmul.f32 $1.442695020e+00, v1;
	_ =	sdelay $0x1  }
0xfd: {  	(erf) = vpow2.f32 v1;
	_ =	sdelay $0x2  }
0xfe: {  	v1 =	vld [tilespmem:$0x2A00];
	_ =	sdelay $0x5  }
0xff: {  	[tilespmem:$0x3000] =	vst v1;
	v2 =	vpop (erf)  }
0x100: {  	[tilespmem:$0x2E80] =	vst v2  }
0x101: {  	[tilespmem:v1+s24+$0x0] =	vst.idx.add.f32.msk $0xffff, v2  }
0x102: {  	v1 =	vld [tilespmem:$0x2B90]  }
0x103: {  	v2 =	vld [tilespmem:$0x2D10];
	_ =	sdelay $0x4  }
0x104: {  	v1 =	vadd.f32 v2, v1;
	_ =	sdelay $0x1  }
0x105: {  	v2 =	vmul.f32 $2.000000030e-01, v1;
	_ =	sdelay $0x1  }
0x106: {  	v1 =	vmax.f32 v1, v2  }
0x107: {  	v1 =	vsub.f32 v1, v0;
	_ =	sdelay $0x1  }
0x108: {  	v1 =	vmul.f32 $1.442695020e+00, v1;
	_ =	sdelay $0x1  }
0x109: {  	(erf) = vpow2.f32 v1;
	_ =	sdelay $0x2  }
0x10a: {  	v1 =	vld [tilespmem:$0x2A10];
	_ =	sdelay $0x5  }
0x10b: {  	[tilespmem:$0x3010] =	vst v1;
	v2 =	vpop (erf)  }
0x10c: {  	[tilespmem:$0x2E90] =	vst v2  }
0x10d: {  	[tilespmem:v1+s24+$0x0] =	vst.idx.add.f32.msk $0xffff, v2  }
0x10e: {  	v1 =	vld [tilespmem:$0x2BA0]  }
0x10f: {  	v2 =	vld [tilespmem:$0x2D20];
	_ =	sdelay $0x4  }
0x110: {  	v1 =	vadd.f32 v2, v1;
	_ =	sdelay $0x1  }
0x111: {  	v2 =	vmul.f32 $2.000000030e-01, v1;
	_ =	sdelay $0x1  }
0x112: {  	v1 =	vmax.f32 v1, v2  }
0x113: {  	v1 =	vsub.f32 v1, v0;
	_ =	sdelay $0x1  }
0x114: {  	v1 =	vmul.f32 $1.442695020e+00, v1;
	_ =	sdelay $0x1  }
0x115: {  	(erf) = vpow2.f32 v1;
	_ =	sdelay $0x2  }
0x116: {  	v1 =	vld [tilespmem:$0x2A20];
	_ =	sdelay $0x5  }
0x117: {  	[tilespmem:$0x3020] =	vst v1;
	v2 =	vpop (erf)  }
0x118: {  	[tilespmem:$0x2EA0] =	vst v2  }
0x119: {  	[tilespmem:v1+s24+$0x0] =	vst.idx.add.f32.msk $0xffff, v2  }
0x11a: {  	v1 =	vld [tilespmem:$0x2BB0]  }
0x11b: {  	v2 =	vld [tilespmem:$0x2D30];
	_ =	sdelay $0x4  }
0x11c: {  	v1 =	vadd.f32 v2, v1;
	_ =	sdelay $0x1  }
0x11d: {  	v2 =	vmul.f32 $2.000000030e-01, v1;
	_ =	sdelay $0x1  }
0x11e: {  	v1 =	vmax.f32 v1, v2  }
0x11f: {  	v1 =	vsub.f32 v1, v0;
	_ =	sdelay $0x1  }
0x120: {  	v1 =	vmul.f32 $1.442695020e+00, v1;
	_ =	sdelay $0x1  }
0x121: {  	(erf) = vpow2.f32 v1;
	_ =	sdelay $0x2  }
0x122: {  	v1 =	vld [tilespmem:$0x2A30];
	_ =	sdelay $0x5  }
0x123: {  	[tilespmem:$0x3030] =	vst v1;
	v2 =	vpop (erf)  }
0x124: {  	[tilespmem:$0x2EB0] =	vst v2  }
0x125: {  	[tilespmem:v1+s24+$0x0] =	vst.idx.add.f32.msk $0xffff, v2  }
0x126: {  	v1 =	vld [tilespmem:$0x2BC0]  }
0x127: {  	v2 =	vld [tilespmem:$0x2D40];
	_ =	sdelay $0x4  }
0x128: {  	v1 =	vadd.f32 v2, v1;
	_ =	sdelay $0x1  }
0x129: {  	v2 =	vmul.f32 $2.000000030e-01, v1;
	_ =	sdelay $0x1  }
0x12a: {  	v1 =	vmax.f32 v1, v2  }
0x12b: {  	v1 =	vsub.f32 v1, v0;
	_ =	sdelay $0x1  }
0x12c: {  	v1 =	vmul.f32 $1.442695020e+00, v1;
	_ =	sdelay $0x1  }
0x12d: {  	(erf) = vpow2.f32 v1;
	_ =	sdelay $0x2  }
0x12e: {  	v1 =	vld [tilespmem:$0x2A40];
	_ =	sdelay $0x5  }
0x12f: {  	s26 =	simm.s32 $0x0;
	[tilespmem:$0x3040] =	vst v1;
	v2 =	vpop (erf)  }
0x130: {  	v3 =	vmov s26;
	[tilespmem:$0x2EC0] =	vst v2  }
0x131: {  	s12 =	simm.s32 $0x5940;
	[tilespmem:v1+s24+$0x0] =	vst.idx.add.f32.msk $0xffff, v2  }
0x132: {  	v5 =	vld [tilespmem:s12+$0x30]  }
0x133: {  	v8 =	vld [tilespmem:s12+$0x10]  }
0x134: {  	v6 =	vld [tilespmem:s12+$0xFFFFFFC0]  }
0x135: {  	v2 =	vld.idx.msk [tilespmem:v3+s21+$0x0], $0xffff  }
0x136: {  	v10 =	vld [tilespmem:s12+$0xFFFFFFE0]  }
0x137: {  	v1 =	vld [tilespmem:s12+$0xFFFFFFF0]  }
0x138: {  	v3 =	vld [tilespmem:s12+$0x20]  }
0x139: {  	v4 =	vld [tilespmem:s12+$0xFFFFFFD0]  }
0x13a: {  	v9 =	vmul.f32 v5, v2;
	v5 =	vld [tilespmem:s12+$0x0]  }
0x13b: {  	v7 =	vmul.f32 v6, v2  }
0x13c: {  	s13 =	simm.s32 $0x1;
	s16 =	simm.s32 $0x5940;
	v6 =	vmul.f32 v10, v2;
	v8 =	vmul.f32 v8, v2  }
.LBB2_5:
0x13d: {  	p1 =	sne.s32 s13, $0x4F  }
0x13e: {  	v4 =	vmul.f32 v4, v2;
	v3 =	vmul.f32 v3, v2;
	[tilespmem:s12+$0x30] =	vst v9;
	s16 =	sadd.s32 $0x80, s16;
	s22 =	smov.u32 s13;
	s13 =	sadd.s32 $0x1, s13  }
0x13f: {  	[tilespmem:s12+$0xFFFFFFC0] =	vst v7;
	v7 =	vmul.f32 v1, v2;
	v2 =	vmul.f32 v5, v2  }
0x140: {  	[tilespmem:s12+$0x10] =	vst v8  }
0x141: {  	v5 =	vmov s22;
	[tilespmem:s12+$0xFFFFFFE0] =	vst v6  }
0x142: {  	v1 =	vld [tilespmem:s16+$0xFFFFFFF0];
	[tilespmem:s12+$0xFFFFFFF0] =	vst v7  }
0x143: {  	v6 =	vld [tilespmem:s16+$0x30];
	[tilespmem:s12+$0x0] =	vst v2  }
0x144: {  	v8 =	vld [tilespmem:s16+$0x10];
	[tilespmem:s12+$0x20] =	vst v3  }
0x145: {  	v7 =	vld [tilespmem:s16+$0xFFFFFFC0];
	[tilespmem:s12+$0xFFFFFFD0] =	vst v4;
	s12 =	smov.u32 s16  }
0x146: {  	v2 =	vld.idx.msk [tilespmem:v5+s21+$0x0], $0xffff  }
0x147: {  	v10 =	vld [tilespmem:s16+$0xFFFFFFE0]  }
0x148: {  	v3 =	vld [tilespmem:s16+$0x20]  }
.Ltmp3:
0x149: {  	v4 =	vld [tilespmem:s16+$0xFFFFFFD0];
	(pc) =	sbr.rel @p1 .LBB2_5-.Ltmp3, $3  }
0x14a: {  	v5 =	vld [tilespmem:s16+$0x0];
	_ =	sdelay $0x1  }
0x14b: {  	v7 =	vmul.f32 v7, v2;
	v9 =	vmul.f32 v6, v2  }
0x14c: {  	v8 =	vmul.f32 v8, v2;
	v6 =	vmul.f32 v10, v2  }
0x14d: {  	[tilespmem:s12+$0x30] =	vst v9  }
0x14e: {  	[tilespmem:s12+$0xFFFFFFC0] =	vst v7  }
0x14f: {  	v1 =	vmul.f32 v1, v2;
	[tilespmem:s12+$0x10] =	vst v8  }
0x150: {  	v3 =	vmul.f32 v3, v2;
	[tilespmem:s12+$0xFFFFFFE0] =	vst v6  }
.Ltmp4:
0x151: {  	v5 =	vmul.f32 v5, v2;
	[tilespmem:s12+$0xFFFFFFF0] =	vst v1;
	(pc) =	sbr.rel @p0 .LBB2_10-.Ltmp4, $4  }
0x152: {  	v1 =	vmul.f32 v4, v2;
	[tilespmem:s12+$0x20] =	vst v3  }
0x153: {  	[tilespmem:s12+$0x0] =	vst v5  }
0x154: {  	s26 =	simm.s32 $0x3000;
	[tilespmem:s12+$0xFFFFFFD0] =	vst v1  }
0x155: {  	[spmem:s2] =	stream.indirect.scatter.add.f32 [tilespmem:s11], [sflag:$0x8], $0x80, s26, s31, $0xb8;
	[tilespmem:$0x1E500] =	vst v63  }
0x156: {  	s12 =	smul.u32 $0xF0, s9;
	_ =	sdelay $0x1  }
0x157: {  	s12 =	sadd.s32 s12, s19  }
0x158: {  	s13 =	sshrl.u32 s12, $0x3  }
0x159: {  	s12 =	simm.s32 $0x0;
	s16 =	sadd.s32 s4, s13  }
0x15a: {  	[tilespmem:s28], [sflag:$0x2] =	stream.linear.gather [hbm4b:s16+s12], $0x50, $0x38;
	[tilespmem:$0x1E500] =	vst v63  }
0x15b: {  	s13 =	sadd.s32 s6, s13  }
0x15c: {  	[tilespmem:s29], [sflag:$0x2] =	stream.linear.gather [hbm4b:s13+s12], $0x50, $0x38;
	[tilespmem:$0x1E500] =	vst v63  }
0x15d: {  	_ =	swait.ge [sflag:s30], $0x50  }
0x15e: {  	[sflag:s30] =	ssyncset.done $0x0  }
0x15f: {  	[sflag:s30] =	ssyncadd.s32 $0xFFFFFFB0  }
0x160: {  	_ =	swait.ge [sflag:s30], $0x50  }
0x161: {  	[sflag:s30] =	ssyncset.done $0x0  }
0x162: {  	[sflag:s30] =	ssyncadd.s32 $0xFFFFFFB0  }
0x163: {  	_ =	swait.ge [sflag:s3], $0x2800  }
0x164: {  	[sflag:s3] =	ssyncset.done $0x0  }
0x165: {  	[sflag:s3] =	ssyncadd.s32 $0xFFFFD800  }
0x166: {  	[tilespmem:s0], [sflag:$0x4] =	stream.indirect.gather [hbm4b:s1+s31], $0x80, s25, s31, $0xb8;
	[tilespmem:$0x1E500] =	vst v63  }
0x167: {  	s16 =	simm.s32 $0x2B00  }
0x168: {  	[tilespmem:s16], [sflag:$0x4] =	stream.indirect.gather [hbm4b:s7+s31], $0x1, s25, s31, $0xb8;
	[tilespmem:$0x1E500] =	vst v63  }
0x169: {  	s22 =	simm.s32 $0x2980;
	s26 =	simm.s32 $0x2C80  }
0x16a: {  	[tilespmem:s26], [sflag:$0x4] =	stream.indirect.gather [hbm4b:s8+s31], $0x1, s22, s31, $0xb8;
	[tilespmem:$0x1E500] =	vst v63  }
0x16b: {  	_ =	swait.ge [sflag:s23], $0x2800  }
0x16c: {  	[sflag:s23] =	ssyncset.done $0x0  }
0x16d: {  	[sflag:s23] =	ssyncadd.s32 $0xFFFFD800  }
0x16e: {  	_ =	swait.ge [sflag:s23], $0x50  }
0x16f: {  	[sflag:s23] =	ssyncset.done $0x0  }
0x170: {  	[sflag:s23] =	ssyncadd.s32 $0xFFFFFFB0  }
0x171: {  	_ =	swait.ge [sflag:s23], $0x50  }
0x172: {  	[sflag:s23] =	ssyncset.done $0x0  }
0x173: {  	[sflag:s23] =	ssyncadd.s32 $0xFFFFFFB0  }
0x174: {  	v1 =	vld [tilespmem:$0x2C00]  }
0x175: {  	v2 =	vld [tilespmem:$0x2D80];
	_ =	sdelay $0x4  }
0x176: {  	v1 =	vadd.f32 v2, v1;
	_ =	sdelay $0x1  }
0x177: {  	v2 =	vmul.f32 $2.000000030e-01, v1;
	_ =	sdelay $0x1  }
0x178: {  	v1 =	vmax.f32 v1, v2  }
0x179: {  	v1 =	vsub.f32 v1, v0;
	_ =	sdelay $0x1  }
0x17a: {  	v1 =	vmul.f32 $1.442695020e+00, v1;
	_ =	sdelay $0x1  }
0x17b: {  	(erf) = vpow2.f32 v1;
	_ =	sdelay $0x2  }
0x17c: {  	v1 =	vld [tilespmem:$0x2A80];
	_ =	sdelay $0x5  }
0x17d: {  	[tilespmem:$0x3080] =	vst v1;
	v2 =	vpop (erf)  }
0x17e: {  	[tilespmem:$0x2F00] =	vst v2  }
0x17f: {  	[tilespmem:v1+s24+$0x0] =	vst.idx.add.f32.msk $0xffff, v2  }
0x180: {  	v1 =	vld [tilespmem:$0x2C10]  }
0x181: {  	v2 =	vld [tilespmem:$0x2D90];
	_ =	sdelay $0x4  }
0x182: {  	v1 =	vadd.f32 v2, v1;
	_ =	sdelay $0x1  }
0x183: {  	v2 =	vmul.f32 $2.000000030e-01, v1;
	_ =	sdelay $0x1  }
0x184: {  	v1 =	vmax.f32 v1, v2  }
0x185: {  	v1 =	vsub.f32 v1, v0;
	_ =	sdelay $0x1  }
0x186: {  	v1 =	vmul.f32 $1.442695020e+00, v1;
	_ =	sdelay $0x1  }
0x187: {  	(erf) = vpow2.f32 v1;
	_ =	sdelay $0x2  }
0x188: {  	v1 =	vld [tilespmem:$0x2A90];
	_ =	sdelay $0x5  }
0x189: {  	[tilespmem:$0x3090] =	vst v1;
	v2 =	vpop (erf)  }
0x18a: {  	[tilespmem:$0x2F10] =	vst v2  }
0x18b: {  	[tilespmem:v1+s24+$0x0] =	vst.idx.add.f32.msk $0xffff, v2  }
0x18c: {  	v1 =	vld [tilespmem:$0x2C20]  }
0x18d: {  	v2 =	vld [tilespmem:$0x2DA0];
	_ =	sdelay $0x4  }
0x18e: {  	v1 =	vadd.f32 v2, v1;
	_ =	sdelay $0x1  }
0x18f: {  	v2 =	vmul.f32 $2.000000030e-01, v1;
	_ =	sdelay $0x1  }
0x190: {  	v1 =	vmax.f32 v1, v2  }
0x191: {  	v1 =	vsub.f32 v1, v0;
	_ =	sdelay $0x1  }
0x192: {  	v1 =	vmul.f32 $1.442695020e+00, v1;
	_ =	sdelay $0x1  }
0x193: {  	(erf) = vpow2.f32 v1;
	_ =	sdelay $0x2  }
0x194: {  	v1 =	vld [tilespmem:$0x2AA0];
	_ =	sdelay $0x5  }
0x195: {  	[tilespmem:$0x30A0] =	vst v1;
	v2 =	vpop (erf)  }
0x196: {  	[tilespmem:$0x2F20] =	vst v2  }
0x197: {  	[tilespmem:v1+s24+$0x0] =	vst.idx.add.f32.msk $0xffff, v2  }
0x198: {  	v1 =	vld [tilespmem:$0x2C30]  }
0x199: {  	v2 =	vld [tilespmem:$0x2DB0];
	_ =	sdelay $0x4  }
0x19a: {  	v1 =	vadd.f32 v2, v1;
	_ =	sdelay $0x1  }
0x19b: {  	v2 =	vmul.f32 $2.000000030e-01, v1;
	_ =	sdelay $0x1  }
0x19c: {  	v1 =	vmax.f32 v1, v2  }
0x19d: {  	v1 =	vsub.f32 v1, v0;
	_ =	sdelay $0x1  }
0x19e: {  	v1 =	vmul.f32 $1.442695020e+00, v1;
	_ =	sdelay $0x1  }
0x19f: {  	(erf) = vpow2.f32 v1;
	_ =	sdelay $0x2  }
0x1a0: {  	v1 =	vld [tilespmem:$0x2AB0];
	_ =	sdelay $0x5  }
0x1a1: {  	[tilespmem:$0x30B0] =	vst v1;
	v2 =	vpop (erf)  }
0x1a2: {  	[tilespmem:$0x2F30] =	vst v2  }
0x1a3: {  	[tilespmem:v1+s24+$0x0] =	vst.idx.add.f32.msk $0xffff, v2  }
0x1a4: {  	v1 =	vld [tilespmem:$0x2C40]  }
0x1a5: {  	v2 =	vld [tilespmem:$0x2DC0];
	_ =	sdelay $0x4  }
0x1a6: {  	v1 =	vadd.f32 v2, v1;
	_ =	sdelay $0x1  }
0x1a7: {  	v2 =	vmul.f32 $2.000000030e-01, v1;
	_ =	sdelay $0x1  }
0x1a8: {  	v1 =	vmax.f32 v1, v2  }
0x1a9: {  	v1 =	vsub.f32 v1, v0;
	_ =	sdelay $0x1  }
0x1aa: {  	v1 =	vmul.f32 $1.442695020e+00, v1;
	_ =	sdelay $0x1  }
0x1ab: {  	(erf) = vpow2.f32 v1;
	_ =	sdelay $0x2  }
0x1ac: {  	v1 =	vld [tilespmem:$0x2AC0];
	_ =	sdelay $0x5  }
0x1ad: {  	[tilespmem:$0x30C0] =	vst v1;
	v2 =	vpop (erf)  }
0x1ae: {  	v3 =	vmov s12;
	[tilespmem:$0x2F40] =	vst v2  }
0x1af: {  	s12 =	simm.s32 $0x8140;
	[tilespmem:v1+s24+$0x0] =	vst.idx.add.f32.msk $0xffff, v2  }
0x1b0: {  	v5 =	vld [tilespmem:s12+$0x30]  }
0x1b1: {  	v8 =	vld [tilespmem:s12+$0x10]  }
0x1b2: {  	v6 =	vld [tilespmem:s12+$0xFFFFFFC0]  }
0x1b3: {  	v2 =	vld.idx.msk [tilespmem:v3+s5+$0x0], $0xffff  }
0x1b4: {  	v10 =	vld [tilespmem:s12+$0xFFFFFFE0]  }
0x1b5: {  	v1 =	vld [tilespmem:s12+$0xFFFFFFF0]  }
0x1b6: {  	v3 =	vld [tilespmem:s12+$0x20]  }
0x1b7: {  	v4 =	vld [tilespmem:s12+$0xFFFFFFD0]  }
0x1b8: {  	v9 =	vmul.f32 v5, v2;
	v5 =	vld [tilespmem:s12+$0x0]  }
0x1b9: {  	v7 =	vmul.f32 v6, v2  }
0x1ba: {  	s13 =	simm.s32 $0x1;
	s16 =	simm.s32 $0x8140;
	v6 =	vmul.f32 v10, v2;
	v8 =	vmul.f32 v8, v2  }
.LBB2_8:
0x1bb: {  	p0 =	sne.s32 s13, $0x4F  }
0x1bc: {  	v4 =	vmul.f32 v4, v2;
	v3 =	vmul.f32 v3, v2;
	[tilespmem:s12+$0x30] =	vst v9;
	s16 =	sadd.s32 $0x80, s16;
	s22 =	smov.u32 s13;
	s13 =	sadd.s32 $0x1, s13  }
0x1bd: {  	[tilespmem:s12+$0xFFFFFFC0] =	vst v7;
	v7 =	vmul.f32 v1, v2;
	v2 =	vmul.f32 v5, v2  }
0x1be: {  	[tilespmem:s12+$0x10] =	vst v8  }
0x1bf: {  	v5 =	vmov s22;
	[tilespmem:s12+$0xFFFFFFE0] =	vst v6  }
0x1c0: {  	v1 =	vld [tilespmem:s16+$0xFFFFFFF0];
	[tilespmem:s12+$0xFFFFFFF0] =	vst v7  }
0x1c1: {  	v6 =	vld [tilespmem:s16+$0x30];
	[tilespmem:s12+$0x0] =	vst v2  }
0x1c2: {  	v8 =	vld [tilespmem:s16+$0x10];
	[tilespmem:s12+$0x20] =	vst v3  }
0x1c3: {  	v7 =	vld [tilespmem:s16+$0xFFFFFFC0];
	[tilespmem:s12+$0xFFFFFFD0] =	vst v4;
	s12 =	smov.u32 s16  }
0x1c4: {  	v2 =	vld.idx.msk [tilespmem:v5+s5+$0x0], $0xffff  }
0x1c5: {  	v10 =	vld [tilespmem:s16+$0xFFFFFFE0]  }
0x1c6: {  	v3 =	vld [tilespmem:s16+$0x20]  }
.Ltmp5:
0x1c7: {  	v4 =	vld [tilespmem:s16+$0xFFFFFFD0];
	(pc) =	sbr.rel @p0 .LBB2_8-.Ltmp5, $3  }
0x1c8: {  	v5 =	vld [tilespmem:s16+$0x0];
	_ =	sdelay $0x1  }
0x1c9: {  	v7 =	vmul.f32 v7, v2;
	v9 =	vmul.f32 v6, v2  }
0x1ca: {  	v8 =	vmul.f32 v8, v2;
	v6 =	vmul.f32 v10, v2  }
0x1cb: {  	[tilespmem:s12+$0x30] =	vst v9  }
0x1cc: {  	[tilespmem:s12+$0xFFFFFFC0] =	vst v7  }
0x1cd: {  	v1 =	vmul.f32 v1, v2;
	[tilespmem:s12+$0x10] =	vst v8  }
0x1ce: {  	v3 =	vmul.f32 v3, v2;
	[tilespmem:s12+$0xFFFFFFE0] =	vst v6  }
.Ltmp6:
0x1cf: {  	v5 =	vmul.f32 v5, v2;
	[tilespmem:s12+$0xFFFFFFF0] =	vst v1;
	(pc) =	sbr.rel .LBB2_2-.Ltmp6, $4  }
0x1d0: {  	v1 =	vmul.f32 v4, v2;
	[tilespmem:s12+$0x20] =	vst v3  }
0x1d1: {  	[tilespmem:s12+$0x0] =	vst v5  }
0x1d2: {  	s26 =	simm.s32 $0x3080;
	s13 =	simm.s32 $0x8100;
	s9 =	sadd.s32 $0x1, s9;
	[tilespmem:s12+$0xFFFFFFD0] =	vst v1  }
0x1d3: {  	[spmem:s2] =	stream.indirect.scatter.add.f32 [tilespmem:s13], [sflag:$0x9], $0x80, s26, s31, $0xb8;
	[tilespmem:$0x1E500] =	vst v63  }
.LBB2_11:
0x1d4: {  	_ =	sfence.sel $0x180000  }
0x1d5: {  	[bflag:$0x0] =	sbarrier.arrive $0xFFFF  }
0x1d6: {  	_ =	strace $0x90000047  }
0x1d7: {  	s0 =	stileid.u32;
	[bflag:$0x2] =	sbarrier.arrive $0xFFFF  }
0x1d8: {  	p0 =	sne.s32 s0, $0x0;
	s0 =	rddreg [dreg:$0x3]  }
0x1d9: {  	s0 =	sadd.s32 @!p0 $0x100000, s0  }
0x1da: {  	[sflag:s0] =	ssyncadd.tile.s32 @!p0 $0x1;
	_ =	shalt  }
.Lfunc_end2:
_tile_overlayer_lowered:
.L_overlay_start_2:
0x1db: {  	(tag) =	ssettag $0x2  }
0x1dc: {  	s0 =	rddreg [dreg:$0x0];
	s2 =	stileid.u32  }
0x1dd: {  	s1 =	rddreg [dreg:$0x1];
	p0 =	sne.s32 s2, $0x0  }
0x1de: {  	s3 =	rddreg [dreg:$0x2];
	[bflag:$0x3] =	sbarrier.arrive $0xFFFF;
	s2 =	simm.s32 @!p0 $0x1C0A  }
0x1df: {  	[timem:s3], [sflag:s2] =	dma.local @!p0 [hbm:s0], s1  }
0x1e0: {  	s0 =	simm.s32 @!p0 $0xA  }
0x1e1: {  	_ =	swait.ge @!p0 [sflag:s0], s1  }
0x1e2: {  	s1 =	ssub.s32 @!p0 $0x0, s1;
	[sflag:s0] =	ssyncset.done @!p0 $0x0  }
0x1e3: {  	[sflag:s0] =	ssyncadd.s32 @!p0 s1  }
0x1e4: {  	[bflag:$0x3] =	sbarrier.arrive $0xFFFF  }
0x1e5: {  	_ =	shalt  }

</sc_bundles>
